<compile_context>
chip_gen: v7x
topology: tpu7x:2x2x1
jax: 0.10.2.dev20260603
libtpu: 0.0.44.dev20260713+nightly
codegen_flags: <defaults>
</compile_context>

<pallas_src>
import functools

import jax
import jax.numpy as jnp
from jax import lax
from jax.experimental import pallas as pl
from jax.experimental.pallas import tpu as pltpu
from jax.experimental.pallas import tpu_sc as plsc

D = 256
HALF = 128
N_NODES = 10000
N_EDGES = 160000
N_GRAPHS = 64

NS = 16
E_PER_SUB = N_EDGES // NS
E_CHUNK = 40
N_CHUNKS = E_PER_SUB // E_CHUNK
NBUF_G = 4
NBUF_E = 3
ROWS_PER_SUB = 640
ACC_ROWS = ROWS_PER_SUB * NS
LANE = 16
ROW_CHUNK = 40


def _sc_aggregate(node_lo, node_hi, edge_feats, src_r, dst_r):
    mesh = plsc.VectorSubcoreMesh(core_axis_name="c", subcore_axis_name="s")

    @functools.partial(
        pl.kernel,
        out_type=(
            jax.ShapeDtypeStruct((N_NODES, HALF), jnp.float32),
            jax.ShapeDtypeStruct((N_NODES, HALF), jnp.float32),
        ),
        mesh=mesh,
        scratch_types=[
            pltpu.VMEM_SHARED((ACC_ROWS, HALF), jnp.float32),
            pltpu.VMEM((E_PER_SUB,), jnp.int32),
            pltpu.VMEM((NBUF_G, E_CHUNK), jnp.int32),
            pltpu.VMEM((NBUF_E, E_CHUNK, HALF), jnp.float32),
            pltpu.VMEM((NBUF_G, E_CHUNK, HALF), jnp.float32),
            pltpu.SemaphoreType.DMA((NBUF_E,)),
            pltpu.SemaphoreType.DMA((NBUF_G,)),
            pltpu.SemaphoreType.DMA((NBUF_G,)),
            pltpu.SemaphoreType.DMA((NBUF_G,)),
            pltpu.SemaphoreType.DMA,
        ],
    )
    def sc_kernel(nlo, nhi, ef, src_hbm, dst_hbm, out_lo, out_hi, acc, sidx,
                  didx, ebuf, gbuf, sem_e, sem_g, sem_s, sem_d, sem_si):
        c = lax.axis_index("c")
        s = lax.axis_index("s")
        base_row = s * ROWS_PER_SUB
        ebase = s * E_PER_SUB
        coff = c * HALF

        def edge_copy(j, be):
            return pltpu.make_async_copy(
                ef.at[pl.ds(ebase + j * E_CHUNK, E_CHUNK),
                      pl.ds(coff, HALF)],
                ebuf.at[be], sem_e.at[be])

        def didx_copy(j, bg):
            return pltpu.make_async_copy(dst_hbm.at[s, j], didx.at[bg],
                                         sem_d.at[bg])

        def gather_copy_lo(j, bg):
            return pltpu.make_async_copy(
                nlo.at[sidx.at[pl.ds(j * E_CHUNK, E_CHUNK)]], gbuf.at[bg],
                sem_g.at[bg])

        def gather_copy_hi(j, bg):
            return pltpu.make_async_copy(
                nhi.at[sidx.at[pl.ds(j * E_CHUNK, E_CHUNK)]], gbuf.at[bg],
                sem_g.at[bg])

        def scatter_copy(bg):
            return pltpu.make_async_copy(gbuf.at[bg], acc.at[didx.at[bg]],
                                         sem_s.at[bg])

        def start_gather(j, bg):
            @pl.when(c == 0)
            def _():
                gather_copy_lo(j, bg).start()

            @pl.when(c != 0)
            def _():
                gather_copy_hi(j, bg).start()

        def stage_in(j, be, bg):
            didx_copy(j, bg).start()
            edge_copy(j, be).start()
            start_gather(j, bg)

        pltpu.make_async_copy(src_hbm.at[s], sidx, sem_si).start()
        didx_copy(0, 0).start()
        edge_copy(0, 0).start()
        didx_copy(1, 1).start()
        edge_copy(1, 1).start()

        zeros = jnp.zeros((LANE,), jnp.float32)

        @plsc.parallel_loop(0, ROW_CHUNK, 1, unroll=4)
        def zero_row(r):
            for kk in range(HALF // LANE):
                gbuf[0, r, pl.ds(kk * LANE, LANE)] = zeros
        for i in range(ROWS_PER_SUB // ROW_CHUNK):
            pltpu.async_copy(gbuf.at[0, pl.ds(0, ROW_CHUNK)],
                             acc.at[pl.ds(base_row + i * ROW_CHUNK,
                                          ROW_CHUNK)],
                             sem_g.at[0])

        pltpu.make_async_copy(src_hbm.at[s], sidx, sem_si).wait()
        start_gather(1, 1)
        for i in range(ROWS_PER_SUB // ROW_CHUNK):
            pltpu.make_async_copy(gbuf.at[0, pl.ds(0, ROW_CHUNK)],
                                  acc.at[pl.ds(base_row, ROW_CHUNK)],
                                  sem_g.at[0]).wait()
        start_gather(0, 0)
        plsc.subcore_barrier()

        def body(j, carry):
            be = lax.rem(j, NBUF_E)
            bg = lax.rem(j, NBUF_G)
            jn = j + 2

            @pl.when(jn < N_CHUNKS)
            def _():
                bng = lax.rem(jn, NBUF_G)

                @pl.when(j >= 2)
                def _():
                    scatter_copy(bng).wait()

                stage_in(jn, lax.rem(jn, NBUF_E), bng)

            didx_copy(j, bg).wait()
            edge_copy(j, be).wait()

            @pl.when(c == 0)
            def _():
                gather_copy_lo(j, bg).wait()

            @pl.when(c != 0)
            def _():
                gather_copy_hi(j, bg).wait()

            @plsc.parallel_loop(0, E_CHUNK, 1, unroll=8)
            def relu_row(r):
                for kk in range(HALF // LANE):
                    sl = pl.ds(kk * LANE, LANE)
                    gbuf[bg, r, sl] = jnp.maximum(
                        gbuf[bg, r, sl] + ebuf[be, r, sl], 0.0)
            pltpu.async_copy(gbuf.at[bg], acc.at[didx.at[bg]],
                             sem_s.at[bg], add=True)
            return carry

        lax.fori_loop(0, N_CHUNKS, body, 0)
        for k in range(NBUF_G):
            scatter_copy(k).wait()
        plsc.subcore_barrier()

        last_rows = N_NODES - (NS - 1) * ROWS_PER_SUB

        def copy_out(out_ref):
            @pl.when(s < NS - 1)
            def _():
                pltpu.sync_copy(acc.at[pl.ds(base_row, ROWS_PER_SUB)],
                                out_ref.at[pl.ds(base_row, ROWS_PER_SUB)])

            @pl.when(s == NS - 1)
            def _():
                pltpu.sync_copy(acc.at[pl.ds(base_row, last_rows)],
                                out_ref.at[pl.ds(base_row, last_rows)])

        @pl.when(c == 0)
        def _():
            copy_out(out_lo)

        @pl.when(c != 0)
        def _():
            copy_out(out_hi)

    return sc_kernel(node_lo, node_hi, edge_feats, src_r, dst_r)


ROW_BLK = 1000


def _tc_block(node_ref, alo_ref, ahi_ref, w1_ref, b1_ref, w2_ref, b2_ref,
              g_ref, bt_ref, ids_full_ref, ids_blk_ref, out_ref, inv_ref):
    gids = lax.broadcasted_iota(jnp.int32, (1, N_GRAPHS), 1)

    @pl.when(pl.program_id(0) == 0)
    def _():
        counts = jnp.sum((ids_full_ref[...] == gids).astype(jnp.float32),
                         axis=0, keepdims=True)
        inv_ref[0:1, 0:N_GRAPHS] = lax.rsqrt(jnp.maximum(counts, 1.0))

    x = node_ref[...]
    agg = jnp.concatenate([alo_ref[...], ahi_ref[...]], axis=1)
    h = x + agg
    h = jnp.dot(h, w1_ref[...], preferred_element_type=jnp.float32)
    h = h + b1_ref[...]
    h = jnp.where(h > 0, h, 0.2 * h)
    h = jnp.dot(h, w2_ref[...], preferred_element_type=jnp.float32)
    h = h + b2_ref[...]
    mean = jnp.mean(h, axis=-1, keepdims=True)
    var = jnp.mean((h - mean) ** 2, axis=-1, keepdims=True)
    h = (h - mean) * lax.rsqrt(var + 1e-5)
    h = h * g_ref[...] + bt_ref[...]
    inv = inv_ref[0:1, 0:N_GRAPHS]
    oh = (ids_blk_ref[...] == gids).astype(jnp.float32)
    scale = jnp.sum(oh * inv, axis=1, keepdims=True)
    h = h * scale
    h = jnp.where(h > 0, h, 0.2 * h)
    out_ref[...] = h + x


def _tc_post(node_feats, agg_lo, agg_hi, W1, b1, W2, b2, ln_gamma, ln_beta,
             node_graph_ids):
    ids2d = node_graph_ids.reshape(N_NODES, 1)
    grid = N_NODES // ROW_BLK
    return pl.pallas_call(
        _tc_block,
        grid=(grid,),
        in_specs=[
            pl.BlockSpec((ROW_BLK, D), lambda i: (i, 0)),
            pl.BlockSpec((ROW_BLK, HALF), lambda i: (i, 0)),
            pl.BlockSpec((ROW_BLK, HALF), lambda i: (i, 0)),
            pl.BlockSpec((D, 2 * D), lambda i: (0, 0)),
            pl.BlockSpec((1, 2 * D), lambda i: (0, 0)),
            pl.BlockSpec((2 * D, D), lambda i: (0, 0)),
            pl.BlockSpec((1, D), lambda i: (0, 0)),
            pl.BlockSpec((1, D), lambda i: (0, 0)),
            pl.BlockSpec((1, D), lambda i: (0, 0)),
            pl.BlockSpec((N_NODES, 1), lambda i: (0, 0)),
            pl.BlockSpec((ROW_BLK, 1), lambda i: (i, 0)),
        ],
        out_specs=pl.BlockSpec((ROW_BLK, D), lambda i: (i, 0)),
        out_shape=jax.ShapeDtypeStruct((N_NODES, D), jnp.float32),
        scratch_shapes=[pltpu.VMEM((8, 128), jnp.float32)],
    )(node_feats, agg_lo, agg_hi, W1, b1.reshape(1, -1), W2,
      b2.reshape(1, -1), ln_gamma.reshape(1, -1), ln_beta.reshape(1, -1),
      ids2d, ids2d)


def kernel(node_feats, edge_feats, W1, b1, W2, b2, ln_gamma, ln_beta,
           edge_index, node_graph_ids):
    node_lo = lax.slice(node_feats, (0, 0), (N_NODES, HALF))
    node_hi = lax.slice(node_feats, (0, HALF), (N_NODES, D))
    src_r = edge_index[0].reshape(NS, E_PER_SUB)
    dst_r = edge_index[1].reshape(NS, N_CHUNKS, E_CHUNK)
    agg_lo, agg_hi = _sc_aggregate(node_lo, node_hi, edge_feats, src_r,
                                   dst_r)
    return _tc_post(node_feats, agg_lo, agg_hi, W1, b1, W2, b2, ln_gamma,
                    ln_beta, node_graph_ids)

# --- scband reference (transcript-rebuilt; emitter-appended) ---
"""Pipeline reference for scband-geo-gnnblock-80685255622658 (READ-ONLY COPY).

The authoritative reference and input builder live on the scoring server;
editing this copy changes nothing except your own understanding.
"""

import jax, jax.numpy as jnp
import numpy as np

EMBED_DIM = 256
N_NODES = 10000
N_EDGES = 160000
N_GRAPHS = 64


def setup_inputs(seed: int = 0) -> dict:
    key = jax.random.key(seed)
    ks = jax.random.split(key, 10)
    node_feats = jax.random.normal(ks[0], (N_NODES, EMBED_DIM), dtype=jnp.float32)
    edge_index = jax.random.randint(ks[1], (2, N_EDGES), 0, N_NODES, dtype=jnp.int32)
    edge_feats = jax.random.normal(ks[2], (N_EDGES, EMBED_DIM), dtype=jnp.float32)
    node_graph_ids = jnp.sort(jax.random.randint(ks[3], (N_NODES,), 0, N_GRAPHS, dtype=jnp.int32))
    # GINEConv apply_func: Linear(d, 2d) -> LeakyReLU(0.2) -> Linear(2d, d)
    W1 = jax.random.normal(ks[4], (EMBED_DIM, 2 * EMBED_DIM), dtype=jnp.float32) * (1.0 / np.sqrt(EMBED_DIM))
    b1 = jnp.zeros((2 * EMBED_DIM,), dtype=jnp.float32)
    W2 = jax.random.normal(ks[5], (2 * EMBED_DIM, EMBED_DIM), dtype=jnp.float32) * (1.0 / np.sqrt(2 * EMBED_DIM))
    b2 = jnp.zeros((EMBED_DIM,), dtype=jnp.float32)
    ln_gamma = jnp.ones((EMBED_DIM,), dtype=jnp.float32)
    ln_beta = jnp.zeros((EMBED_DIM,), dtype=jnp.float32)
    return {
        "node_feats": node_feats,
        "edge_feats": edge_feats,
        "W1": W1,
        "b1": b1,
        "W2": W2,
        "b2": b2,
        "ln_gamma": ln_gamma,
        "ln_beta": ln_beta,
        "edge_index": edge_index,
        "node_graph_ids": node_graph_ids,
    }


def reference(node_feats, edge_feats, W1, b1, W2, b2, ln_gamma, ln_beta, edge_index, node_graph_ids):
    src = edge_index[0]
    dst = edge_index[1]
    # --- GINEConv (eps = 0, not learned) ---
    # message: ReLU(x_src + edge_attr), aggregated by sum at dst
    msg = jax.nn.relu(jnp.take(node_feats, src, axis=0) + edge_feats)
    agg = jax.ops.segment_sum(msg, dst, num_segments=N_NODES)
    h = (1.0 + 0.0) * node_feats + agg
    # apply_func MLP
    h = h @ W1 + b1
    h = jax.nn.leaky_relu(h, negative_slope=0.2)
    h = h @ W2 + b2
    # --- LayerNorm ---
    mean = jnp.mean(h, axis=-1, keepdims=True)
    var = jnp.var(h, axis=-1, keepdims=True)
    h = (h - mean) / jnp.sqrt(var + 1e-5)
    h = h * ln_gamma + ln_beta
    # --- GraphNorm: divide each node feature by sqrt(num nodes in its graph) ---
    ones = jnp.ones((N_NODES,), dtype=jnp.float32)
    counts = jax.ops.segment_sum(ones, node_graph_ids, num_segments=N_GRAPHS)
    denom = jnp.sqrt(counts)[node_graph_ids][:, None]
    h = h / denom
    # --- activation + dropout(eval=identity) + residual ---
    h = jax.nn.leaky_relu(h, negative_slope=0.2)
    return h + node_feats

if __name__ == "__main__":
    import jax
    _d = setup_inputs()
    print(jax.jit(kernel)(*tuple(_d.values())))

</pallas_src>

<mosaic_0001>
#map = affine_map<(d0, d1) -> (0, 0)>
#map1 = affine_map<(d0, d1) -> (0, 0, 0)>
module attributes {stable_mosaic.version = 14 : i64} {
  func.func @sc_kernel(%arg0: i32, %arg1: i32, %arg2: memref<10000x128xf32, #tpu.memory_space<hbm>>, %arg3: memref<10000x128xf32, #tpu.memory_space<hbm>>, %arg4: memref<160000x256xf32, #tpu.memory_space<hbm>>, %arg5: memref<16x10000xi32, #tpu.memory_space<hbm>>, %arg6: memref<16x250x40xi32, #tpu.memory_space<hbm>>, %arg7: memref<10000x128xf32, #tpu.memory_space<hbm>>, %arg8: memref<10000x128xf32, #tpu.memory_space<hbm>>, %arg9: memref<10240x128xf32, #tpu.memory_space<vmem_shared>>, %arg10: memref<10000xi32, #tpu.memory_space<vmem>>, %arg11: memref<4x40xi32, #tpu.memory_space<vmem>>, %arg12: memref<3x40x128xf32, #tpu.memory_space<vmem>>, %arg13: memref<4x40x128xf32, #tpu.memory_space<vmem>>, %arg14: memref<3x!tpu.dma_semaphore, #tpu.memory_space<semaphore_mem>>, %arg15: memref<4x!tpu.dma_semaphore, #tpu.memory_space<semaphore_mem>>, %arg16: memref<4x!tpu.dma_semaphore, #tpu.memory_space<semaphore_mem>>, %arg17: memref<4x!tpu.dma_semaphore, #tpu.memory_space<semaphore_mem>>, %arg18: memref<!tpu.dma_semaphore, #tpu.memory_space<semaphore_mem>>) attributes {dimension_semantics = [#tpu.dimension_semantics<core_parallel>, #tpu.dimension_semantics<subcore_parallel>], iteration_bounds = array<i64: 2, 16>, scalar_prefetch = 0 : i64, scratch_operands = 10 : i64, tpu.core_type = #tpu.core_type<sc_vector_subcore>, window_params = [{transform_indices = #map}, {transform_indices = #map}, {transform_indices = #map}, {transform_indices = #map}, {transform_indices = #map1}, {transform_indices = #map}, {transform_indices = #map}]} {
    %mul3A = arith.constant 640 : i32
    %mul3A_0 = arith.muli %arg1, %mul3A : i32
    %mul3A_1 = arith.constant 10000 : i32
    %mul3A_2 = arith.muli %arg1, %mul3A_1 : i32
    %mul3A_3 = arith.constant 128 : i32
    %mul3A_4 = arith.muli %arg0, %mul3A_3 : i32
    %dma_start3A = arith.constant 0 : i32
    %dma_start3A_5 = tpu.memref_slice %arg5[%arg1, %dma_start3A] : memref<16x10000xi32, #tpu.memory_space<hbm>> -> memref<1x10000xi32, #tpu.memory_space<hbm>>
    %dma_start3A_6 = tpu.memref_squeeze %dma_start3A_5 : memref<1x10000xi32, #tpu.memory_space<hbm>> -> memref<10000xi32, #tpu.memory_space<hbm>>
    %dma_start3A_7 = arith.constant 0 : i32
    %dma_start3A_8 = tpu.memref_slice %arg5[%arg1, %dma_start3A_7] : memref<16x10000xi32, #tpu.memory_space<hbm>> -> memref<1x10000xi32, #tpu.memory_space<hbm>>
    %dma_start3A_9 = tpu.memref_squeeze %dma_start3A_8 : memref<1x10000xi32, #tpu.memory_space<hbm>> -> memref<10000xi32, #tpu.memory_space<hbm>>
    tpu.enqueue_dma source(%dma_start3A_9 : memref<10000xi32, #tpu.memory_space<hbm>>) target(%arg10 : memref<10000xi32, #tpu.memory_space<vmem>>) target_semaphore(%arg18 : memref<!tpu.dma_semaphore, #tpu.memory_space<semaphore_mem>>)
    %dma_start3A_10 = arith.constant 0 : i32
    %dma_start3A_11 = arith.constant 0 : i32
    %dma_start3A_12 = arith.constant 0 : i32
    %dma_start3A_13 = arith.constant 0 : i32
    %dma_start3A_14 = tpu.memref_slice %arg11[%dma_start3A_11, %dma_start3A_13] : memref<4x40xi32, #tpu.memory_space<vmem>> -> memref<1x40xi32, #tpu.memory_space<vmem>>
    %dma_start3A_15 = tpu.memref_squeeze %dma_start3A_14 : memref<1x40xi32, #tpu.memory_space<vmem>> -> memref<40xi32, #tpu.memory_space<vmem>>
    %dma_start3A_16 = arith.constant 0 : i32
    %dma_start3A_17 = tpu.memref_slice %arg6[%arg1, %dma_start3A_10, %dma_start3A_16] : memref<16x250x40xi32, #tpu.memory_space<hbm>> -> memref<1x1x40xi32, #tpu.memory_space<hbm>>
    %dma_start3A_18 = tpu.memref_squeeze %dma_start3A_17 : memref<1x1x40xi32, #tpu.memory_space<hbm>> -> memref<40xi32, #tpu.memory_space<hbm>>
    %dma_start3A_19 = tpu.memref_slice %arg17[%dma_start3A_12] : memref<4x!tpu.dma_semaphore, #tpu.memory_space<semaphore_mem>> -> memref<1x!tpu.dma_semaphore, #tpu.memory_space<semaphore_mem>>
    %dma_start3A_20 = tpu.memref_squeeze %dma_start3A_19 : memref<1x!tpu.dma_semaphore, #tpu.memory_space<semaphore_mem>> -> memref<!tpu.dma_semaphore, #tpu.memory_space<semaphore_mem>>
    %dma_start3A_21 = arith.constant 0 : i32
    %dma_start3A_22 = tpu.memref_slice %arg11[%dma_start3A_11, %dma_start3A_21] : memref<4x40xi32, #tpu.memory_space<vmem>> -> memref<1x40xi32, #tpu.memory_space<vmem>>
    %dma_start3A_23 = tpu.memref_squeeze %dma_start3A_22 : memref<1x40xi32, #tpu.memory_space<vmem>> -> memref<40xi32, #tpu.memory_space<vmem>>
    %dma_start3A_24 = arith.constant 0 : i32
    %dma_start3A_25 = tpu.memref_slice %arg6[%arg1, %dma_start3A_10, %dma_start3A_24] : memref<16x250x40xi32, #tpu.memory_space<hbm>> -> memref<1x1x40xi32, #tpu.memory_space<hbm>>
    %dma_start3A_26 = tpu.memref_squeeze %dma_start3A_25 : memref<1x1x40xi32, #tpu.memory_space<hbm>> -> memref<40xi32, #tpu.memory_space<hbm>>
    tpu.enqueue_dma source(%dma_start3A_26 : memref<40xi32, #tpu.memory_space<hbm>>) target(%dma_start3A_23 : memref<40xi32, #tpu.memory_space<vmem>>) target_semaphore(%dma_start3A_20 : memref<!tpu.dma_semaphore, #tpu.memory_space<semaphore_mem>>)
    %add3A = arith.constant 0 : i32
    %add3A_27 = arith.addi %mul3A_2, %add3A : i32
    %dma_start3A_28 = arith.constant 0 : i32
    %dma_start3A_29 = arith.constant 0 : i32
    %dma_start3A_30 = arith.constant 0 : i32
    %dma_start3A_31 = arith.constant 0 : i32
    %dma_start3A_32 = tpu.memref_slice %arg12[%dma_start3A_28, %dma_start3A_30, %dma_start3A_31] : memref<3x40x128xf32, #tpu.memory_space<vmem>> -> memref<1x40x128xf32, #tpu.memory_space<vmem>>
    %dma_start3A_33 = tpu.memref_squeeze %dma_start3A_32 : memref<1x40x128xf32, #tpu.memory_space<vmem>> -> memref<40x128xf32, #tpu.memory_space<vmem>>
    %dma_start3A_34 = tpu.memref_slice %arg4[%add3A_27, %mul3A_4] : memref<160000x256xf32, #tpu.memory_space<hbm>> -> memref<40x128xf32, #tpu.memory_space<hbm>>
    %dma_start3A_35 = tpu.memref_slice %arg14[%dma_start3A_29] : memref<3x!tpu.dma_semaphore, #tpu.memory_space<semaphore_mem>> -> memref<1x!tpu.dma_semaphore, #tpu.memory_space<semaphore_mem>>
    %dma_start3A_36 = tpu.memref_squeeze %dma_start3A_35 : memref<1x!tpu.dma_semaphore, #tpu.memory_space<semaphore_mem>> -> memref<!tpu.dma_semaphore, #tpu.memory_space<semaphore_mem>>
    %dma_start3A_37 = arith.constant 0 : i32
    %dma_start3A_38 = arith.constant 0 : i32
    %dma_start3A_39 = tpu.memref_slice %arg12[%dma_start3A_28, %dma_start3A_37, %dma_start3A_38] : memref<3x40x128xf32, #tpu.memory_space<vmem>> -> memref<1x40x128xf32, #tpu.memory_space<vmem>>
    %dma_start3A_40 = tpu.memref_squeeze %dma_start3A_39 : memref<1x40x128xf32, #tpu.memory_space<vmem>> -> memref<40x128xf32, #tpu.memory_space<vmem>>
    %dma_start3A_41 = tpu.memref_slice %arg4[%add3A_27, %mul3A_4] : memref<160000x256xf32, #tpu.memory_space<hbm>> -> memref<40x128xf32, #tpu.memory_space<hbm>>
    tpu.enqueue_dma source(%dma_start3A_41 : memref<40x128xf32, #tpu.memory_space<hbm>>) target(%dma_start3A_40 : memref<40x128xf32, #tpu.memory_space<vmem>>) target_semaphore(%dma_start3A_36 : memref<!tpu.dma_semaphore, #tpu.memory_space<semaphore_mem>>)
    %dma_start3A_42 = arith.constant 1 : i32
    %dma_start3A_43 = arith.constant 1 : i32
    %dma_start3A_44 = arith.constant 1 : i32
    %dma_start3A_45 = arith.constant 0 : i32
    %dma_start3A_46 = tpu.memref_slice %arg11[%dma_start3A_43, %dma_start3A_45] : memref<4x40xi32, #tpu.memory_space<vmem>> -> memref<1x40xi32, #tpu.memory_space<vmem>>
    %dma_start3A_47 = tpu.memref_squeeze %dma_start3A_46 : memref<1x40xi32, #tpu.memory_space<vmem>> -> memref<40xi32, #tpu.memory_space<vmem>>
    %dma_start3A_48 = arith.constant 0 : i32
    %dma_start3A_49 = tpu.memref_slice %arg6[%arg1, %dma_start3A_42, %dma_start3A_48] : memref<16x250x40xi32, #tpu.memory_space<hbm>> -> memref<1x1x40xi32, #tpu.memory_space<hbm>>
    %dma_start3A_50 = tpu.memref_squeeze %dma_start3A_49 : memref<1x1x40xi32, #tpu.memory_space<hbm>> -> memref<40xi32, #tpu.memory_space<hbm>>
    %dma_start3A_51 = tpu.memref_slice %arg17[%dma_start3A_44] : memref<4x!tpu.dma_semaphore, #tpu.memory_space<semaphore_mem>> -> memref<1x!tpu.dma_semaphore, #tpu.memory_space<semaphore_mem>>
    %dma_start3A_52 = tpu.memref_squeeze %dma_start3A_51 : memref<1x!tpu.dma_semaphore, #tpu.memory_space<semaphore_mem>> -> memref<!tpu.dma_semaphore, #tpu.memory_space<semaphore_mem>>
    %dma_start3A_53 = arith.constant 0 : i32
    %dma_start3A_54 = tpu.memref_slice %arg11[%dma_start3A_43, %dma_start3A_53] : memref<4x40xi32, #tpu.memory_space<vmem>> -> memref<1x40xi32, #tpu.memory_space<vmem>>
    %dma_start3A_55 = tpu.memref_squeeze %dma_start3A_54 : memref<1x40xi32, #tpu.memory_space<vmem>> -> memref<40xi32, #tpu.memory_space<vmem>>
    %dma_start3A_56 = arith.constant 0 : i32
    %dma_start3A_57 = tpu.memref_slice %arg6[%arg1, %dma_start3A_42, %dma_start3A_56] : memref<16x250x40xi32, #tpu.memory_space<hbm>> -> memref<1x1x40xi32, #tpu.memory_space<hbm>>
    %dma_start3A_58 = tpu.memref_squeeze %dma_start3A_57 : memref<1x1x40xi32, #tpu.memory_space<hbm>> -> memref<40xi32, #tpu.memory_space<hbm>>
    tpu.enqueue_dma source(%dma_start3A_58 : memref<40xi32, #tpu.memory_space<hbm>>) target(%dma_start3A_55 : memref<40xi32, #tpu.memory_space<vmem>>) target_semaphore(%dma_start3A_52 : memref<!tpu.dma_semaphore, #tpu.memory_space<semaphore_mem>>)
    %add3A_59 = arith.constant 40 : i32
    %add3A_60 = arith.addi %mul3A_2, %add3A_59 : i32
    %dma_start3A_61 = arith.constant 1 : i32
    %dma_start3A_62 = arith.constant 1 : i32
    %dma_start3A_63 = arith.constant 0 : i32
    %dma_start3A_64 = arith.constant 0 : i32
    %dma_start3A_65 = tpu.memref_slice %arg12[%dma_start3A_61, %dma_start3A_63, %dma_start3A_64] : memref<3x40x128xf32, #tpu.memory_space<vmem>> -> memref<1x40x128xf32, #tpu.memory_space<vmem>>
    %dma_start3A_66 = tpu.memref_squeeze %dma_start3A_65 : memref<1x40x128xf32, #tpu.memory_space<vmem>> -> memref<40x128xf32, #tpu.memory_space<vmem>>
    %dma_start3A_67 = tpu.memref_slice %arg4[%add3A_60, %mul3A_4] : memref<160000x256xf32, #tpu.memory_space<hbm>> -> memref<40x128xf32, #tpu.memory_space<hbm>>
    %dma_start3A_68 = tpu.memref_slice %arg14[%dma_start3A_62] : memref<3x!tpu.dma_semaphore, #tpu.memory_space<semaphore_mem>> -> memref<1x!tpu.dma_semaphore, #tpu.memory_space<semaphore_mem>>
    %dma_start3A_69 = tpu.memref_squeeze %dma_start3A_68 : memref<1x!tpu.dma_semaphore, #tpu.memory_space<semaphore_mem>> -> memref<!tpu.dma_semaphore, #tpu.memory_space<semaphore_mem>>
    %dma_start3A_70 = arith.constant 0 : i32
    %dma_start3A_71 = arith.constant 0 : i32
    %dma_start3A_72 = tpu.memref_slice %arg12[%dma_start3A_61, %dma_start3A_70, %dma_start3A_71] : memref<3x40x128xf32, #tpu.memory_space<vmem>> -> memref<1x40x128xf32, #tpu.memory_space<vmem>>
    %dma_start3A_73 = tpu.memref_squeeze %dma_start3A_72 : memref<1x40x128xf32, #tpu.memory_space<vmem>> -> memref<40x128xf32, #tpu.memory_space<vmem>>
    %dma_start3A_74 = tpu.memref_slice %arg4[%add3A_60, %mul3A_4] : memref<160000x256xf32, #tpu.memory_space<hbm>> -> memref<40x128xf32, #tpu.memory_space<hbm>>
    tpu.enqueue_dma source(%dma_start3A_74 : memref<40x128xf32, #tpu.memory_space<hbm>>) target(%dma_start3A_73 : memref<40x128xf32, #tpu.memory_space<vmem>>) target_semaphore(%dma_start3A_69 : memref<!tpu.dma_semaphore, #tpu.memory_space<semaphore_mem>>)
    %broadcast_in_dim3A = arith.constant 0.000000e+00 : f32
    %broadcast_in_dim3A_75 = vector.broadcast %broadcast_in_dim3A : f32 to vector<16xf32>
    %parallel_loop3A = arith.constant 0 : i32
    %parallel_loop3A_76 = arith.constant 40 : i32
    %parallel_loop3A_77 = arith.constant 1 : i32
    scf.for %parallel_loop3A_719 = %parallel_loop3A to %parallel_loop3A_76 step %parallel_loop3A_77  : i32 {
      %parallel_loop3A_720 = arith.constant 0 : i32
      %parallel_loop3A_721 = arith.index_cast %parallel_loop3A_720 : i32 to index
      %parallel_loop3A_722 = arith.index_cast %parallel_loop3A_719 : i32 to index
      %parallel_loop3A_723 = arith.constant 0 : index
      %parallel_loop3A_724 = tpu.vector_load %arg13[%parallel_loop3A_721, %parallel_loop3A_722, %parallel_loop3A_723] {strides = array<i32>} : memref<4x40x128xf32, #tpu.memory_space<vmem>>, vector<1x1x16xf32>,
      %parallel_loop3A_725 = vector.shape_cast %parallel_loop3A_724 : vector<1x1x16xf32> to vector<16xf32>
      %parallel_loop3A_726 = vector.shape_cast %broadcast_in_dim3A_75 : vector<16xf32> to vector<1x1x16xf32>
      tpu.vector_store %arg13[%parallel_loop3A_721, %parallel_loop3A_722, %parallel_loop3A_723], %parallel_loop3A_726 {strides = array<i32>} : memref<4x40x128xf32, #tpu.memory_space<vmem>>, vector<1x1x16xf32>,
      %parallel_loop3A_727 = arith.constant 0 : i32
      %parallel_loop3A_728 = arith.index_cast %parallel_loop3A_727 : i32 to index
      %parallel_loop3A_729 = arith.index_cast %parallel_loop3A_719 : i32 to index
      %parallel_loop3A_730 = arith.constant 16 : index
      %parallel_loop3A_731 = tpu.vector_load %arg13[%parallel_loop3A_728, %parallel_loop3A_729, %parallel_loop3A_730] {strides = array<i32>} : memref<4x40x128xf32, #tpu.memory_space<vmem>>, vector<1x1x16xf32>,
      %parallel_loop3A_732 = vector.shape_cast %parallel_loop3A_731 : vector<1x1x16xf32> to vector<16xf32>
      %parallel_loop3A_733 = vector.shape_cast %broadcast_in_dim3A_75 : vector<16xf32> to vector<1x1x16xf32>
      tpu.vector_store %arg13[%parallel_loop3A_728, %parallel_loop3A_729, %parallel_loop3A_730], %parallel_loop3A_733 {strides = array<i32>} : memref<4x40x128xf32, #tpu.memory_space<vmem>>, vector<1x1x16xf32>,
      %parallel_loop3A_734 = arith.constant 0 : i32
      %parallel_loop3A_735 = arith.index_cast %parallel_loop3A_734 : i32 to index
      %parallel_loop3A_736 = arith.index_cast %parallel_loop3A_719 : i32 to index
      %parallel_loop3A_737 = arith.constant 32 : index
      %parallel_loop3A_738 = tpu.vector_load %arg13[%parallel_loop3A_735, %parallel_loop3A_736, %parallel_loop3A_737] {strides = array<i32>} : memref<4x40x128xf32, #tpu.memory_space<vmem>>, vector<1x1x16xf32>,
      %parallel_loop3A_739 = vector.shape_cast %parallel_loop3A_738 : vector<1x1x16xf32> to vector<16xf32>
      %parallel_loop3A_740 = vector.shape_cast %broadcast_in_dim3A_75 : vector<16xf32> to vector<1x1x16xf32>
      tpu.vector_store %arg13[%parallel_loop3A_735, %parallel_loop3A_736, %parallel_loop3A_737], %parallel_loop3A_740 {strides = array<i32>} : memref<4x40x128xf32, #tpu.memory_space<vmem>>, vector<1x1x16xf32>,
      %parallel_loop3A_741 = arith.constant 0 : i32
      %parallel_loop3A_742 = arith.index_cast %parallel_loop3A_741 : i32 to index
      %parallel_loop3A_743 = arith.index_cast %parallel_loop3A_719 : i32 to index
      %parallel_loop3A_744 = arith.constant 48 : index
      %parallel_loop3A_745 = tpu.vector_load %arg13[%parallel_loop3A_742, %parallel_loop3A_743, %parallel_loop3A_744] {strides = array<i32>} : memref<4x40x128xf32, #tpu.memory_space<vmem>>, vector<1x1x16xf32>,
      %parallel_loop3A_746 = vector.shape_cast %parallel_loop3A_745 : vector<1x1x16xf32> to vector<16xf32>
      %parallel_loop3A_747 = vector.shape_cast %broadcast_in_dim3A_75 : vector<16xf32> to vector<1x1x16xf32>
      tpu.vector_store %arg13[%parallel_loop3A_742, %parallel_loop3A_743, %parallel_loop3A_744], %parallel_loop3A_747 {strides = array<i32>} : memref<4x40x128xf32, #tpu.memory_space<vmem>>, vector<1x1x16xf32>,
      %parallel_loop3A_748 = arith.constant 0 : i32
      %parallel_loop3A_749 = arith.index_cast %parallel_loop3A_748 : i32 to index
      %parallel_loop3A_750 = arith.index_cast %parallel_loop3A_719 : i32 to index
      %parallel_loop3A_751 = arith.constant 64 : index
      %parallel_loop3A_752 = tpu.vector_load %arg13[%parallel_loop3A_749, %parallel_loop3A_750, %parallel_loop3A_751] {strides = array<i32>} : memref<4x40x128xf32, #tpu.memory_space<vmem>>, vector<1x1x16xf32>,
      %parallel_loop3A_753 = vector.shape_cast %parallel_loop3A_752 : vector<1x1x16xf32> to vector<16xf32>
      %parallel_loop3A_754 = vector.shape_cast %broadcast_in_dim3A_75 : vector<16xf32> to vector<1x1x16xf32>
      tpu.vector_store %arg13[%parallel_loop3A_749, %parallel_loop3A_750, %parallel_loop3A_751], %parallel_loop3A_754 {strides = array<i32>} : memref<4x40x128xf32, #tpu.memory_space<vmem>>, vector<1x1x16xf32>,
      %parallel_loop3A_755 = arith.constant 0 : i32
      %parallel_loop3A_756 = arith.index_cast %parallel_loop3A_755 : i32 to index
      %parallel_loop3A_757 = arith.index_cast %parallel_loop3A_719 : i32 to index
      %parallel_loop3A_758 = arith.constant 80 : index
      %parallel_loop3A_759 = tpu.vector_load %arg13[%parallel_loop3A_756, %parallel_loop3A_757, %parallel_loop3A_758] {strides = array<i32>} : memref<4x40x128xf32, #tpu.memory_space<vmem>>, vector<1x1x16xf32>,
      %parallel_loop3A_760 = vector.shape_cast %parallel_loop3A_759 : vector<1x1x16xf32> to vector<16xf32>
      %parallel_loop3A_761 = vector.shape_cast %broadcast_in_dim3A_75 : vector<16xf32> to vector<1x1x16xf32>
      tpu.vector_store %arg13[%parallel_loop3A_756, %parallel_loop3A_757, %parallel_loop3A_758], %parallel_loop3A_761 {strides = array<i32>} : memref<4x40x128xf32, #tpu.memory_space<vmem>>, vector<1x1x16xf32>,
      %parallel_loop3A_762 = arith.constant 0 : i32
      %parallel_loop3A_763 = arith.index_cast %parallel_loop3A_762 : i32 to index
      %parallel_loop3A_764 = arith.index_cast %parallel_loop3A_719 : i32 to index
      %parallel_loop3A_765 = arith.constant 96 : index
      %parallel_loop3A_766 = tpu.vector_load %arg13[%parallel_loop3A_763, %parallel_loop3A_764, %parallel_loop3A_765] {strides = array<i32>} : memref<4x40x128xf32, #tpu.memory_space<vmem>>, vector<1x1x16xf32>,
      %parallel_loop3A_767 = vector.shape_cast %parallel_loop3A_766 : vector<1x1x16xf32> to vector<16xf32>
      %parallel_loop3A_768 = vector.shape_cast %broadcast_in_dim3A_75 : vector<16xf32> to vector<1x1x16xf32>
      tpu.vector_store %arg13[%parallel_loop3A_763, %parallel_loop3A_764, %parallel_loop3A_765], %parallel_loop3A_768 {strides = array<i32>} : memref<4x40x128xf32, #tpu.memory_space<vmem>>, vector<1x1x16xf32>,
      %parallel_loop3A_769 = arith.constant 0 : i32
      %parallel_loop3A_770 = arith.index_cast %parallel_loop3A_769 : i32 to index
      %parallel_loop3A_771 = arith.index_cast %parallel_loop3A_719 : i32 to index
      %parallel_loop3A_772 = arith.constant 112 : index
      %parallel_loop3A_773 = tpu.vector_load %arg13[%parallel_loop3A_770, %parallel_loop3A_771, %parallel_loop3A_772] {strides = array<i32>} : memref<4x40x128xf32, #tpu.memory_space<vmem>>, vector<1x1x16xf32>,
      %parallel_loop3A_774 = vector.shape_cast %parallel_loop3A_773 : vector<1x1x16xf32> to vector<16xf32>
      %parallel_loop3A_775 = vector.shape_cast %broadcast_in_dim3A_75 : vector<16xf32> to vector<1x1x16xf32>
      tpu.vector_store %arg13[%parallel_loop3A_770, %parallel_loop3A_771, %parallel_loop3A_772], %parallel_loop3A_775 {strides = array<i32>} : memref<4x40x128xf32, #tpu.memory_space<vmem>>, vector<1x1x16xf32>,
    } {sc.loop_unroll_factor = 4 : i64, sc.parallel_access}
    %add3A_78 = arith.constant 0 : i32
    %add3A_79 = arith.addi %mul3A_0, %add3A_78 : i32
    %dma_start3A_80 = arith.constant 0 : i32
    %dma_start3A_81 = arith.constant 0 : i32
    %dma_start3A_82 = arith.constant 0 : i32
    %dma_start3A_83 = arith.constant 0 : i32
    %dma_start3A_84 = tpu.memref_slice %arg13[%dma_start3A_80, %dma_start3A_82, %dma_start3A_83] : memref<4x40x128xf32, #tpu.memory_space<vmem>> -> memref<1x40x128xf32, #tpu.memory_space<vmem>>
    %dma_start3A_85 = tpu.memref_squeeze %dma_start3A_84 : memref<1x40x128xf32, #tpu.memory_space<vmem>> -> memref<40x128xf32, #tpu.memory_space<vmem>>
    %dma_start3A_86 = arith.constant 0 : i32
    %dma_start3A_87 = tpu.memref_slice %arg9[%add3A_79, %dma_start3A_86] : memref<10240x128xf32, #tpu.memory_space<vmem_shared>> -> memref<40x128xf32, #tpu.memory_space<vmem_shared>>
    %dma_start3A_88 = tpu.memref_slice %arg15[%dma_start3A_81] : memref<4x!tpu.dma_semaphore, #tpu.memory_space<semaphore_mem>> -> memref<1x!tpu.dma_semaphore, #tpu.memory_space<semaphore_mem>>
    %dma_start3A_89 = tpu.memref_squeeze %dma_start3A_88 : memref<1x!tpu.dma_semaphore, #tpu.memory_space<semaphore_mem>> -> memref<!tpu.dma_semaphore, #tpu.memory_space<semaphore_mem>>
    %dma_start3A_90 = arith.constant 0 : i32
    %dma_start3A_91 = tpu.memref_slice %arg9[%add3A_79, %dma_start3A_90] : memref<10240x128xf32, #tpu.memory_space<vmem_shared>> -> memref<40x128xf32, #tpu.memory_space<vmem_shared>>
    %dma_start3A_92 = arith.constant 0 : i32
    %dma_start3A_93 = arith.constant 0 : i32
    %dma_start3A_94 = tpu.memref_slice %arg13[%dma_start3A_80, %dma_start3A_92, %dma_start3A_93] : memref<4x40x128xf32, #tpu.memory_space<vmem>> -> memref<1x40x128xf32, #tpu.memory_space<vmem>>
    %dma_start3A_95 = tpu.memref_squeeze %dma_start3A_94 : memref<1x40x128xf32, #tpu.memory_space<vmem>> -> memref<40x128xf32, #tpu.memory_space<vmem>>
    tpu.enqueue_dma source(%dma_start3A_95 : memref<40x128xf32, #tpu.memory_space<vmem>>) target(%dma_start3A_91 : memref<40x128xf32, #tpu.memory_space<vmem_shared>>) target_semaphore(%dma_start3A_89 : memref<!tpu.dma_semaphore, #tpu.memory_space<semaphore_mem>>)
    %add3A_96 = arith.constant 40 : i32
    %add3A_97 = arith.addi %mul3A_0, %add3A_96 : i32
    %dma_start3A_98 = arith.constant 0 : i32
    %dma_start3A_99 = arith.constant 0 : i32
    %dma_start3A_100 = arith.constant 0 : i32
    %dma_start3A_101 = arith.constant 0 : i32
    %dma_start3A_102 = tpu.memref_slice %arg13[%dma_start3A_98, %dma_start3A_100, %dma_start3A_101] : memref<4x40x128xf32, #tpu.memory_space<vmem>> -> memref<1x40x128xf32, #tpu.memory_space<vmem>>
    %dma_start3A_103 = tpu.memref_squeeze %dma_start3A_102 : memref<1x40x128xf32, #tpu.memory_space<vmem>> -> memref<40x128xf32, #tpu.memory_space<vmem>>
    %dma_start3A_104 = arith.constant 0 : i32
    %dma_start3A_105 = tpu.memref_slice %arg9[%add3A_97, %dma_start3A_104] : memref<10240x128xf32, #tpu.memory_space<vmem_shared>> -> memref<40x128xf32, #tpu.memory_space<vmem_shared>>
    %dma_start3A_106 = tpu.memref_slice %arg15[%dma_start3A_99] : memref<4x!tpu.dma_semaphore, #tpu.memory_space<semaphore_mem>> -> memref<1x!tpu.dma_semaphore, #tpu.memory_space<semaphore_mem>>
    %dma_start3A_107 = tpu.memref_squeeze %dma_start3A_106 : memref<1x!tpu.dma_semaphore, #tpu.memory_space<semaphore_mem>> -> memref<!tpu.dma_semaphore, #tpu.memory_space<semaphore_mem>>
    %dma_start3A_108 = arith.constant 0 : i32
    %dma_start3A_109 = tpu.memref_slice %arg9[%add3A_97, %dma_start3A_108] : memref<10240x128xf32, #tpu.memory_space<vmem_shared>> -> memref<40x128xf32, #tpu.memory_space<vmem_shared>>
    %dma_start3A_110 = arith.constant 0 : i32
    %dma_start3A_111 = arith.constant 0 : i32
    %dma_start3A_112 = tpu.memref_slice %arg13[%dma_start3A_98, %dma_start3A_110, %dma_start3A_111] : memref<4x40x128xf32, #tpu.memory_space<vmem>> -> memref<1x40x128xf32, #tpu.memory_space<vmem>>
    %dma_start3A_113 = tpu.memref_squeeze %dma_start3A_112 : memref<1x40x128xf32, #tpu.memory_space<vmem>> -> memref<40x128xf32, #tpu.memory_space<vmem>>
    tpu.enqueue_dma source(%dma_start3A_113 : memref<40x128xf32, #tpu.memory_space<vmem>>) target(%dma_start3A_109 : memref<40x128xf32, #tpu.memory_space<vmem_shared>>) target_semaphore(%dma_start3A_107 : memref<!tpu.dma_semaphore, #tpu.memory_space<semaphore_mem>>)
    %add3A_114 = arith.constant 80 : i32
    %add3A_115 = arith.addi %mul3A_0, %add3A_114 : i32
    %dma_start3A_116 = arith.constant 0 : i32
    %dma_start3A_117 = arith.constant 0 : i32
    %dma_start3A_118 = arith.constant 0 : i32
    %dma_start3A_119 = arith.constant 0 : i32
    %dma_start3A_120 = tpu.memref_slice %arg13[%dma_start3A_116, %dma_start3A_118, %dma_start3A_119] : memref<4x40x128xf32, #tpu.memory_space<vmem>> -> memref<1x40x128xf32, #tpu.memory_space<vmem>>
    %dma_start3A_121 = tpu.memref_squeeze %dma_start3A_120 : memref<1x40x128xf32, #tpu.memory_space<vmem>> -> memref<40x128xf32, #tpu.memory_space<vmem>>
    %dma_start3A_122 = arith.constant 0 : i32
    %dma_start3A_123 = tpu.memref_slice %arg9[%add3A_115, %dma_start3A_122] : memref<10240x128xf32, #tpu.memory_space<vmem_shared>> -> memref<40x128xf32, #tpu.memory_space<vmem_shared>>
    %dma_start3A_124 = tpu.memref_slice %arg15[%dma_start3A_117] : memref<4x!tpu.dma_semaphore, #tpu.memory_space<semaphore_mem>> -> memref<1x!tpu.dma_semaphore, #tpu.memory_space<semaphore_mem>>
    %dma_start3A_125 = tpu.memref_squeeze %dma_start3A_124 : memref<1x!tpu.dma_semaphore, #tpu.memory_space<semaphore_mem>> -> memref<!tpu.dma_semaphore, #tpu.memory_space<semaphore_mem>>
    %dma_start3A_126 = arith.constant 0 : i32
    %dma_start3A_127 = tpu.memref_slice %arg9[%add3A_115, %dma_start3A_126] : memref<10240x128xf32, #tpu.memory_space<vmem_shared>> -> memref<40x128xf32, #tpu.memory_space<vmem_shared>>
    %dma_start3A_128 = arith.constant 0 : i32
    %dma_start3A_129 = arith.constant 0 : i32
    %dma_start3A_130 = tpu.memref_slice %arg13[%dma_start3A_116, %dma_start3A_128, %dma_start3A_129] : memref<4x40x128xf32, #tpu.memory_space<vmem>> -> memref<1x40x128xf32, #tpu.memory_space<vmem>>
    %dma_start3A_131 = tpu.memref_squeeze %dma_start3A_130 : memref<1x40x128xf32, #tpu.memory_space<vmem>> -> memref<40x128xf32, #tpu.memory_space<vmem>>
    tpu.enqueue_dma source(%dma_start3A_131 : memref<40x128xf32, #tpu.memory_space<vmem>>) target(%dma_start3A_127 : memref<40x128xf32, #tpu.memory_space<vmem_shared>>) target_semaphore(%dma_start3A_125 : memref<!tpu.dma_semaphore, #tpu.memory_space<semaphore_mem>>)
    %add3A_132 = arith.constant 120 : i32
    %add3A_133 = arith.addi %mul3A_0, %add3A_132 : i32
    %dma_start3A_134 = arith.constant 0 : i32
    %dma_start3A_135 = arith.constant 0 : i32
    %dma_start3A_136 = arith.constant 0 : i32
    %dma_start3A_137 = arith.constant 0 : i32
    %dma_start3A_138 = tpu.memref_slice %arg13[%dma_start3A_134, %dma_start3A_136, %dma_start3A_137] : memref<4x40x128xf32, #tpu.memory_space<vmem>> -> memref<1x40x128xf32, #tpu.memory_space<vmem>>
    %dma_start3A_139 = tpu.memref_squeeze %dma_start3A_138 : memref<1x40x128xf32, #tpu.memory_space<vmem>> -> memref<40x128xf32, #tpu.memory_space<vmem>>
    %dma_start3A_140 = arith.constant 0 : i32
    %dma_start3A_141 = tpu.memref_slice %arg9[%add3A_133, %dma_start3A_140] : memref<10240x128xf32, #tpu.memory_space<vmem_shared>> -> memref<40x128xf32, #tpu.memory_space<vmem_shared>>
    %dma_start3A_142 = tpu.memref_slice %arg15[%dma_start3A_135] : memref<4x!tpu.dma_semaphore, #tpu.memory_space<semaphore_mem>> -> memref<1x!tpu.dma_semaphore, #tpu.memory_space<semaphore_mem>>
    %dma_start3A_143 = tpu.memref_squeeze %dma_start3A_142 : memref<1x!tpu.dma_semaphore, #tpu.memory_space<semaphore_mem>> -> memref<!tpu.dma_semaphore, #tpu.memory_space<semaphore_mem>>
    %dma_start3A_144 = arith.constant 0 : i32
    %dma_start3A_145 = tpu.memref_slice %arg9[%add3A_133, %dma_start3A_144] : memref<10240x128xf32, #tpu.memory_space<vmem_shared>> -> memref<40x128xf32, #tpu.memory_space<vmem_shared>>
    %dma_start3A_146 = arith.constant 0 : i32
    %dma_start3A_147 = arith.constant 0 : i32
    %dma_start3A_148 = tpu.memref_slice %arg13[%dma_start3A_134, %dma_start3A_146, %dma_start3A_147] : memref<4x40x128xf32, #tpu.memory_space<vmem>> -> memref<1x40x128xf32, #tpu.memory_space<vmem>>
    %dma_start3A_149 = tpu.memref_squeeze %dma_start3A_148 : memref<1x40x128xf32, #tpu.memory_space<vmem>> -> memref<40x128xf32, #tpu.memory_space<vmem>>
    tpu.enqueue_dma source(%dma_start3A_149 : memref<40x128xf32, #tpu.memory_space<vmem>>) target(%dma_start3A_145 : memref<40x128xf32, #tpu.memory_space<vmem_shared>>) target_semaphore(%dma_start3A_143 : memref<!tpu.dma_semaphore, #tpu.memory_space<semaphore_mem>>)
    %add3A_150 = arith.constant 160 : i32
    %add3A_151 = arith.addi %mul3A_0, %add3A_150 : i32
    %dma_start3A_152 = arith.constant 0 : i32
    %dma_start3A_153 = arith.constant 0 : i32
    %dma_start3A_154 = arith.constant 0 : i32
    %dma_start3A_155 = arith.constant 0 : i32
    %dma_start3A_156 = tpu.memref_slice %arg13[%dma_start3A_152, %dma_start3A_154, %dma_start3A_155] : memref<4x40x128xf32, #tpu.memory_space<vmem>> -> memref<1x40x128xf32, #tpu.memory_space<vmem>>
    %dma_start3A_157 = tpu.memref_squeeze %dma_start3A_156 : memref<1x40x128xf32, #tpu.memory_space<vmem>> -> memref<40x128xf32, #tpu.memory_space<vmem>>
    %dma_start3A_158 = arith.constant 0 : i32
    %dma_start3A_159 = tpu.memref_slice %arg9[%add3A_151, %dma_start3A_158] : memref<10240x128xf32, #tpu.memory_space<vmem_shared>> -> memref<40x128xf32, #tpu.memory_space<vmem_shared>>
    %dma_start3A_160 = tpu.memref_slice %arg15[%dma_start3A_153] : memref<4x!tpu.dma_semaphore, #tpu.memory_space<semaphore_mem>> -> memref<1x!tpu.dma_semaphore, #tpu.memory_space<semaphore_mem>>
    %dma_start3A_161 = tpu.memref_squeeze %dma_start3A_160 : memref<1x!tpu.dma_semaphore, #tpu.memory_space<semaphore_mem>> -> memref<!tpu.dma_semaphore, #tpu.memory_space<semaphore_mem>>
    %dma_start3A_162 = arith.constant 0 : i32
    %dma_start3A_163 = tpu.memref_slice %arg9[%add3A_151, %dma_start3A_162] : memref<10240x128xf32, #tpu.memory_space<vmem_shared>> -> memref<40x128xf32, #tpu.memory_space<vmem_shared>>
    %dma_start3A_164 = arith.constant 0 : i32
    %dma_start3A_165 = arith.constant 0 : i32
    %dma_start3A_166 = tpu.memref_slice %arg13[%dma_start3A_152, %dma_start3A_164, %dma_start3A_165] : memref<4x40x128xf32, #tpu.memory_space<vmem>> -> memref<1x40x128xf32, #tpu.memory_space<vmem>>
    %dma_start3A_167 = tpu.memref_squeeze %dma_start3A_166 : memref<1x40x128xf32, #tpu.memory_space<vmem>> -> memref<40x128xf32, #tpu.memory_space<vmem>>
    tpu.enqueue_dma source(%dma_start3A_167 : memref<40x128xf32, #tpu.memory_space<vmem>>) target(%dma_start3A_163 : memref<40x128xf32, #tpu.memory_space<vmem_shared>>) target_semaphore(%dma_start3A_161 : memref<!tpu.dma_semaphore, #tpu.memory_space<semaphore_mem>>)
    %add3A_168 = arith.constant 200 : i32
    %add3A_169 = arith.addi %mul3A_0, %add3A_168 : i32
    %dma_start3A_170 = arith.constant 0 : i32
    %dma_start3A_171 = arith.constant 0 : i32
    %dma_start3A_172 = arith.constant 0 : i32
    %dma_start3A_173 = arith.constant 0 : i32
    %dma_start3A_174 = tpu.memref_slice %arg13[%dma_start3A_170, %dma_start3A_172, %dma_start3A_173] : memref<4x40x128xf32, #tpu.memory_space<vmem>> -> memref<1x40x128xf32, #tpu.memory_space<vmem>>
    %dma_start3A_175 = tpu.memref_squeeze %dma_start3A_174 : memref<1x40x128xf32, #tpu.memory_space<vmem>> -> memref<40x128xf32, #tpu.memory_space<vmem>>
    %dma_start3A_176 = arith.constant 0 : i32
    %dma_start3A_177 = tpu.memref_slice %arg9[%add3A_169, %dma_start3A_176] : memref<10240x128xf32, #tpu.memory_space<vmem_shared>> -> memref<40x128xf32, #tpu.memory_space<vmem_shared>>
    %dma_start3A_178 = tpu.memref_slice %arg15[%dma_start3A_171] : memref<4x!tpu.dma_semaphore, #tpu.memory_space<semaphore_mem>> -> memref<1x!tpu.dma_semaphore, #tpu.memory_space<semaphore_mem>>
    %dma_start3A_179 = tpu.memref_squeeze %dma_start3A_178 : memref<1x!tpu.dma_semaphore, #tpu.memory_space<semaphore_mem>> -> memref<!tpu.dma_semaphore, #tpu.memory_space<semaphore_mem>>
    %dma_start3A_180 = arith.constant 0 : i32
    %dma_start3A_181 = tpu.memref_slice %arg9[%add3A_169, %dma_start3A_180] : memref<10240x128xf32, #tpu.memory_space<vmem_shared>> -> memref<40x128xf32, #tpu.memory_space<vmem_shared>>
    %dma_start3A_182 = arith.constant 0 : i32
    %dma_start3A_183 = arith.constant 0 : i32
    %dma_start3A_184 = tpu.memref_slice %arg13[%dma_start3A_170, %dma_start3A_182, %dma_start3A_183] : memref<4x40x128xf32, #tpu.memory_space<vmem>> -> memref<1x40x128xf32, #tpu.memory_space<vmem>>
    %dma_start3A_185 = tpu.memref_squeeze %dma_start3A_184 : memref<1x40x128xf32, #tpu.memory_space<vmem>> -> memref<40x128xf32, #tpu.memory_space<vmem>>
    tpu.enqueue_dma source(%dma_start3A_185 : memref<40x128xf32, #tpu.memory_space<vmem>>) target(%dma_start3A_181 : memref<40x128xf32, #tpu.memory_space<vmem_shared>>) target_semaphore(%dma_start3A_179 : memref<!tpu.dma_semaphore, #tpu.memory_space<semaphore_mem>>)
    %add3A_186 = arith.constant 240 : i32
    %add3A_187 = arith.addi %mul3A_0, %add3A_186 : i32
    %dma_start3A_188 = arith.constant 0 : i32
    %dma_start3A_189 = arith.constant 0 : i32
    %dma_start3A_190 = arith.constant 0 : i32
    %dma_start3A_191 = arith.constant 0 : i32
    %dma_start3A_192 = tpu.memref_slice %arg13[%dma_start3A_188, %dma_start3A_190, %dma_start3A_191] : memref<4x40x128xf32, #tpu.memory_space<vmem>> -> memref<1x40x128xf32, #tpu.memory_space<vmem>>
    %dma_start3A_193 = tpu.memref_squeeze %dma_start3A_192 : memref<1x40x128xf32, #tpu.memory_space<vmem>> -> memref<40x128xf32, #tpu.memory_space<vmem>>
    %dma_start3A_194 = arith.constant 0 : i32
    %dma_start3A_195 = tpu.memref_slice %arg9[%add3A_187, %dma_start3A_194] : memref<10240x128xf32, #tpu.memory_space<vmem_shared>> -> memref<40x128xf32, #tpu.memory_space<vmem_shared>>
    %dma_start3A_196 = tpu.memref_slice %arg15[%dma_start3A_189] : memref<4x!tpu.dma_semaphore, #tpu.memory_space<semaphore_mem>> -> memref<1x!tpu.dma_semaphore, #tpu.memory_space<semaphore_mem>>
    %dma_start3A_197 = tpu.memref_squeeze %dma_start3A_196 : memref<1x!tpu.dma_semaphore, #tpu.memory_space<semaphore_mem>> -> memref<!tpu.dma_semaphore, #tpu.memory_space<semaphore_mem>>
    %dma_start3A_198 = arith.constant 0 : i32
    %dma_start3A_199 = tpu.memref_slice %arg9[%add3A_187, %dma_start3A_198] : memref<10240x128xf32, #tpu.memory_space<vmem_shared>> -> memref<40x128xf32, #tpu.memory_space<vmem_shared>>
    %dma_start3A_200 = arith.constant 0 : i32
    %dma_start3A_201 = arith.constant 0 : i32
    %dma_start3A_202 = tpu.memref_slice %arg13[%dma_start3A_188, %dma_start3A_200, %dma_start3A_201] : memref<4x40x128xf32, #tpu.memory_space<vmem>> -> memref<1x40x128xf32, #tpu.memory_space<vmem>>
    %dma_start3A_203 = tpu.memref_squeeze %dma_start3A_202 : memref<1x40x128xf32, #tpu.memory_space<vmem>> -> memref<40x128xf32, #tpu.memory_space<vmem>>
    tpu.enqueue_dma source(%dma_start3A_203 : memref<40x128xf32, #tpu.memory_space<vmem>>) target(%dma_start3A_199 : memref<40x128xf32, #tpu.memory_space<vmem_shared>>) target_semaphore(%dma_start3A_197 : memref<!tpu.dma_semaphore, #tpu.memory_space<semaphore_mem>>)
    %add3A_204 = arith.constant 280 : i32
    %add3A_205 = arith.addi %mul3A_0, %add3A_204 : i32
    %dma_start3A_206 = arith.constant 0 : i32
    %dma_start3A_207 = arith.constant 0 : i32
    %dma_start3A_208 = arith.constant 0 : i32
    %dma_start3A_209 = arith.constant 0 : i32
    %dma_start3A_210 = tpu.memref_slice %arg13[%dma_start3A_206, %dma_start3A_208, %dma_start3A_209] : memref<4x40x128xf32, #tpu.memory_space<vmem>> -> memref<1x40x128xf32, #tpu.memory_space<vmem>>
    %dma_start3A_211 = tpu.memref_squeeze %dma_start3A_210 : memref<1x40x128xf32, #tpu.memory_space<vmem>> -> memref<40x128xf32, #tpu.memory_space<vmem>>
    %dma_start3A_212 = arith.constant 0 : i32
    %dma_start3A_213 = tpu.memref_slice %arg9[%add3A_205, %dma_start3A_212] : memref<10240x128xf32, #tpu.memory_space<vmem_shared>> -> memref<40x128xf32, #tpu.memory_space<vmem_shared>>
    %dma_start3A_214 = tpu.memref_slice %arg15[%dma_start3A_207] : memref<4x!tpu.dma_semaphore, #tpu.memory_space<semaphore_mem>> -> memref<1x!tpu.dma_semaphore, #tpu.memory_space<semaphore_mem>>
    %dma_start3A_215 = tpu.memref_squeeze %dma_start3A_214 : memref<1x!tpu.dma_semaphore, #tpu.memory_space<semaphore_mem>> -> memref<!tpu.dma_semaphore, #tpu.memory_space<semaphore_mem>>
    %dma_start3A_216 = arith.constant 0 : i32
    %dma_start3A_217 = tpu.memref_slice %arg9[%add3A_205, %dma_start3A_216] : memref<10240x128xf32, #tpu.memory_space<vmem_shared>> -> memref<40x128xf32, #tpu.memory_space<vmem_shared>>
    %dma_start3A_218 = arith.constant 0 : i32
    %dma_start3A_219 = arith.constant 0 : i32
    %dma_start3A_220 = tpu.memref_slice %arg13[%dma_start3A_206, %dma_start3A_218, %dma_start3A_219] : memref<4x40x128xf32, #tpu.memory_space<vmem>> -> memref<1x40x128xf32, #tpu.memory_space<vmem>>
    %dma_start3A_221 = tpu.memref_squeeze %dma_start3A_220 : memref<1x40x128xf32, #tpu.memory_space<vmem>> -> memref<40x128xf32, #tpu.memory_space<vmem>>
    tpu.enqueue_dma source(%dma_start3A_221 : memref<40x128xf32, #tpu.memory_space<vmem>>) target(%dma_start3A_217 : memref<40x128xf32, #tpu.memory_space<vmem_shared>>) target_semaphore(%dma_start3A_215 : memref<!tpu.dma_semaphore, #tpu.memory_space<semaphore_mem>>)
    %add3A_222 = arith.constant 320 : i32
    %add3A_223 = arith.addi %mul3A_0, %add3A_222 : i32
    %dma_start3A_224 = arith.constant 0 : i32
    %dma_start3A_225 = arith.constant 0 : i32
    %dma_start3A_226 = arith.constant 0 : i32
    %dma_start3A_227 = arith.constant 0 : i32
    %dma_start3A_228 = tpu.memref_slice %arg13[%dma_start3A_224, %dma_start3A_226, %dma_start3A_227] : memref<4x40x128xf32, #tpu.memory_space<vmem>> -> memref<1x40x128xf32, #tpu.memory_space<vmem>>
    %dma_start3A_229 = tpu.memref_squeeze %dma_start3A_228 : memref<1x40x128xf32, #tpu.memory_space<vmem>> -> memref<40x128xf32, #tpu.memory_space<vmem>>
    %dma_start3A_230 = arith.constant 0 : i32
    %dma_start3A_231 = tpu.memref_slice %arg9[%add3A_223, %dma_start3A_230] : memref<10240x128xf32, #tpu.memory_space<vmem_shared>> -> memref<40x128xf32, #tpu.memory_space<vmem_shared>>
    %dma_start3A_232 = tpu.memref_slice %arg15[%dma_start3A_225] : memref<4x!tpu.dma_semaphore, #tpu.memory_space<semaphore_mem>> -> memref<1x!tpu.dma_semaphore, #tpu.memory_space<semaphore_mem>>
    %dma_start3A_233 = tpu.memref_squeeze %dma_start3A_232 : memref<1x!tpu.dma_semaphore, #tpu.memory_space<semaphore_mem>> -> memref<!tpu.dma_semaphore, #tpu.memory_space<semaphore_mem>>
    %dma_start3A_234 = arith.constant 0 : i32
    %dma_start3A_235 = tpu.memref_slice %arg9[%add3A_223, %dma_start3A_234] : memref<10240x128xf32, #tpu.memory_space<vmem_shared>> -> memref<40x128xf32, #tpu.memory_space<vmem_shared>>
    %dma_start3A_236 = arith.constant 0 : i32
    %dma_start3A_237 = arith.constant 0 : i32
    %dma_start3A_238 = tpu.memref_slice %arg13[%dma_start3A_224, %dma_start3A_236, %dma_start3A_237] : memref<4x40x128xf32, #tpu.memory_space<vmem>> -> memref<1x40x128xf32, #tpu.memory_space<vmem>>
    %dma_start3A_239 = tpu.memref_squeeze %dma_start3A_238 : memref<1x40x128xf32, #tpu.memory_space<vmem>> -> memref<40x128xf32, #tpu.memory_space<vmem>>
    tpu.enqueue_dma source(%dma_start3A_239 : memref<40x128xf32, #tpu.memory_space<vmem>>) target(%dma_start3A_235 : memref<40x128xf32, #tpu.memory_space<vmem_shared>>) target_semaphore(%dma_start3A_233 : memref<!tpu.dma_semaphore, #tpu.memory_space<semaphore_mem>>)
    %add3A_240 = arith.constant 360 : i32
    %add3A_241 = arith.addi %mul3A_0, %add3A_240 : i32
    %dma_start3A_242 = arith.constant 0 : i32
    %dma_start3A_243 = arith.constant 0 : i32
    %dma_start3A_244 = arith.constant 0 : i32
    %dma_start3A_245 = arith.constant 0 : i32
    %dma_start3A_246 = tpu.memref_slice %arg13[%dma_start3A_242, %dma_start3A_244, %dma_start3A_245] : memref<4x40x128xf32, #tpu.memory_space<vmem>> -> memref<1x40x128xf32, #tpu.memory_space<vmem>>
    %dma_start3A_247 = tpu.memref_squeeze %dma_start3A_246 : memref<1x40x128xf32, #tpu.memory_space<vmem>> -> memref<40x128xf32, #tpu.memory_space<vmem>>
    %dma_start3A_248 = arith.constant 0 : i32
    %dma_start3A_249 = tpu.memref_slice %arg9[%add3A_241, %dma_start3A_248] : memref<10240x128xf32, #tpu.memory_space<vmem_shared>> -> memref<40x128xf32, #tpu.memory_space<vmem_shared>>
    %dma_start3A_250 = tpu.memref_slice %arg15[%dma_start3A_243] : memref<4x!tpu.dma_semaphore, #tpu.memory_space<semaphore_mem>> -> memref<1x!tpu.dma_semaphore, #tpu.memory_space<semaphore_mem>>
    %dma_start3A_251 = tpu.memref_squeeze %dma_start3A_250 : memref<1x!tpu.dma_semaphore, #tpu.memory_space<semaphore_mem>> -> memref<!tpu.dma_semaphore, #tpu.memory_space<semaphore_mem>>
    %dma_start3A_252 = arith.constant 0 : i32
    %dma_start3A_253 = tpu.memref_slice %arg9[%add3A_241, %dma_start3A_252] : memref<10240x128xf32, #tpu.memory_space<vmem_shared>> -> memref<40x128xf32, #tpu.memory_space<vmem_shared>>
    %dma_start3A_254 = arith.constant 0 : i32
    %dma_start3A_255 = arith.constant 0 : i32
    %dma_start3A_256 = tpu.memref_slice %arg13[%dma_start3A_242, %dma_start3A_254, %dma_start3A_255] : memref<4x40x128xf32, #tpu.memory_space<vmem>> -> memref<1x40x128xf32, #tpu.memory_space<vmem>>
    %dma_start3A_257 = tpu.memref_squeeze %dma_start3A_256 : memref<1x40x128xf32, #tpu.memory_space<vmem>> -> memref<40x128xf32, #tpu.memory_space<vmem>>
    tpu.enqueue_dma source(%dma_start3A_257 : memref<40x128xf32, #tpu.memory_space<vmem>>) target(%dma_start3A_253 : memref<40x128xf32, #tpu.memory_space<vmem_shared>>) target_semaphore(%dma_start3A_251 : memref<!tpu.dma_semaphore, #tpu.memory_space<semaphore_mem>>)
    %add3A_258 = arith.constant 400 : i32
    %add3A_259 = arith.addi %mul3A_0, %add3A_258 : i32
    %dma_start3A_260 = arith.constant 0 : i32
    %dma_start3A_261 = arith.constant 0 : i32
    %dma_start3A_262 = arith.constant 0 : i32
    %dma_start3A_263 = arith.constant 0 : i32
    %dma_start3A_264 = tpu.memref_slice %arg13[%dma_start3A_260, %dma_start3A_262, %dma_start3A_263] : memref<4x40x128xf32, #tpu.memory_space<vmem>> -> memref<1x40x128xf32, #tpu.memory_space<vmem>>
    %dma_start3A_265 = tpu.memref_squeeze %dma_start3A_264 : memref<1x40x128xf32, #tpu.memory_space<vmem>> -> memref<40x128xf32, #tpu.memory_space<vmem>>
    %dma_start3A_266 = arith.constant 0 : i32
    %dma_start3A_267 = tpu.memref_slice %arg9[%add3A_259, %dma_start3A_266] : memref<10240x128xf32, #tpu.memory_space<vmem_shared>> -> memref<40x128xf32, #tpu.memory_space<vmem_shared>>
    %dma_start3A_268 = tpu.memref_slice %arg15[%dma_start3A_261] : memref<4x!tpu.dma_semaphore, #tpu.memory_space<semaphore_mem>> -> memref<1x!tpu.dma_semaphore, #tpu.memory_space<semaphore_mem>>
    %dma_start3A_269 = tpu.memref_squeeze %dma_start3A_268 : memref<1x!tpu.dma_semaphore, #tpu.memory_space<semaphore_mem>> -> memref<!tpu.dma_semaphore, #tpu.memory_space<semaphore_mem>>
    %dma_start3A_270 = arith.constant 0 : i32
    %dma_start3A_271 = tpu.memref_slice %arg9[%add3A_259, %dma_start3A_270] : memref<10240x128xf32, #tpu.memory_space<vmem_shared>> -> memref<40x128xf32, #tpu.memory_space<vmem_shared>>
    %dma_start3A_272 = arith.constant 0 : i32
    %dma_start3A_273 = arith.constant 0 : i32
    %dma_start3A_274 = tpu.memref_slice %arg13[%dma_start3A_260, %dma_start3A_272, %dma_start3A_273] : memref<4x40x128xf32, #tpu.memory_space<vmem>> -> memref<1x40x128xf32, #tpu.memory_space<vmem>>
    %dma_start3A_275 = tpu.memref_squeeze %dma_start3A_274 : memref<1x40x128xf32, #tpu.memory_space<vmem>> -> memref<40x128xf32, #tpu.memory_space<vmem>>
    tpu.enqueue_dma source(%dma_start3A_275 : memref<40x128xf32, #tpu.memory_space<vmem>>) target(%dma_start3A_271 : memref<40x128xf32, #tpu.memory_space<vmem_shared>>) target_semaphore(%dma_start3A_269 : memref<!tpu.dma_semaphore, #tpu.memory_space<semaphore_mem>>)
    %add3A_276 = arith.constant 440 : i32
    %add3A_277 = arith.addi %mul3A_0, %add3A_276 : i32
    %dma_start3A_278 = arith.constant 0 : i32
    %dma_start3A_279 = arith.constant 0 : i32
    %dma_start3A_280 = arith.constant 0 : i32
    %dma_start3A_281 = arith.constant 0 : i32
    %dma_start3A_282 = tpu.memref_slice %arg13[%dma_start3A_278, %dma_start3A_280, %dma_start3A_281] : memref<4x40x128xf32, #tpu.memory_space<vmem>> -> memref<1x40x128xf32, #tpu.memory_space<vmem>>
    %dma_start3A_283 = tpu.memref_squeeze %dma_start3A_282 : memref<1x40x128xf32, #tpu.memory_space<vmem>> -> memref<40x128xf32, #tpu.memory_space<vmem>>
    %dma_start3A_284 = arith.constant 0 : i32
    %dma_start3A_285 = tpu.memref_slice %arg9[%add3A_277, %dma_start3A_284] : memref<10240x128xf32, #tpu.memory_space<vmem_shared>> -> memref<40x128xf32, #tpu.memory_space<vmem_shared>>
    %dma_start3A_286 = tpu.memref_slice %arg15[%dma_start3A_279] : memref<4x!tpu.dma_semaphore, #tpu.memory_space<semaphore_mem>> -> memref<1x!tpu.dma_semaphore, #tpu.memory_space<semaphore_mem>>
    %dma_start3A_287 = tpu.memref_squeeze %dma_start3A_286 : memref<1x!tpu.dma_semaphore, #tpu.memory_space<semaphore_mem>> -> memref<!tpu.dma_semaphore, #tpu.memory_space<semaphore_mem>>
    %dma_start3A_288 = arith.constant 0 : i32
    %dma_start3A_289 = tpu.memref_slice %arg9[%add3A_277, %dma_start3A_288] : memref<10240x128xf32, #tpu.memory_space<vmem_shared>> -> memref<40x128xf32, #tpu.memory_space<vmem_shared>>
    %dma_start3A_290 = arith.constant 0 : i32
    %dma_start3A_291 = arith.constant 0 : i32
    %dma_start3A_292 = tpu.memref_slice %arg13[%dma_start3A_278, %dma_start3A_290, %dma_start3A_291] : memref<4x40x128xf32, #tpu.memory_space<vmem>> -> memref<1x40x128xf32, #tpu.memory_space<vmem>>
    %dma_start3A_293 = tpu.memref_squeeze %dma_start3A_292 : memref<1x40x128xf32, #tpu.memory_space<vmem>> -> memref<40x128xf32, #tpu.memory_space<vmem>>
    tpu.enqueue_dma source(%dma_start3A_293 : memref<40x128xf32, #tpu.memory_space<vmem>>) target(%dma_start3A_289 : memref<40x128xf32, #tpu.memory_space<vmem_shared>>) target_semaphore(%dma_start3A_287 : memref<!tpu.dma_semaphore, #tpu.memory_space<semaphore_mem>>)
    %add3A_294 = arith.constant 480 : i32
    %add3A_295 = arith.addi %mul3A_0, %add3A_294 : i32
    %dma_start3A_296 = arith.constant 0 : i32
    %dma_start3A_297 = arith.constant 0 : i32
    %dma_start3A_298 = arith.constant 0 : i32
    %dma_start3A_299 = arith.constant 0 : i32
    %dma_start3A_300 = tpu.memref_slice %arg13[%dma_start3A_296, %dma_start3A_298, %dma_start3A_299] : memref<4x40x128xf32, #tpu.memory_space<vmem>> -> memref<1x40x128xf32, #tpu.memory_space<vmem>>
    %dma_start3A_301 = tpu.memref_squeeze %dma_start3A_300 : memref<1x40x128xf32, #tpu.memory_space<vmem>> -> memref<40x128xf32, #tpu.memory_space<vmem>>
    %dma_start3A_302 = arith.constant 0 : i32
    %dma_start3A_303 = tpu.memref_slice %arg9[%add3A_295, %dma_start3A_302] : memref<10240x128xf32, #tpu.memory_space<vmem_shared>> -> memref<40x128xf32, #tpu.memory_space<vmem_shared>>
    %dma_start3A_304 = tpu.memref_slice %arg15[%dma_start3A_297] : memref<4x!tpu.dma_semaphore, #tpu.memory_space<semaphore_mem>> -> memref<1x!tpu.dma_semaphore, #tpu.memory_space<semaphore_mem>>
    %dma_start3A_305 = tpu.memref_squeeze %dma_start3A_304 : memref<1x!tpu.dma_semaphore, #tpu.memory_space<semaphore_mem>> -> memref<!tpu.dma_semaphore, #tpu.memory_space<semaphore_mem>>
    %dma_start3A_306 = arith.constant 0 : i32
    %dma_start3A_307 = tpu.memref_slice %arg9[%add3A_295, %dma_start3A_306] : memref<10240x128xf32, #tpu.memory_space<vmem_shared>> -> memref<40x128xf32, #tpu.memory_space<vmem_shared>>
    %dma_start3A_308 = arith.constant 0 : i32
    %dma_start3A_309 = arith.constant 0 : i32
    %dma_start3A_310 = tpu.memref_slice %arg13[%dma_start3A_296, %dma_start3A_308, %dma_start3A_309] : memref<4x40x128xf32, #tpu.memory_space<vmem>> -> memref<1x40x128xf32, #tpu.memory_space<vmem>>
    %dma_start3A_311 = tpu.memref_squeeze %dma_start3A_310 : memref<1x40x128xf32, #tpu.memory_space<vmem>> -> memref<40x128xf32, #tpu.memory_space<vmem>>
    tpu.enqueue_dma source(%dma_start3A_311 : memref<40x128xf32, #tpu.memory_space<vmem>>) target(%dma_start3A_307 : memref<40x128xf32, #tpu.memory_space<vmem_shared>>) target_semaphore(%dma_start3A_305 : memref<!tpu.dma_semaphore, #tpu.memory_space<semaphore_mem>>)
    %add3A_312 = arith.constant 520 : i32
    %add3A_313 = arith.addi %mul3A_0, %add3A_312 : i32
    %dma_start3A_314 = arith.constant 0 : i32
    %dma_start3A_315 = arith.constant 0 : i32
    %dma_start3A_316 = arith.constant 0 : i32
    %dma_start3A_317 = arith.constant 0 : i32
    %dma_start3A_318 = tpu.memref_slice %arg13[%dma_start3A_314, %dma_start3A_316, %dma_start3A_317] : memref<4x40x128xf32, #tpu.memory_space<vmem>> -> memref<1x40x128xf32, #tpu.memory_space<vmem>>
    %dma_start3A_319 = tpu.memref_squeeze %dma_start3A_318 : memref<1x40x128xf32, #tpu.memory_space<vmem>> -> memref<40x128xf32, #tpu.memory_space<vmem>>
    %dma_start3A_320 = arith.constant 0 : i32
    %dma_start3A_321 = tpu.memref_slice %arg9[%add3A_313, %dma_start3A_320] : memref<10240x128xf32, #tpu.memory_space<vmem_shared>> -> memref<40x128xf32, #tpu.memory_space<vmem_shared>>
    %dma_start3A_322 = tpu.memref_slice %arg15[%dma_start3A_315] : memref<4x!tpu.dma_semaphore, #tpu.memory_space<semaphore_mem>> -> memref<1x!tpu.dma_semaphore, #tpu.memory_space<semaphore_mem>>
    %dma_start3A_323 = tpu.memref_squeeze %dma_start3A_322 : memref<1x!tpu.dma_semaphore, #tpu.memory_space<semaphore_mem>> -> memref<!tpu.dma_semaphore, #tpu.memory_space<semaphore_mem>>
    %dma_start3A_324 = arith.constant 0 : i32
    %dma_start3A_325 = tpu.memref_slice %arg9[%add3A_313, %dma_start3A_324] : memref<10240x128xf32, #tpu.memory_space<vmem_shared>> -> memref<40x128xf32, #tpu.memory_space<vmem_shared>>
    %dma_start3A_326 = arith.constant 0 : i32
    %dma_start3A_327 = arith.constant 0 : i32
    %dma_start3A_328 = tpu.memref_slice %arg13[%dma_start3A_314, %dma_start3A_326, %dma_start3A_327] : memref<4x40x128xf32, #tpu.memory_space<vmem>> -> memref<1x40x128xf32, #tpu.memory_space<vmem>>
    %dma_start3A_329 = tpu.memref_squeeze %dma_start3A_328 : memref<1x40x128xf32, #tpu.memory_space<vmem>> -> memref<40x128xf32, #tpu.memory_space<vmem>>
    tpu.enqueue_dma source(%dma_start3A_329 : memref<40x128xf32, #tpu.memory_space<vmem>>) target(%dma_start3A_325 : memref<40x128xf32, #tpu.memory_space<vmem_shared>>) target_semaphore(%dma_start3A_323 : memref<!tpu.dma_semaphore, #tpu.memory_space<semaphore_mem>>)
    %add3A_330 = arith.constant 560 : i32
    %add3A_331 = arith.addi %mul3A_0, %add3A_330 : i32
    %dma_start3A_332 = arith.constant 0 : i32
    %dma_start3A_333 = arith.constant 0 : i32
    %dma_start3A_334 = arith.constant 0 : i32
    %dma_start3A_335 = arith.constant 0 : i32
    %dma_start3A_336 = tpu.memref_slice %arg13[%dma_start3A_332, %dma_start3A_334, %dma_start3A_335] : memref<4x40x128xf32, #tpu.memory_space<vmem>> -> memref<1x40x128xf32, #tpu.memory_space<vmem>>
    %dma_start3A_337 = tpu.memref_squeeze %dma_start3A_336 : memref<1x40x128xf32, #tpu.memory_space<vmem>> -> memref<40x128xf32, #tpu.memory_space<vmem>>
    %dma_start3A_338 = arith.constant 0 : i32
    %dma_start3A_339 = tpu.memref_slice %arg9[%add3A_331, %dma_start3A_338] : memref<10240x128xf32, #tpu.memory_space<vmem_shared>> -> memref<40x128xf32, #tpu.memory_space<vmem_shared>>
    %dma_start3A_340 = tpu.memref_slice %arg15[%dma_start3A_333] : memref<4x!tpu.dma_semaphore, #tpu.memory_space<semaphore_mem>> -> memref<1x!tpu.dma_semaphore, #tpu.memory_space<semaphore_mem>>
    %dma_start3A_341 = tpu.memref_squeeze %dma_start3A_340 : memref<1x!tpu.dma_semaphore, #tpu.memory_space<semaphore_mem>> -> memref<!tpu.dma_semaphore, #tpu.memory_space<semaphore_mem>>
    %dma_start3A_342 = arith.constant 0 : i32
    %dma_start3A_343 = tpu.memref_slice %arg9[%add3A_331, %dma_start3A_342] : memref<10240x128xf32, #tpu.memory_space<vmem_shared>> -> memref<40x128xf32, #tpu.memory_space<vmem_shared>>
    %dma_start3A_344 = arith.constant 0 : i32
    %dma_start3A_345 = arith.constant 0 : i32
    %dma_start3A_346 = tpu.memref_slice %arg13[%dma_start3A_332, %dma_start3A_344, %dma_start3A_345] : memref<4x40x128xf32, #tpu.memory_space<vmem>> -> memref<1x40x128xf32, #tpu.memory_space<vmem>>
    %dma_start3A_347 = tpu.memref_squeeze %dma_start3A_346 : memref<1x40x128xf32, #tpu.memory_space<vmem>> -> memref<40x128xf32, #tpu.memory_space<vmem>>
    tpu.enqueue_dma source(%dma_start3A_347 : memref<40x128xf32, #tpu.memory_space<vmem>>) target(%dma_start3A_343 : memref<40x128xf32, #tpu.memory_space<vmem_shared>>) target_semaphore(%dma_start3A_341 : memref<!tpu.dma_semaphore, #tpu.memory_space<semaphore_mem>>)
    %add3A_348 = arith.constant 600 : i32
    %add3A_349 = arith.addi %mul3A_0, %add3A_348 : i32
    %dma_start3A_350 = arith.constant 0 : i32
    %dma_start3A_351 = arith.constant 0 : i32
    %dma_start3A_352 = arith.constant 0 : i32
    %dma_start3A_353 = arith.constant 0 : i32
    %dma_start3A_354 = tpu.memref_slice %arg13[%dma_start3A_350, %dma_start3A_352, %dma_start3A_353] : memref<4x40x128xf32, #tpu.memory_space<vmem>> -> memref<1x40x128xf32, #tpu.memory_space<vmem>>
    %dma_start3A_355 = tpu.memref_squeeze %dma_start3A_354 : memref<1x40x128xf32, #tpu.memory_space<vmem>> -> memref<40x128xf32, #tpu.memory_space<vmem>>
    %dma_start3A_356 = arith.constant 0 : i32
    %dma_start3A_357 = tpu.memref_slice %arg9[%add3A_349, %dma_start3A_356] : memref<10240x128xf32, #tpu.memory_space<vmem_shared>> -> memref<40x128xf32, #tpu.memory_space<vmem_shared>>
    %dma_start3A_358 = tpu.memref_slice %arg15[%dma_start3A_351] : memref<4x!tpu.dma_semaphore, #tpu.memory_space<semaphore_mem>> -> memref<1x!tpu.dma_semaphore, #tpu.memory_space<semaphore_mem>>
    %dma_start3A_359 = tpu.memref_squeeze %dma_start3A_358 : memref<1x!tpu.dma_semaphore, #tpu.memory_space<semaphore_mem>> -> memref<!tpu.dma_semaphore, #tpu.memory_space<semaphore_mem>>
    %dma_start3A_360 = arith.constant 0 : i32
    %dma_start3A_361 = tpu.memref_slice %arg9[%add3A_349, %dma_start3A_360] : memref<10240x128xf32, #tpu.memory_space<vmem_shared>> -> memref<40x128xf32, #tpu.memory_space<vmem_shared>>
    %dma_start3A_362 = arith.constant 0 : i32
    %dma_start3A_363 = arith.constant 0 : i32
    %dma_start3A_364 = tpu.memref_slice %arg13[%dma_start3A_350, %dma_start3A_362, %dma_start3A_363] : memref<4x40x128xf32, #tpu.memory_space<vmem>> -> memref<1x40x128xf32, #tpu.memory_space<vmem>>
    %dma_start3A_365 = tpu.memref_squeeze %dma_start3A_364 : memref<1x40x128xf32, #tpu.memory_space<vmem>> -> memref<40x128xf32, #tpu.memory_space<vmem>>
    tpu.enqueue_dma source(%dma_start3A_365 : memref<40x128xf32, #tpu.memory_space<vmem>>) target(%dma_start3A_361 : memref<40x128xf32, #tpu.memory_space<vmem_shared>>) target_semaphore(%dma_start3A_359 : memref<!tpu.dma_semaphore, #tpu.memory_space<semaphore_mem>>)
    %dma_wait3A = arith.constant 0 : i32
    %dma_wait3A_366 = tpu.memref_slice %arg5[%arg1, %dma_wait3A] : memref<16x10000xi32, #tpu.memory_space<hbm>> -> memref<1x10000xi32, #tpu.memory_space<hbm>>
    %dma_wait3A_367 = tpu.memref_squeeze %dma_wait3A_366 : memref<1x10000xi32, #tpu.memory_space<hbm>> -> memref<10000xi32, #tpu.memory_space<hbm>>
    %dma_wait3A_368 = arith.constant 0 : i32
    %dma_wait3A_369 = tpu.memref_slice %arg5[%arg1, %dma_wait3A_368] : memref<16x10000xi32, #tpu.memory_space<hbm>> -> memref<1x10000xi32, #tpu.memory_space<hbm>>
    %dma_wait3A_370 = tpu.memref_squeeze %dma_wait3A_369 : memref<1x10000xi32, #tpu.memory_space<hbm>> -> memref<10000xi32, #tpu.memory_space<hbm>>
    tpu.wait_dma2 semaphore(%arg18 : memref<!tpu.dma_semaphore, #tpu.memory_space<semaphore_mem>>) src(%dma_wait3A_370 : memref<10000xi32, #tpu.memory_space<hbm>>) dst(%arg10 : memref<10000xi32, #tpu.memory_space<vmem>>)
    %eq3A = arith.constant 0 : i32
    %eq3A_371 = arith.cmpi eq, %arg0, %eq3A : i32
    %convert_element_type3A = arith.extui %eq3A_371 : i1 to i32
    %cond3A = arith.constant 0 : i32
    %cond3A_372 = arith.cmpi ne, %convert_element_type3A, %cond3A : i32
    scf.if %cond3A_372 {
      %dma_start3A_719 = arith.constant 1 : i32
      %dma_start3A_720 = arith.constant 1 : i32
      %dma_start3A_721 = arith.constant 0 : i32
      %dma_start3A_722 = arith.constant 0 : i32
      %dma_start3A_723 = tpu.memref_slice %arg13[%dma_start3A_719, %dma_start3A_721, %dma_start3A_722] : memref<4x40x128xf32, #tpu.memory_space<vmem>> -> memref<1x40x128xf32, #tpu.memory_space<vmem>>
      %dma_start3A_724 = tpu.memref_squeeze %dma_start3A_723 : memref<1x40x128xf32, #tpu.memory_space<vmem>> -> memref<40x128xf32, #tpu.memory_space<vmem>>
      %dma_start3A_725 = arith.constant 40 : i32
      %dma_start3A_726 = tpu.memref_slice %arg10[%dma_start3A_725] : memref<10000xi32, #tpu.memory_space<vmem>> -> memref<40xi32, #tpu.memory_space<vmem>>
      %dma_start3A_727 = arith.constant 0 : i32
      %dma_start3A_728 = arith.constant 0 : i32
      %dma_start3A_729 = tpu.memref_slice %arg2[%dma_start3A_727, %dma_start3A_728] : memref<10000x128xf32, #tpu.memory_space<hbm>> -> memref<10000x128xf32, #tpu.memory_space<hbm>>
      %dma_start3A_730 = tpu.memref_slice %arg15[%dma_start3A_720] : memref<4x!tpu.dma_semaphore, #tpu.memory_space<semaphore_mem>> -> memref<1x!tpu.dma_semaphore, #tpu.memory_space<semaphore_mem>>
      %dma_start3A_731 = tpu.memref_squeeze %dma_start3A_730 : memref<1x!tpu.dma_semaphore, #tpu.memory_space<semaphore_mem>> -> memref<!tpu.dma_semaphore, #tpu.memory_space<semaphore_mem>>
      tpu.enqueue_indirect_dma source(%dma_start3A_729 : memref<10000x128xf32, #tpu.memory_space<hbm>>) target(%dma_start3A_724 : memref<40x128xf32, #tpu.memory_space<vmem>>) offsets(%dma_start3A_726 : memref<40xi32, #tpu.memory_space<vmem>>) semaphore(%dma_start3A_731 : memref<!tpu.dma_semaphore, #tpu.memory_space<semaphore_mem>>)
    } else {
    }
    %ne3A = arith.constant 0 : i32
    %ne3A_373 = arith.cmpi ne, %arg0, %ne3A : i32
    %convert_element_type3A_374 = arith.extui %ne3A_373 : i1 to i32
    %cond3A_375 = arith.constant 0 : i32
    %cond3A_376 = arith.cmpi ne, %convert_element_type3A_374, %cond3A_375 : i32
    scf.if %cond3A_376 {
      %dma_start3A_719 = arith.constant 1 : i32
      %dma_start3A_720 = arith.constant 1 : i32
      %dma_start3A_721 = arith.constant 0 : i32
      %dma_start3A_722 = arith.constant 0 : i32
      %dma_start3A_723 = tpu.memref_slice %arg13[%dma_start3A_719, %dma_start3A_721, %dma_start3A_722] : memref<4x40x128xf32, #tpu.memory_space<vmem>> -> memref<1x40x128xf32, #tpu.memory_space<vmem>>
      %dma_start3A_724 = tpu.memref_squeeze %dma_start3A_723 : memref<1x40x128xf32, #tpu.memory_space<vmem>> -> memref<40x128xf32, #tpu.memory_space<vmem>>
      %dma_start3A_725 = arith.constant 40 : i32
      %dma_start3A_726 = tpu.memref_slice %arg10[%dma_start3A_725] : memref<10000xi32, #tpu.memory_space<vmem>> -> memref<40xi32, #tpu.memory_space<vmem>>
      %dma_start3A_727 = arith.constant 0 : i32
      %dma_start3A_728 = arith.constant 0 : i32
      %dma_start3A_729 = tpu.memref_slice %arg3[%dma_start3A_727, %dma_start3A_728] : memref<10000x128xf32, #tpu.memory_space<hbm>> -> memref<10000x128xf32, #tpu.memory_space<hbm>>
      %dma_start3A_730 = tpu.memref_slice %arg15[%dma_start3A_720] : memref<4x!tpu.dma_semaphore, #tpu.memory_space<semaphore_mem>> -> memref<1x!tpu.dma_semaphore, #tpu.memory_space<semaphore_mem>>
      %dma_start3A_731 = tpu.memref_squeeze %dma_start3A_730 : memref<1x!tpu.dma_semaphore, #tpu.memory_space<semaphore_mem>> -> memref<!tpu.dma_semaphore, #tpu.memory_space<semaphore_mem>>
      tpu.enqueue_indirect_dma source(%dma_start3A_729 : memref<10000x128xf32, #tpu.memory_space<hbm>>) target(%dma_start3A_724 : memref<40x128xf32, #tpu.memory_space<vmem>>) offsets(%dma_start3A_726 : memref<40xi32, #tpu.memory_space<vmem>>) semaphore(%dma_start3A_731 : memref<!tpu.dma_semaphore, #tpu.memory_space<semaphore_mem>>)
    } else {
    }
    %dma_wait3A_377 = arith.constant 0 : i32
    %dma_wait3A_378 = arith.constant 0 : i32
    %dma_wait3A_379 = arith.constant 0 : i32
    %dma_wait3A_380 = arith.constant 0 : i32
    %dma_wait3A_381 = tpu.memref_slice %arg13[%dma_wait3A_377, %dma_wait3A_379, %dma_wait3A_380] : memref<4x40x128xf32, #tpu.memory_space<vmem>> -> memref<1x40x128xf32, #tpu.memory_space<vmem>>
    %dma_wait3A_382 = tpu.memref_squeeze %dma_wait3A_381 : memref<1x40x128xf32, #tpu.memory_space<vmem>> -> memref<40x128xf32, #tpu.memory_space<vmem>>
    %dma_wait3A_383 = arith.constant 0 : i32
    %dma_wait3A_384 = tpu.memref_slice %arg9[%mul3A_0, %dma_wait3A_383] : memref<10240x128xf32, #tpu.memory_space<vmem_shared>> -> memref<40x128xf32, #tpu.memory_space<vmem_shared>>
    %dma_wait3A_385 = tpu.memref_slice %arg15[%dma_wait3A_378] : memref<4x!tpu.dma_semaphore, #tpu.memory_space<semaphore_mem>> -> memref<1x!tpu.dma_semaphore, #tpu.memory_space<semaphore_mem>>
    %dma_wait3A_386 = tpu.memref_squeeze %dma_wait3A_385 : memref<1x!tpu.dma_semaphore, #tpu.memory_space<semaphore_mem>> -> memref<!tpu.dma_semaphore, #tpu.memory_space<semaphore_mem>>
    %dma_wait3A_387 = arith.constant 0 : i32
    %dma_wait3A_388 = tpu.memref_slice %arg9[%mul3A_0, %dma_wait3A_387] : memref<10240x128xf32, #tpu.memory_space<vmem_shared>> -> memref<40x128xf32, #tpu.memory_space<vmem_shared>>
    %dma_wait3A_389 = arith.constant 0 : i32
    %dma_wait3A_390 = arith.constant 0 : i32
    %dma_wait3A_391 = tpu.memref_slice %arg13[%dma_wait3A_377, %dma_wait3A_389, %dma_wait3A_390] : memref<4x40x128xf32, #tpu.memory_space<vmem>> -> memref<1x40x128xf32, #tpu.memory_space<vmem>>
    %dma_wait3A_392 = tpu.memref_squeeze %dma_wait3A_391 : memref<1x40x128xf32, #tpu.memory_space<vmem>> -> memref<40x128xf32, #tpu.memory_space<vmem>>
    tpu.wait_dma2 semaphore(%dma_wait3A_386 : memref<!tpu.dma_semaphore, #tpu.memory_space<semaphore_mem>>) src(%dma_wait3A_392 : memref<40x128xf32, #tpu.memory_space<vmem>>) dst(%dma_wait3A_388 : memref<40x128xf32, #tpu.memory_space<vmem_shared>>)
    %dma_wait3A_393 = arith.constant 0 : i32
    %dma_wait3A_394 = arith.constant 0 : i32
    %dma_wait3A_395 = arith.constant 0 : i32
    %dma_wait3A_396 = arith.constant 0 : i32
    %dma_wait3A_397 = tpu.memref_slice %arg13[%dma_wait3A_393, %dma_wait3A_395, %dma_wait3A_396] : memref<4x40x128xf32, #tpu.memory_space<vmem>> -> memref<1x40x128xf32, #tpu.memory_space<vmem>>
    %dma_wait3A_398 = tpu.memref_squeeze %dma_wait3A_397 : memref<1x40x128xf32, #tpu.memory_space<vmem>> -> memref<40x128xf32, #tpu.memory_space<vmem>>
    %dma_wait3A_399 = arith.constant 0 : i32
    %dma_wait3A_400 = tpu.memref_slice %arg9[%mul3A_0, %dma_wait3A_399] : memref<10240x128xf32, #tpu.memory_space<vmem_shared>> -> memref<40x128xf32, #tpu.memory_space<vmem_shared>>
    %dma_wait3A_401 = tpu.memref_slice %arg15[%dma_wait3A_394] : memref<4x!tpu.dma_semaphore, #tpu.memory_space<semaphore_mem>> -> memref<1x!tpu.dma_semaphore, #tpu.memory_space<semaphore_mem>>
    %dma_wait3A_402 = tpu.memref_squeeze %dma_wait3A_401 : memref<1x!tpu.dma_semaphore, #tpu.memory_space<semaphore_mem>> -> memref<!tpu.dma_semaphore, #tpu.memory_space<semaphore_mem>>
    %dma_wait3A_403 = arith.constant 0 : i32
    %dma_wait3A_404 = tpu.memref_slice %arg9[%mul3A_0, %dma_wait3A_403] : memref<10240x128xf32, #tpu.memory_space<vmem_shared>> -> memref<40x128xf32, #tpu.memory_space<vmem_shared>>
    %dma_wait3A_405 = arith.constant 0 : i32
    %dma_wait3A_406 = arith.constant 0 : i32
    %dma_wait3A_407 = tpu.memref_slice %arg13[%dma_wait3A_393, %dma_wait3A_405, %dma_wait3A_406] : memref<4x40x128xf32, #tpu.memory_space<vmem>> -> memref<1x40x128xf32, #tpu.memory_space<vmem>>
    %dma_wait3A_408 = tpu.memref_squeeze %dma_wait3A_407 : memref<1x40x128xf32, #tpu.memory_space<vmem>> -> memref<40x128xf32, #tpu.memory_space<vmem>>
    tpu.wait_dma2 semaphore(%dma_wait3A_402 : memref<!tpu.dma_semaphore, #tpu.memory_space<semaphore_mem>>) src(%dma_wait3A_408 : memref<40x128xf32, #tpu.memory_space<vmem>>) dst(%dma_wait3A_404 : memref<40x128xf32, #tpu.memory_space<vmem_shared>>)
    %dma_wait3A_409 = arith.constant 0 : i32
    %dma_wait3A_410 = arith.constant 0 : i32
    %dma_wait3A_411 = arith.constant 0 : i32
    %dma_wait3A_412 = arith.constant 0 : i32
    %dma_wait3A_413 = tpu.memref_slice %arg13[%dma_wait3A_409, %dma_wait3A_411, %dma_wait3A_412] : memref<4x40x128xf32, #tpu.memory_space<vmem>> -> memref<1x40x128xf32, #tpu.memory_space<vmem>>
    %dma_wait3A_414 = tpu.memref_squeeze %dma_wait3A_413 : memref<1x40x128xf32, #tpu.memory_space<vmem>> -> memref<40x128xf32, #tpu.memory_space<vmem>>
    %dma_wait3A_415 = arith.constant 0 : i32
    %dma_wait3A_416 = tpu.memref_slice %arg9[%mul3A_0, %dma_wait3A_415] : memref<10240x128xf32, #tpu.memory_space<vmem_shared>> -> memref<40x128xf32, #tpu.memory_space<vmem_shared>>
    %dma_wait3A_417 = tpu.memref_slice %arg15[%dma_wait3A_410] : memref<4x!tpu.dma_semaphore, #tpu.memory_space<semaphore_mem>> -> memref<1x!tpu.dma_semaphore, #tpu.memory_space<semaphore_mem>>
    %dma_wait3A_418 = tpu.memref_squeeze %dma_wait3A_417 : memref<1x!tpu.dma_semaphore, #tpu.memory_space<semaphore_mem>> -> memref<!tpu.dma_semaphore, #tpu.memory_space<semaphore_mem>>
    %dma_wait3A_419 = arith.constant 0 : i32
    %dma_wait3A_420 = tpu.memref_slice %arg9[%mul3A_0, %dma_wait3A_419] : memref<10240x128xf32, #tpu.memory_space<vmem_shared>> -> memref<40x128xf32, #tpu.memory_space<vmem_shared>>
    %dma_wait3A_421 = arith.constant 0 : i32
    %dma_wait3A_422 = arith.constant 0 : i32
    %dma_wait3A_423 = tpu.memref_slice %arg13[%dma_wait3A_409, %dma_wait3A_421, %dma_wait3A_422] : memref<4x40x128xf32, #tpu.memory_space<vmem>> -> memref<1x40x128xf32, #tpu.memory_space<vmem>>
    %dma_wait3A_424 = tpu.memref_squeeze %dma_wait3A_423 : memref<1x40x128xf32, #tpu.memory_space<vmem>> -> memref<40x128xf32, #tpu.memory_space<vmem>>
    tpu.wait_dma2 semaphore(%dma_wait3A_418 : memref<!tpu.dma_semaphore, #tpu.memory_space<semaphore_mem>>) src(%dma_wait3A_424 : memref<40x128xf32, #tpu.memory_space<vmem>>) dst(%dma_wait3A_420 : memref<40x128xf32, #tpu.memory_space<vmem_shared>>)
    %dma_wait3A_425 = arith.constant 0 : i32
    %dma_wait3A_426 = arith.constant 0 : i32
    %dma_wait3A_427 = arith.constant 0 : i32
    %dma_wait3A_428 = arith.constant 0 : i32
    %dma_wait3A_429 = tpu.memref_slice %arg13[%dma_wait3A_425, %dma_wait3A_427, %dma_wait3A_428] : memref<4x40x128xf32, #tpu.memory_space<vmem>> -> memref<1x40x128xf32, #tpu.memory_space<vmem>>
    %dma_wait3A_430 = tpu.memref_squeeze %dma_wait3A_429 : memref<1x40x128xf32, #tpu.memory_space<vmem>> -> memref<40x128xf32, #tpu.memory_space<vmem>>
    %dma_wait3A_431 = arith.constant 0 : i32
    %dma_wait3A_432 = tpu.memref_slice %arg9[%mul3A_0, %dma_wait3A_431] : memref<10240x128xf32, #tpu.memory_space<vmem_shared>> -> memref<40x128xf32, #tpu.memory_space<vmem_shared>>
    %dma_wait3A_433 = tpu.memref_slice %arg15[%dma_wait3A_426] : memref<4x!tpu.dma_semaphore, #tpu.memory_space<semaphore_mem>> -> memref<1x!tpu.dma_semaphore, #tpu.memory_space<semaphore_mem>>
    %dma_wait3A_434 = tpu.memref_squeeze %dma_wait3A_433 : memref<1x!tpu.dma_semaphore, #tpu.memory_space<semaphore_mem>> -> memref<!tpu.dma_semaphore, #tpu.memory_space<semaphore_mem>>
    %dma_wait3A_435 = arith.constant 0 : i32
    %dma_wait3A_436 = tpu.memref_slice %arg9[%mul3A_0, %dma_wait3A_435] : memref<10240x128xf32, #tpu.memory_space<vmem_shared>> -> memref<40x128xf32, #tpu.memory_space<vmem_shared>>
    %dma_wait3A_437 = arith.constant 0 : i32
    %dma_wait3A_438 = arith.constant 0 : i32
    %dma_wait3A_439 = tpu.memref_slice %arg13[%dma_wait3A_425, %dma_wait3A_437, %dma_wait3A_438] : memref<4x40x128xf32, #tpu.memory_space<vmem>> -> memref<1x40x128xf32, #tpu.memory_space<vmem>>
    %dma_wait3A_440 = tpu.memref_squeeze %dma_wait3A_439 : memref<1x40x128xf32, #tpu.memory_space<vmem>> -> memref<40x128xf32, #tpu.memory_space<vmem>>
    tpu.wait_dma2 semaphore(%dma_wait3A_434 : memref<!tpu.dma_semaphore, #tpu.memory_space<semaphore_mem>>) src(%dma_wait3A_440 : memref<40x128xf32, #tpu.memory_space<vmem>>) dst(%dma_wait3A_436 : memref<40x128xf32, #tpu.memory_space<vmem_shared>>)
    %dma_wait3A_441 = arith.constant 0 : i32
    %dma_wait3A_442 = arith.constant 0 : i32
    %dma_wait3A_443 = arith.constant 0 : i32
    %dma_wait3A_444 = arith.constant 0 : i32
    %dma_wait3A_445 = tpu.memref_slice %arg13[%dma_wait3A_441, %dma_wait3A_443, %dma_wait3A_444] : memref<4x40x128xf32, #tpu.memory_space<vmem>> -> memref<1x40x128xf32, #tpu.memory_space<vmem>>
    %dma_wait3A_446 = tpu.memref_squeeze %dma_wait3A_445 : memref<1x40x128xf32, #tpu.memory_space<vmem>> -> memref<40x128xf32, #tpu.memory_space<vmem>>
    %dma_wait3A_447 = arith.constant 0 : i32
    %dma_wait3A_448 = tpu.memref_slice %arg9[%mul3A_0, %dma_wait3A_447] : memref<10240x128xf32, #tpu.memory_space<vmem_shared>> -> memref<40x128xf32, #tpu.memory_space<vmem_shared>>
    %dma_wait3A_449 = tpu.memref_slice %arg15[%dma_wait3A_442] : memref<4x!tpu.dma_semaphore, #tpu.memory_space<semaphore_mem>> -> memref<1x!tpu.dma_semaphore, #tpu.memory_space<semaphore_mem>>
    %dma_wait3A_450 = tpu.memref_squeeze %dma_wait3A_449 : memref<1x!tpu.dma_semaphore, #tpu.memory_space<semaphore_mem>> -> memref<!tpu.dma_semaphore, #tpu.memory_space<semaphore_mem>>
    %dma_wait3A_451 = arith.constant 0 : i32
    %dma_wait3A_452 = tpu.memref_slice %arg9[%mul3A_0, %dma_wait3A_451] : memref<10240x128xf32, #tpu.memory_space<vmem_shared>> -> memref<40x128xf32, #tpu.memory_space<vmem_shared>>
    %dma_wait3A_453 = arith.constant 0 : i32
    %dma_wait3A_454 = arith.constant 0 : i32
    %dma_wait3A_455 = tpu.memref_slice %arg13[%dma_wait3A_441, %dma_wait3A_453, %dma_wait3A_454] : memref<4x40x128xf32, #tpu.memory_space<vmem>> -> memref<1x40x128xf32, #tpu.memory_space<vmem>>
    %dma_wait3A_456 = tpu.memref_squeeze %dma_wait3A_455 : memref<1x40x128xf32, #tpu.memory_space<vmem>> -> memref<40x128xf32, #tpu.memory_space<vmem>>
    tpu.wait_dma2 semaphore(%dma_wait3A_450 : memref<!tpu.dma_semaphore, #tpu.memory_space<semaphore_mem>>) src(%dma_wait3A_456 : memref<40x128xf32, #tpu.memory_space<vmem>>) dst(%dma_wait3A_452 : memref<40x128xf32, #tpu.memory_space<vmem_shared>>)
    %dma_wait3A_457 = arith.constant 0 : i32
    %dma_wait3A_458 = arith.constant 0 : i32
    %dma_wait3A_459 = arith.constant 0 : i32
    %dma_wait3A_460 = arith.constant 0 : i32
    %dma_wait3A_461 = tpu.memref_slice %arg13[%dma_wait3A_457, %dma_wait3A_459, %dma_wait3A_460] : memref<4x40x128xf32, #tpu.memory_space<vmem>> -> memref<1x40x128xf32, #tpu.memory_space<vmem>>
    %dma_wait3A_462 = tpu.memref_squeeze %dma_wait3A_461 : memref<1x40x128xf32, #tpu.memory_space<vmem>> -> memref<40x128xf32, #tpu.memory_space<vmem>>
    %dma_wait3A_463 = arith.constant 0 : i32
    %dma_wait3A_464 = tpu.memref_slice %arg9[%mul3A_0, %dma_wait3A_463] : memref<10240x128xf32, #tpu.memory_space<vmem_shared>> -> memref<40x128xf32, #tpu.memory_space<vmem_shared>>
    %dma_wait3A_465 = tpu.memref_slice %arg15[%dma_wait3A_458] : memref<4x!tpu.dma_semaphore, #tpu.memory_space<semaphore_mem>> -> memref<1x!tpu.dma_semaphore, #tpu.memory_space<semaphore_mem>>
    %dma_wait3A_466 = tpu.memref_squeeze %dma_wait3A_465 : memref<1x!tpu.dma_semaphore, #tpu.memory_space<semaphore_mem>> -> memref<!tpu.dma_semaphore, #tpu.memory_space<semaphore_mem>>
    %dma_wait3A_467 = arith.constant 0 : i32
    %dma_wait3A_468 = tpu.memref_slice %arg9[%mul3A_0, %dma_wait3A_467] : memref<10240x128xf32, #tpu.memory_space<vmem_shared>> -> memref<40x128xf32, #tpu.memory_space<vmem_shared>>
    %dma_wait3A_469 = arith.constant 0 : i32
    %dma_wait3A_470 = arith.constant 0 : i32
    %dma_wait3A_471 = tpu.memref_slice %arg13[%dma_wait3A_457, %dma_wait3A_469, %dma_wait3A_470] : memref<4x40x128xf32, #tpu.memory_space<vmem>> -> memref<1x40x128xf32, #tpu.memory_space<vmem>>
    %dma_wait3A_472 = tpu.memref_squeeze %dma_wait3A_471 : memref<1x40x128xf32, #tpu.memory_space<vmem>> -> memref<40x128xf32, #tpu.memory_space<vmem>>
    tpu.wait_dma2 semaphore(%dma_wait3A_466 : memref<!tpu.dma_semaphore, #tpu.memory_space<semaphore_mem>>) src(%dma_wait3A_472 : memref<40x128xf32, #tpu.memory_space<vmem>>) dst(%dma_wait3A_468 : memref<40x128xf32, #tpu.memory_space<vmem_shared>>)
    %dma_wait3A_473 = arith.constant 0 : i32
    %dma_wait3A_474 = arith.constant 0 : i32
    %dma_wait3A_475 = arith.constant 0 : i32
    %dma_wait3A_476 = arith.constant 0 : i32
    %dma_wait3A_477 = tpu.memref_slice %arg13[%dma_wait3A_473, %dma_wait3A_475, %dma_wait3A_476] : memref<4x40x128xf32, #tpu.memory_space<vmem>> -> memref<1x40x128xf32, #tpu.memory_space<vmem>>
    %dma_wait3A_478 = tpu.memref_squeeze %dma_wait3A_477 : memref<1x40x128xf32, #tpu.memory_space<vmem>> -> memref<40x128xf32, #tpu.memory_space<vmem>>
    %dma_wait3A_479 = arith.constant 0 : i32
    %dma_wait3A_480 = tpu.memref_slice %arg9[%mul3A_0, %dma_wait3A_479] : memref<10240x128xf32, #tpu.memory_space<vmem_shared>> -> memref<40x128xf32, #tpu.memory_space<vmem_shared>>
    %dma_wait3A_481 = tpu.memref_slice %arg15[%dma_wait3A_474] : memref<4x!tpu.dma_semaphore, #tpu.memory_space<semaphore_mem>> -> memref<1x!tpu.dma_semaphore, #tpu.memory_space<semaphore_mem>>
    %dma_wait3A_482 = tpu.memref_squeeze %dma_wait3A_481 : memref<1x!tpu.dma_semaphore, #tpu.memory_space<semaphore_mem>> -> memref<!tpu.dma_semaphore, #tpu.memory_space<semaphore_mem>>
    %dma_wait3A_483 = arith.constant 0 : i32
    %dma_wait3A_484 = tpu.memref_slice %arg9[%mul3A_0, %dma_wait3A_483] : memref<10240x128xf32, #tpu.memory_space<vmem_shared>> -> memref<40x128xf32, #tpu.memory_space<vmem_shared>>
    %dma_wait3A_485 = arith.constant 0 : i32
    %dma_wait3A_486 = arith.constant 0 : i32
    %dma_wait3A_487 = tpu.memref_slice %arg13[%dma_wait3A_473, %dma_wait3A_485, %dma_wait3A_486] : memref<4x40x128xf32, #tpu.memory_space<vmem>> -> memref<1x40x128xf32, #tpu.memory_space<vmem>>
    %dma_wait3A_488 = tpu.memref_squeeze %dma_wait3A_487 : memref<1x40x128xf32, #tpu.memory_space<vmem>> -> memref<40x128xf32, #tpu.memory_space<vmem>>
    tpu.wait_dma2 semaphore(%dma_wait3A_482 : memref<!tpu.dma_semaphore, #tpu.memory_space<semaphore_mem>>) src(%dma_wait3A_488 : memref<40x128xf32, #tpu.memory_space<vmem>>) dst(%dma_wait3A_484 : memref<40x128xf32, #tpu.memory_space<vmem_shared>>)
    %dma_wait3A_489 = arith.constant 0 : i32
    %dma_wait3A_490 = arith.constant 0 : i32
    %dma_wait3A_491 = arith.constant 0 : i32
    %dma_wait3A_492 = arith.constant 0 : i32
    %dma_wait3A_493 = tpu.memref_slice %arg13[%dma_wait3A_489, %dma_wait3A_491, %dma_wait3A_492] : memref<4x40x128xf32, #tpu.memory_space<vmem>> -> memref<1x40x128xf32, #tpu.memory_space<vmem>>
    %dma_wait3A_494 = tpu.memref_squeeze %dma_wait3A_493 : memref<1x40x128xf32, #tpu.memory_space<vmem>> -> memref<40x128xf32, #tpu.memory_space<vmem>>
    %dma_wait3A_495 = arith.constant 0 : i32
    %dma_wait3A_496 = tpu.memref_slice %arg9[%mul3A_0, %dma_wait3A_495] : memref<10240x128xf32, #tpu.memory_space<vmem_shared>> -> memref<40x128xf32, #tpu.memory_space<vmem_shared>>
    %dma_wait3A_497 = tpu.memref_slice %arg15[%dma_wait3A_490] : memref<4x!tpu.dma_semaphore, #tpu.memory_space<semaphore_mem>> -> memref<1x!tpu.dma_semaphore, #tpu.memory_space<semaphore_mem>>
    %dma_wait3A_498 = tpu.memref_squeeze %dma_wait3A_497 : memref<1x!tpu.dma_semaphore, #tpu.memory_space<semaphore_mem>> -> memref<!tpu.dma_semaphore, #tpu.memory_space<semaphore_mem>>
    %dma_wait3A_499 = arith.constant 0 : i32
    %dma_wait3A_500 = tpu.memref_slice %arg9[%mul3A_0, %dma_wait3A_499] : memref<10240x128xf32, #tpu.memory_space<vmem_shared>> -> memref<40x128xf32, #tpu.memory_space<vmem_shared>>
    %dma_wait3A_501 = arith.constant 0 : i32
    %dma_wait3A_502 = arith.constant 0 : i32
    %dma_wait3A_503 = tpu.memref_slice %arg13[%dma_wait3A_489, %dma_wait3A_501, %dma_wait3A_502] : memref<4x40x128xf32, #tpu.memory_space<vmem>> -> memref<1x40x128xf32, #tpu.memory_space<vmem>>
    %dma_wait3A_504 = tpu.memref_squeeze %dma_wait3A_503 : memref<1x40x128xf32, #tpu.memory_space<vmem>> -> memref<40x128xf32, #tpu.memory_space<vmem>>
    tpu.wait_dma2 semaphore(%dma_wait3A_498 : memref<!tpu.dma_semaphore, #tpu.memory_space<semaphore_mem>>) src(%dma_wait3A_504 : memref<40x128xf32, #tpu.memory_space<vmem>>) dst(%dma_wait3A_500 : memref<40x128xf32, #tpu.memory_space<vmem_shared>>)
    %dma_wait3A_505 = arith.constant 0 : i32
    %dma_wait3A_506 = arith.constant 0 : i32
    %dma_wait3A_507 = arith.constant 0 : i32
    %dma_wait3A_508 = arith.constant 0 : i32
    %dma_wait3A_509 = tpu.memref_slice %arg13[%dma_wait3A_505, %dma_wait3A_507, %dma_wait3A_508] : memref<4x40x128xf32, #tpu.memory_space<vmem>> -> memref<1x40x128xf32, #tpu.memory_space<vmem>>
    %dma_wait3A_510 = tpu.memref_squeeze %dma_wait3A_509 : memref<1x40x128xf32, #tpu.memory_space<vmem>> -> memref<40x128xf32, #tpu.memory_space<vmem>>
    %dma_wait3A_511 = arith.constant 0 : i32
    %dma_wait3A_512 = tpu.memref_slice %arg9[%mul3A_0, %dma_wait3A_511] : memref<10240x128xf32, #tpu.memory_space<vmem_shared>> -> memref<40x128xf32, #tpu.memory_space<vmem_shared>>
    %dma_wait3A_513 = tpu.memref_slice %arg15[%dma_wait3A_506] : memref<4x!tpu.dma_semaphore, #tpu.memory_space<semaphore_mem>> -> memref<1x!tpu.dma_semaphore, #tpu.memory_space<semaphore_mem>>
    %dma_wait3A_514 = tpu.memref_squeeze %dma_wait3A_513 : memref<1x!tpu.dma_semaphore, #tpu.memory_space<semaphore_mem>> -> memref<!tpu.dma_semaphore, #tpu.memory_space<semaphore_mem>>
    %dma_wait3A_515 = arith.constant 0 : i32
    %dma_wait3A_516 = tpu.memref_slice %arg9[%mul3A_0, %dma_wait3A_515] : memref<10240x128xf32, #tpu.memory_space<vmem_shared>> -> memref<40x128xf32, #tpu.memory_space<vmem_shared>>
    %dma_wait3A_517 = arith.constant 0 : i32
    %dma_wait3A_518 = arith.constant 0 : i32
    %dma_wait3A_519 = tpu.memref_slice %arg13[%dma_wait3A_505, %dma_wait3A_517, %dma_wait3A_518] : memref<4x40x128xf32, #tpu.memory_space<vmem>> -> memref<1x40x128xf32, #tpu.memory_space<vmem>>
    %dma_wait3A_520 = tpu.memref_squeeze %dma_wait3A_519 : memref<1x40x128xf32, #tpu.memory_space<vmem>> -> memref<40x128xf32, #tpu.memory_space<vmem>>
    tpu.wait_dma2 semaphore(%dma_wait3A_514 : memref<!tpu.dma_semaphore, #tpu.memory_space<semaphore_mem>>) src(%dma_wait3A_520 : memref<40x128xf32, #tpu.memory_space<vmem>>) dst(%dma_wait3A_516 : memref<40x128xf32, #tpu.memory_space<vmem_shared>>)
    %dma_wait3A_521 = arith.constant 0 : i32
    %dma_wait3A_522 = arith.constant 0 : i32
    %dma_wait3A_523 = arith.constant 0 : i32
    %dma_wait3A_524 = arith.constant 0 : i32
    %dma_wait3A_525 = tpu.memref_slice %arg13[%dma_wait3A_521, %dma_wait3A_523, %dma_wait3A_524] : memref<4x40x128xf32, #tpu.memory_space<vmem>> -> memref<1x40x128xf32, #tpu.memory_space<vmem>>
    %dma_wait3A_526 = tpu.memref_squeeze %dma_wait3A_525 : memref<1x40x128xf32, #tpu.memory_space<vmem>> -> memref<40x128xf32, #tpu.memory_space<vmem>>
    %dma_wait3A_527 = arith.constant 0 : i32
    %dma_wait3A_528 = tpu.memref_slice %arg9[%mul3A_0, %dma_wait3A_527] : memref<10240x128xf32, #tpu.memory_space<vmem_shared>> -> memref<40x128xf32, #tpu.memory_space<vmem_shared>>
    %dma_wait3A_529 = tpu.memref_slice %arg15[%dma_wait3A_522] : memref<4x!tpu.dma_semaphore, #tpu.memory_space<semaphore_mem>> -> memref<1x!tpu.dma_semaphore, #tpu.memory_space<semaphore_mem>>
    %dma_wait3A_530 = tpu.memref_squeeze %dma_wait3A_529 : memref<1x!tpu.dma_semaphore, #tpu.memory_space<semaphore_mem>> -> memref<!tpu.dma_semaphore, #tpu.memory_space<semaphore_mem>>
    %dma_wait3A_531 = arith.constant 0 : i32
    %dma_wait3A_532 = tpu.memref_slice %arg9[%mul3A_0, %dma_wait3A_531] : memref<10240x128xf32, #tpu.memory_space<vmem_shared>> -> memref<40x128xf32, #tpu.memory_space<vmem_shared>>
    %dma_wait3A_533 = arith.constant 0 : i32
    %dma_wait3A_534 = arith.constant 0 : i32
    %dma_wait3A_535 = tpu.memref_slice %arg13[%dma_wait3A_521, %dma_wait3A_533, %dma_wait3A_534] : memref<4x40x128xf32, #tpu.memory_space<vmem>> -> memref<1x40x128xf32, #tpu.memory_space<vmem>>
    %dma_wait3A_536 = tpu.memref_squeeze %dma_wait3A_535 : memref<1x40x128xf32, #tpu.memory_space<vmem>> -> memref<40x128xf32, #tpu.memory_space<vmem>>
    tpu.wait_dma2 semaphore(%dma_wait3A_530 : memref<!tpu.dma_semaphore, #tpu.memory_space<semaphore_mem>>) src(%dma_wait3A_536 : memref<40x128xf32, #tpu.memory_space<vmem>>) dst(%dma_wait3A_532 : memref<40x128xf32, #tpu.memory_space<vmem_shared>>)
    %dma_wait3A_537 = arith.constant 0 : i32
    %dma_wait3A_538 = arith.constant 0 : i32
    %dma_wait3A_539 = arith.constant 0 : i32
    %dma_wait3A_540 = arith.constant 0 : i32
    %dma_wait3A_541 = tpu.memref_slice %arg13[%dma_wait3A_537, %dma_wait3A_539, %dma_wait3A_540] : memref<4x40x128xf32, #tpu.memory_space<vmem>> -> memref<1x40x128xf32, #tpu.memory_space<vmem>>
    %dma_wait3A_542 = tpu.memref_squeeze %dma_wait3A_541 : memref<1x40x128xf32, #tpu.memory_space<vmem>> -> memref<40x128xf32, #tpu.memory_space<vmem>>
    %dma_wait3A_543 = arith.constant 0 : i32
    %dma_wait3A_544 = tpu.memref_slice %arg9[%mul3A_0, %dma_wait3A_543] : memref<10240x128xf32, #tpu.memory_space<vmem_shared>> -> memref<40x128xf32, #tpu.memory_space<vmem_shared>>
    %dma_wait3A_545 = tpu.memref_slice %arg15[%dma_wait3A_538] : memref<4x!tpu.dma_semaphore, #tpu.memory_space<semaphore_mem>> -> memref<1x!tpu.dma_semaphore, #tpu.memory_space<semaphore_mem>>
    %dma_wait3A_546 = tpu.memref_squeeze %dma_wait3A_545 : memref<1x!tpu.dma_semaphore, #tpu.memory_space<semaphore_mem>> -> memref<!tpu.dma_semaphore, #tpu.memory_space<semaphore_mem>>
    %dma_wait3A_547 = arith.constant 0 : i32
    %dma_wait3A_548 = tpu.memref_slice %arg9[%mul3A_0, %dma_wait3A_547] : memref<10240x128xf32, #tpu.memory_space<vmem_shared>> -> memref<40x128xf32, #tpu.memory_space<vmem_shared>>
    %dma_wait3A_549 = arith.constant 0 : i32
    %dma_wait3A_550 = arith.constant 0 : i32
    %dma_wait3A_551 = tpu.memref_slice %arg13[%dma_wait3A_537, %dma_wait3A_549, %dma_wait3A_550] : memref<4x40x128xf32, #tpu.memory_space<vmem>> -> memref<1x40x128xf32, #tpu.memory_space<vmem>>
    %dma_wait3A_552 = tpu.memref_squeeze %dma_wait3A_551 : memref<1x40x128xf32, #tpu.memory_space<vmem>> -> memref<40x128xf32, #tpu.memory_space<vmem>>
    tpu.wait_dma2 semaphore(%dma_wait3A_546 : memref<!tpu.dma_semaphore, #tpu.memory_space<semaphore_mem>>) src(%dma_wait3A_552 : memref<40x128xf32, #tpu.memory_space<vmem>>) dst(%dma_wait3A_548 : memref<40x128xf32, #tpu.memory_space<vmem_shared>>)
    %dma_wait3A_553 = arith.constant 0 : i32
    %dma_wait3A_554 = arith.constant 0 : i32
    %dma_wait3A_555 = arith.constant 0 : i32
    %dma_wait3A_556 = arith.constant 0 : i32
    %dma_wait3A_557 = tpu.memref_slice %arg13[%dma_wait3A_553, %dma_wait3A_555, %dma_wait3A_556] : memref<4x40x128xf32, #tpu.memory_space<vmem>> -> memref<1x40x128xf32, #tpu.memory_space<vmem>>
    %dma_wait3A_558 = tpu.memref_squeeze %dma_wait3A_557 : memref<1x40x128xf32, #tpu.memory_space<vmem>> -> memref<40x128xf32, #tpu.memory_space<vmem>>
    %dma_wait3A_559 = arith.constant 0 : i32
    %dma_wait3A_560 = tpu.memref_slice %arg9[%mul3A_0, %dma_wait3A_559] : memref<10240x128xf32, #tpu.memory_space<vmem_shared>> -> memref<40x128xf32, #tpu.memory_space<vmem_shared>>
    %dma_wait3A_561 = tpu.memref_slice %arg15[%dma_wait3A_554] : memref<4x!tpu.dma_semaphore, #tpu.memory_space<semaphore_mem>> -> memref<1x!tpu.dma_semaphore, #tpu.memory_space<semaphore_mem>>
    %dma_wait3A_562 = tpu.memref_squeeze %dma_wait3A_561 : memref<1x!tpu.dma_semaphore, #tpu.memory_space<semaphore_mem>> -> memref<!tpu.dma_semaphore, #tpu.memory_space<semaphore_mem>>
    %dma_wait3A_563 = arith.constant 0 : i32
    %dma_wait3A_564 = tpu.memref_slice %arg9[%mul3A_0, %dma_wait3A_563] : memref<10240x128xf32, #tpu.memory_space<vmem_shared>> -> memref<40x128xf32, #tpu.memory_space<vmem_shared>>
    %dma_wait3A_565 = arith.constant 0 : i32
    %dma_wait3A_566 = arith.constant 0 : i32
    %dma_wait3A_567 = tpu.memref_slice %arg13[%dma_wait3A_553, %dma_wait3A_565, %dma_wait3A_566] : memref<4x40x128xf32, #tpu.memory_space<vmem>> -> memref<1x40x128xf32, #tpu.memory_space<vmem>>
    %dma_wait3A_568 = tpu.memref_squeeze %dma_wait3A_567 : memref<1x40x128xf32, #tpu.memory_space<vmem>> -> memref<40x128xf32, #tpu.memory_space<vmem>>
    tpu.wait_dma2 semaphore(%dma_wait3A_562 : memref<!tpu.dma_semaphore, #tpu.memory_space<semaphore_mem>>) src(%dma_wait3A_568 : memref<40x128xf32, #tpu.memory_space<vmem>>) dst(%dma_wait3A_564 : memref<40x128xf32, #tpu.memory_space<vmem_shared>>)
    %dma_wait3A_569 = arith.constant 0 : i32
    %dma_wait3A_570 = arith.constant 0 : i32
    %dma_wait3A_571 = arith.constant 0 : i32
    %dma_wait3A_572 = arith.constant 0 : i32
    %dma_wait3A_573 = tpu.memref_slice %arg13[%dma_wait3A_569, %dma_wait3A_571, %dma_wait3A_572] : memref<4x40x128xf32, #tpu.memory_space<vmem>> -> memref<1x40x128xf32, #tpu.memory_space<vmem>>
    %dma_wait3A_574 = tpu.memref_squeeze %dma_wait3A_573 : memref<1x40x128xf32, #tpu.memory_space<vmem>> -> memref<40x128xf32, #tpu.memory_space<vmem>>
    %dma_wait3A_575 = arith.constant 0 : i32
    %dma_wait3A_576 = tpu.memref_slice %arg9[%mul3A_0, %dma_wait3A_575] : memref<10240x128xf32, #tpu.memory_space<vmem_shared>> -> memref<40x128xf32, #tpu.memory_space<vmem_shared>>
    %dma_wait3A_577 = tpu.memref_slice %arg15[%dma_wait3A_570] : memref<4x!tpu.dma_semaphore, #tpu.memory_space<semaphore_mem>> -> memref<1x!tpu.dma_semaphore, #tpu.memory_space<semaphore_mem>>
    %dma_wait3A_578 = tpu.memref_squeeze %dma_wait3A_577 : memref<1x!tpu.dma_semaphore, #tpu.memory_space<semaphore_mem>> -> memref<!tpu.dma_semaphore, #tpu.memory_space<semaphore_mem>>
    %dma_wait3A_579 = arith.constant 0 : i32
    %dma_wait3A_580 = tpu.memref_slice %arg9[%mul3A_0, %dma_wait3A_579] : memref<10240x128xf32, #tpu.memory_space<vmem_shared>> -> memref<40x128xf32, #tpu.memory_space<vmem_shared>>
    %dma_wait3A_581 = arith.constant 0 : i32
    %dma_wait3A_582 = arith.constant 0 : i32
    %dma_wait3A_583 = tpu.memref_slice %arg13[%dma_wait3A_569, %dma_wait3A_581, %dma_wait3A_582] : memref<4x40x128xf32, #tpu.memory_space<vmem>> -> memref<1x40x128xf32, #tpu.memory_space<vmem>>
    %dma_wait3A_584 = tpu.memref_squeeze %dma_wait3A_583 : memref<1x40x128xf32, #tpu.memory_space<vmem>> -> memref<40x128xf32, #tpu.memory_space<vmem>>
    tpu.wait_dma2 semaphore(%dma_wait3A_578 : memref<!tpu.dma_semaphore, #tpu.memory_space<semaphore_mem>>) src(%dma_wait3A_584 : memref<40x128xf32, #tpu.memory_space<vmem>>) dst(%dma_wait3A_580 : memref<40x128xf32, #tpu.memory_space<vmem_shared>>)
    %dma_wait3A_585 = arith.constant 0 : i32
    %dma_wait3A_586 = arith.constant 0 : i32
    %dma_wait3A_587 = arith.constant 0 : i32
    %dma_wait3A_588 = arith.constant 0 : i32
    %dma_wait3A_589 = tpu.memref_slice %arg13[%dma_wait3A_585, %dma_wait3A_587, %dma_wait3A_588] : memref<4x40x128xf32, #tpu.memory_space<vmem>> -> memref<1x40x128xf32, #tpu.memory_space<vmem>>
    %dma_wait3A_590 = tpu.memref_squeeze %dma_wait3A_589 : memref<1x40x128xf32, #tpu.memory_space<vmem>> -> memref<40x128xf32, #tpu.memory_space<vmem>>
    %dma_wait3A_591 = arith.constant 0 : i32
    %dma_wait3A_592 = tpu.memref_slice %arg9[%mul3A_0, %dma_wait3A_591] : memref<10240x128xf32, #tpu.memory_space<vmem_shared>> -> memref<40x128xf32, #tpu.memory_space<vmem_shared>>
    %dma_wait3A_593 = tpu.memref_slice %arg15[%dma_wait3A_586] : memref<4x!tpu.dma_semaphore, #tpu.memory_space<semaphore_mem>> -> memref<1x!tpu.dma_semaphore, #tpu.memory_space<semaphore_mem>>
    %dma_wait3A_594 = tpu.memref_squeeze %dma_wait3A_593 : memref<1x!tpu.dma_semaphore, #tpu.memory_space<semaphore_mem>> -> memref<!tpu.dma_semaphore, #tpu.memory_space<semaphore_mem>>
    %dma_wait3A_595 = arith.constant 0 : i32
    %dma_wait3A_596 = tpu.memref_slice %arg9[%mul3A_0, %dma_wait3A_595] : memref<10240x128xf32, #tpu.memory_space<vmem_shared>> -> memref<40x128xf32, #tpu.memory_space<vmem_shared>>
    %dma_wait3A_597 = arith.constant 0 : i32
    %dma_wait3A_598 = arith.constant 0 : i32
    %dma_wait3A_599 = tpu.memref_slice %arg13[%dma_wait3A_585, %dma_wait3A_597, %dma_wait3A_598] : memref<4x40x128xf32, #tpu.memory_space<vmem>> -> memref<1x40x128xf32, #tpu.memory_space<vmem>>
    %dma_wait3A_600 = tpu.memref_squeeze %dma_wait3A_599 : memref<1x40x128xf32, #tpu.memory_space<vmem>> -> memref<40x128xf32, #tpu.memory_space<vmem>>
    tpu.wait_dma2 semaphore(%dma_wait3A_594 : memref<!tpu.dma_semaphore, #tpu.memory_space<semaphore_mem>>) src(%dma_wait3A_600 : memref<40x128xf32, #tpu.memory_space<vmem>>) dst(%dma_wait3A_596 : memref<40x128xf32, #tpu.memory_space<vmem_shared>>)
    %dma_wait3A_601 = arith.constant 0 : i32
    %dma_wait3A_602 = arith.constant 0 : i32
    %dma_wait3A_603 = arith.constant 0 : i32
    %dma_wait3A_604 = arith.constant 0 : i32
    %dma_wait3A_605 = tpu.memref_slice %arg13[%dma_wait3A_601, %dma_wait3A_603, %dma_wait3A_604] : memref<4x40x128xf32, #tpu.memory_space<vmem>> -> memref<1x40x128xf32, #tpu.memory_space<vmem>>
    %dma_wait3A_606 = tpu.memref_squeeze %dma_wait3A_605 : memref<1x40x128xf32, #tpu.memory_space<vmem>> -> memref<40x128xf32, #tpu.memory_space<vmem>>
    %dma_wait3A_607 = arith.constant 0 : i32
    %dma_wait3A_608 = tpu.memref_slice %arg9[%mul3A_0, %dma_wait3A_607] : memref<10240x128xf32, #tpu.memory_space<vmem_shared>> -> memref<40x128xf32, #tpu.memory_space<vmem_shared>>
    %dma_wait3A_609 = tpu.memref_slice %arg15[%dma_wait3A_602] : memref<4x!tpu.dma_semaphore, #tpu.memory_space<semaphore_mem>> -> memref<1x!tpu.dma_semaphore, #tpu.memory_space<semaphore_mem>>
    %dma_wait3A_610 = tpu.memref_squeeze %dma_wait3A_609 : memref<1x!tpu.dma_semaphore, #tpu.memory_space<semaphore_mem>> -> memref<!tpu.dma_semaphore, #tpu.memory_space<semaphore_mem>>
    %dma_wait3A_611 = arith.constant 0 : i32
    %dma_wait3A_612 = tpu.memref_slice %arg9[%mul3A_0, %dma_wait3A_611] : memref<10240x128xf32, #tpu.memory_space<vmem_shared>> -> memref<40x128xf32, #tpu.memory_space<vmem_shared>>
    %dma_wait3A_613 = arith.constant 0 : i32
    %dma_wait3A_614 = arith.constant 0 : i32
    %dma_wait3A_615 = tpu.memref_slice %arg13[%dma_wait3A_601, %dma_wait3A_613, %dma_wait3A_614] : memref<4x40x128xf32, #tpu.memory_space<vmem>> -> memref<1x40x128xf32, #tpu.memory_space<vmem>>
    %dma_wait3A_616 = tpu.memref_squeeze %dma_wait3A_615 : memref<1x40x128xf32, #tpu.memory_space<vmem>> -> memref<40x128xf32, #tpu.memory_space<vmem>>
    tpu.wait_dma2 semaphore(%dma_wait3A_610 : memref<!tpu.dma_semaphore, #tpu.memory_space<semaphore_mem>>) src(%dma_wait3A_616 : memref<40x128xf32, #tpu.memory_space<vmem>>) dst(%dma_wait3A_612 : memref<40x128xf32, #tpu.memory_space<vmem_shared>>)
    %dma_wait3A_617 = arith.constant 0 : i32
    %dma_wait3A_618 = arith.constant 0 : i32
    %dma_wait3A_619 = arith.constant 0 : i32
    %dma_wait3A_620 = arith.constant 0 : i32
    %dma_wait3A_621 = tpu.memref_slice %arg13[%dma_wait3A_617, %dma_wait3A_619, %dma_wait3A_620] : memref<4x40x128xf32, #tpu.memory_space<vmem>> -> memref<1x40x128xf32, #tpu.memory_space<vmem>>
    %dma_wait3A_622 = tpu.memref_squeeze %dma_wait3A_621 : memref<1x40x128xf32, #tpu.memory_space<vmem>> -> memref<40x128xf32, #tpu.memory_space<vmem>>
    %dma_wait3A_623 = arith.constant 0 : i32
    %dma_wait3A_624 = tpu.memref_slice %arg9[%mul3A_0, %dma_wait3A_623] : memref<10240x128xf32, #tpu.memory_space<vmem_shared>> -> memref<40x128xf32, #tpu.memory_space<vmem_shared>>
    %dma_wait3A_625 = tpu.memref_slice %arg15[%dma_wait3A_618] : memref<4x!tpu.dma_semaphore, #tpu.memory_space<semaphore_mem>> -> memref<1x!tpu.dma_semaphore, #tpu.memory_space<semaphore_mem>>
    %dma_wait3A_626 = tpu.memref_squeeze %dma_wait3A_625 : memref<1x!tpu.dma_semaphore, #tpu.memory_space<semaphore_mem>> -> memref<!tpu.dma_semaphore, #tpu.memory_space<semaphore_mem>>
    %dma_wait3A_627 = arith.constant 0 : i32
    %dma_wait3A_628 = tpu.memref_slice %arg9[%mul3A_0, %dma_wait3A_627] : memref<10240x128xf32, #tpu.memory_space<vmem_shared>> -> memref<40x128xf32, #tpu.memory_space<vmem_shared>>
    %dma_wait3A_629 = arith.constant 0 : i32
    %dma_wait3A_630 = arith.constant 0 : i32
    %dma_wait3A_631 = tpu.memref_slice %arg13[%dma_wait3A_617, %dma_wait3A_629, %dma_wait3A_630] : memref<4x40x128xf32, #tpu.memory_space<vmem>> -> memref<1x40x128xf32, #tpu.memory_space<vmem>>
    %dma_wait3A_632 = tpu.memref_squeeze %dma_wait3A_631 : memref<1x40x128xf32, #tpu.memory_space<vmem>> -> memref<40x128xf32, #tpu.memory_space<vmem>>
    tpu.wait_dma2 semaphore(%dma_wait3A_626 : memref<!tpu.dma_semaphore, #tpu.memory_space<semaphore_mem>>) src(%dma_wait3A_632 : memref<40x128xf32, #tpu.memory_space<vmem>>) dst(%dma_wait3A_628 : memref<40x128xf32, #tpu.memory_space<vmem_shared>>)
    %eq3A_633 = arith.constant 0 : i32
    %eq3A_634 = arith.cmpi eq, %arg0, %eq3A_633 : i32
    %convert_element_type3A_635 = arith.extui %eq3A_634 : i1 to i32
    %cond3A_636 = arith.constant 0 : i32
    %cond3A_637 = arith.cmpi ne, %convert_element_type3A_635, %cond3A_636 : i32
    scf.if %cond3A_637 {
      %dma_start3A_719 = arith.constant 0 : i32
      %dma_start3A_720 = arith.constant 0 : i32
      %dma_start3A_721 = arith.constant 0 : i32
      %dma_start3A_722 = arith.constant 0 : i32
      %dma_start3A_723 = tpu.memref_slice %arg13[%dma_start3A_719, %dma_start3A_721, %dma_start3A_722] : memref<4x40x128xf32, #tpu.memory_space<vmem>> -> memref<1x40x128xf32, #tpu.memory_space<vmem>>
      %dma_start3A_724 = tpu.memref_squeeze %dma_start3A_723 : memref<1x40x128xf32, #tpu.memory_space<vmem>> -> memref<40x128xf32, #tpu.memory_space<vmem>>
      %dma_start3A_725 = arith.constant 0 : i32
      %dma_start3A_726 = tpu.memref_slice %arg10[%dma_start3A_725] : memref<10000xi32, #tpu.memory_space<vmem>> -> memref<40xi32, #tpu.memory_space<vmem>>
      %dma_start3A_727 = arith.constant 0 : i32
      %dma_start3A_728 = arith.constant 0 : i32
      %dma_start3A_729 = tpu.memref_slice %arg2[%dma_start3A_727, %dma_start3A_728] : memref<10000x128xf32, #tpu.memory_space<hbm>> -> memref<10000x128xf32, #tpu.memory_space<hbm>>
      %dma_start3A_730 = tpu.memref_slice %arg15[%dma_start3A_720] : memref<4x!tpu.dma_semaphore, #tpu.memory_space<semaphore_mem>> -> memref<1x!tpu.dma_semaphore, #tpu.memory_space<semaphore_mem>>
      %dma_start3A_731 = tpu.memref_squeeze %dma_start3A_730 : memref<1x!tpu.dma_semaphore, #tpu.memory_space<semaphore_mem>> -> memref<!tpu.dma_semaphore, #tpu.memory_space<semaphore_mem>>
      tpu.enqueue_indirect_dma source(%dma_start3A_729 : memref<10000x128xf32, #tpu.memory_space<hbm>>) target(%dma_start3A_724 : memref<40x128xf32, #tpu.memory_space<vmem>>) offsets(%dma_start3A_726 : memref<40xi32, #tpu.memory_space<vmem>>) semaphore(%dma_start3A_731 : memref<!tpu.dma_semaphore, #tpu.memory_space<semaphore_mem>>)
    } else {
    }
    %ne3A_638 = arith.constant 0 : i32
    %ne3A_639 = arith.cmpi ne, %arg0, %ne3A_638 : i32
    %convert_element_type3A_640 = arith.extui %ne3A_639 : i1 to i32
    %cond3A_641 = arith.constant 0 : i32
    %cond3A_642 = arith.cmpi ne, %convert_element_type3A_640, %cond3A_641 : i32
    scf.if %cond3A_642 {
      %dma_start3A_719 = arith.constant 0 : i32
      %dma_start3A_720 = arith.constant 0 : i32
      %dma_start3A_721 = arith.constant 0 : i32
      %dma_start3A_722 = arith.constant 0 : i32
      %dma_start3A_723 = tpu.memref_slice %arg13[%dma_start3A_719, %dma_start3A_721, %dma_start3A_722] : memref<4x40x128xf32, #tpu.memory_space<vmem>> -> memref<1x40x128xf32, #tpu.memory_space<vmem>>
      %dma_start3A_724 = tpu.memref_squeeze %dma_start3A_723 : memref<1x40x128xf32, #tpu.memory_space<vmem>> -> memref<40x128xf32, #tpu.memory_space<vmem>>
      %dma_start3A_725 = arith.constant 0 : i32
      %dma_start3A_726 = tpu.memref_slice %arg10[%dma_start3A_725] : memref<10000xi32, #tpu.memory_space<vmem>> -> memref<40xi32, #tpu.memory_space<vmem>>
      %dma_start3A_727 = arith.constant 0 : i32
      %dma_start3A_728 = arith.constant 0 : i32
      %dma_start3A_729 = tpu.memref_slice %arg3[%dma_start3A_727, %dma_start3A_728] : memref<10000x128xf32, #tpu.memory_space<hbm>> -> memref<10000x128xf32, #tpu.memory_space<hbm>>
      %dma_start3A_730 = tpu.memref_slice %arg15[%dma_start3A_720] : memref<4x!tpu.dma_semaphore, #tpu.memory_space<semaphore_mem>> -> memref<1x!tpu.dma_semaphore, #tpu.memory_space<semaphore_mem>>
      %dma_start3A_731 = tpu.memref_squeeze %dma_start3A_730 : memref<1x!tpu.dma_semaphore, #tpu.memory_space<semaphore_mem>> -> memref<!tpu.dma_semaphore, #tpu.memory_space<semaphore_mem>>
      tpu.enqueue_indirect_dma source(%dma_start3A_729 : memref<10000x128xf32, #tpu.memory_space<hbm>>) target(%dma_start3A_724 : memref<40x128xf32, #tpu.memory_space<vmem>>) offsets(%dma_start3A_726 : memref<40xi32, #tpu.memory_space<vmem>>) semaphore(%dma_start3A_731 : memref<!tpu.dma_semaphore, #tpu.memory_space<semaphore_mem>>)
    } else {
    }
    %barrier3A = arith.constant 0 : index
    tpu.barrier barrier_id(%barrier3A)
    %scan3A = arith.constant 0 : i32
    %scan3A_643 = arith.constant 0 : i32
    %scan3A_644 = arith.constant 250 : i32
    %scan3A_645 = arith.addi %scan3A_643, %scan3A_644 : i32
    %scan3A_646 = arith.constant 1 : i32
    scf.for %scan3A_719 = %scan3A_643 to %scan3A_645 step %scan3A_646  : i32 {
      %rem3A = arith.constant 3 : i32
      %rem3A_720 = arith.remsi %scan3A_719, %rem3A : i32
      %rem3A_721 = arith.constant 4 : i32
      %rem3A_722 = arith.remsi %scan3A_719, %rem3A_721 : i32
      %add3A_723 = arith.constant 2 : i32
      %add3A_724 = arith.addi %scan3A_719, %add3A_723 : i32
      %lt3A = arith.constant 250 : i32
      %lt3A_725 = arith.cmpi slt, %add3A_724, %lt3A : i32
      %convert_element_type3A_726 = arith.extui %lt3A_725 : i1 to i32
      %cond3A_727 = arith.constant 0 : i32
      %cond3A_728 = arith.cmpi ne, %convert_element_type3A_726, %cond3A_727 : i32
      scf.if %cond3A_728 {
        %rem3A_783 = arith.constant 4 : i32
        %rem3A_784 = arith.remsi %add3A_724, %rem3A_783 : i32
        %ge3A = arith.constant 2 : i32
        %ge3A_785 = arith.cmpi sge, %scan3A_719, %ge3A : i32
        %convert_element_type3A_786 = arith.extui %ge3A_785 : i1 to i32
        %cond3A_787 = arith.constant 0 : i32
        %cond3A_788 = arith.cmpi ne, %convert_element_type3A_786, %cond3A_787 : i32
        scf.if %cond3A_788 {
          %dma_wait3A_830 = arith.constant 0 : i32
          %dma_wait3A_831 = arith.constant 0 : i32
          %dma_wait3A_832 = tpu.memref_slice %arg13[%rem3A_784, %dma_wait3A_830, %dma_wait3A_831] : memref<4x40x128xf32, #tpu.memory_space<vmem>> -> memref<1x40x128xf32, #tpu.memory_space<vmem>>
          %dma_wait3A_833 = tpu.memref_squeeze %dma_wait3A_832 : memref<1x40x128xf32, #tpu.memory_space<vmem>> -> memref<40x128xf32, #tpu.memory_space<vmem>>
          %dma_wait3A_834 = arith.constant 0 : i32
          %dma_wait3A_835 = tpu.memref_slice %arg11[%rem3A_784, %dma_wait3A_834] : memref<4x40xi32, #tpu.memory_space<vmem>> -> memref<1x40xi32, #tpu.memory_space<vmem>>
          %dma_wait3A_836 = tpu.memref_squeeze %dma_wait3A_835 : memref<1x40xi32, #tpu.memory_space<vmem>> -> memref<40xi32, #tpu.memory_space<vmem>>
          %dma_wait3A_837 = arith.constant 0 : i32
          %dma_wait3A_838 = arith.constant 0 : i32
          %dma_wait3A_839 = tpu.memref_slice %arg9[%dma_wait3A_837, %dma_wait3A_838] : memref<10240x128xf32, #tpu.memory_space<vmem_shared>> -> memref<10240x128xf32, #tpu.memory_space<vmem_shared>>
          %dma_wait3A_840 = tpu.memref_slice %arg16[%rem3A_784] : memref<4x!tpu.dma_semaphore, #tpu.memory_space<semaphore_mem>> -> memref<1x!tpu.dma_semaphore, #tpu.memory_space<semaphore_mem>>
          %dma_wait3A_841 = tpu.memref_squeeze %dma_wait3A_840 : memref<1x!tpu.dma_semaphore, #tpu.memory_space<semaphore_mem>> -> memref<!tpu.dma_semaphore, #tpu.memory_space<semaphore_mem>>
          tpu.wait_indirect_dma semaphore(%dma_wait3A_841 : memref<!tpu.dma_semaphore, #tpu.memory_space<semaphore_mem>>) src(%dma_wait3A_833 : memref<40x128xf32, #tpu.memory_space<vmem>>) dst(%dma_wait3A_839 : memref<10240x128xf32, #tpu.memory_space<vmem_shared>>)
        } else {
        }
        %rem3A_789 = arith.constant 3 : i32
        %rem3A_790 = arith.remsi %add3A_724, %rem3A_789 : i32
        %dma_start3A_791 = arith.constant 0 : i32
        %dma_start3A_792 = tpu.memref_slice %arg11[%rem3A_784, %dma_start3A_791] : memref<4x40xi32, #tpu.memory_space<vmem>> -> memref<1x40xi32, #tpu.memory_space<vmem>>
        %dma_start3A_793 = tpu.memref_squeeze %dma_start3A_792 : memref<1x40xi32, #tpu.memory_space<vmem>> -> memref<40xi32, #tpu.memory_space<vmem>>
        %dma_start3A_794 = arith.constant 0 : i32
        %dma_start3A_795 = tpu.memref_slice %arg6[%arg1, %add3A_724, %dma_start3A_794] : memref<16x250x40xi32, #tpu.memory_space<hbm>> -> memref<1x1x40xi32, #tpu.memory_space<hbm>>
        %dma_start3A_796 = tpu.memref_squeeze %dma_start3A_795 : memref<1x1x40xi32, #tpu.memory_space<hbm>> -> memref<40xi32, #tpu.memory_space<hbm>>
        %dma_start3A_797 = tpu.memref_slice %arg17[%rem3A_784] : memref<4x!tpu.dma_semaphore, #tpu.memory_space<semaphore_mem>> -> memref<1x!tpu.dma_semaphore, #tpu.memory_space<semaphore_mem>>
        %dma_start3A_798 = tpu.memref_squeeze %dma_start3A_797 : memref<1x!tpu.dma_semaphore, #tpu.memory_space<semaphore_mem>> -> memref<!tpu.dma_semaphore, #tpu.memory_space<semaphore_mem>>
        %dma_start3A_799 = arith.constant 0 : i32
        %dma_start3A_800 = tpu.memref_slice %arg11[%rem3A_784, %dma_start3A_799] : memref<4x40xi32, #tpu.memory_space<vmem>> -> memref<1x40xi32, #tpu.memory_space<vmem>>
        %dma_start3A_801 = tpu.memref_squeeze %dma_start3A_800 : memref<1x40xi32, #tpu.memory_space<vmem>> -> memref<40xi32, #tpu.memory_space<vmem>>
        %dma_start3A_802 = arith.constant 0 : i32
        %dma_start3A_803 = tpu.memref_slice %arg6[%arg1, %add3A_724, %dma_start3A_802] : memref<16x250x40xi32, #tpu.memory_space<hbm>> -> memref<1x1x40xi32, #tpu.memory_space<hbm>>
        %dma_start3A_804 = tpu.memref_squeeze %dma_start3A_803 : memref<1x1x40xi32, #tpu.memory_space<hbm>> -> memref<40xi32, #tpu.memory_space<hbm>>
        tpu.enqueue_dma source(%dma_start3A_804 : memref<40xi32, #tpu.memory_space<hbm>>) target(%dma_start3A_801 : memref<40xi32, #tpu.memory_space<vmem>>) target_semaphore(%dma_start3A_798 : memref<!tpu.dma_semaphore, #tpu.memory_space<semaphore_mem>>)
        %mul3A_805 = arith.constant 40 : i32
        %mul3A_806 = arith.muli %add3A_724, %mul3A_805 : i32
        %add3A_807 = arith.addi %mul3A_2, %mul3A_806 : i32
        %dma_start3A_808 = arith.constant 0 : i32
        %dma_start3A_809 = arith.constant 0 : i32
        %dma_start3A_810 = tpu.memref_slice %arg12[%rem3A_790, %dma_start3A_808, %dma_start3A_809] : memref<3x40x128xf32, #tpu.memory_space<vmem>> -> memref<1x40x128xf32, #tpu.memory_space<vmem>>
        %dma_start3A_811 = tpu.memref_squeeze %dma_start3A_810 : memref<1x40x128xf32, #tpu.memory_space<vmem>> -> memref<40x128xf32, #tpu.memory_space<vmem>>
        %dma_start3A_812 = tpu.memref_slice %arg4[%add3A_807, %mul3A_4] : memref<160000x256xf32, #tpu.memory_space<hbm>> -> memref<40x128xf32, #tpu.memory_space<hbm>>
        %dma_start3A_813 = tpu.memref_slice %arg14[%rem3A_790] : memref<3x!tpu.dma_semaphore, #tpu.memory_space<semaphore_mem>> -> memref<1x!tpu.dma_semaphore, #tpu.memory_space<semaphore_mem>>
        %dma_start3A_814 = tpu.memref_squeeze %dma_start3A_813 : memref<1x!tpu.dma_semaphore, #tpu.memory_space<semaphore_mem>> -> memref<!tpu.dma_semaphore, #tpu.memory_space<semaphore_mem>>
        %dma_start3A_815 = arith.constant 0 : i32
        %dma_start3A_816 = arith.constant 0 : i32
        %dma_start3A_817 = tpu.memref_slice %arg12[%rem3A_790, %dma_start3A_815, %dma_start3A_816] : memref<3x40x128xf32, #tpu.memory_space<vmem>> -> memref<1x40x128xf32, #tpu.memory_space<vmem>>
        %dma_start3A_818 = tpu.memref_squeeze %dma_start3A_817 : memref<1x40x128xf32, #tpu.memory_space<vmem>> -> memref<40x128xf32, #tpu.memory_space<vmem>>
        %dma_start3A_819 = tpu.memref_slice %arg4[%add3A_807, %mul3A_4] : memref<160000x256xf32, #tpu.memory_space<hbm>> -> memref<40x128xf32, #tpu.memory_space<hbm>>
        tpu.enqueue_dma source(%dma_start3A_819 : memref<40x128xf32, #tpu.memory_space<hbm>>) target(%dma_start3A_818 : memref<40x128xf32, #tpu.memory_space<vmem>>) target_semaphore(%dma_start3A_814 : memref<!tpu.dma_semaphore, #tpu.memory_space<semaphore_mem>>)
        %eq3A_820 = arith.constant 0 : i32
        %eq3A_821 = arith.cmpi eq, %arg0, %eq3A_820 : i32
        %convert_element_type3A_822 = arith.extui %eq3A_821 : i1 to i32
        %cond3A_823 = arith.constant 0 : i32
        %cond3A_824 = arith.cmpi ne, %convert_element_type3A_822, %cond3A_823 : i32
        scf.if %cond3A_824 {
          %mul3A_830 = arith.constant 40 : i32
          %mul3A_831 = arith.muli %add3A_724, %mul3A_830 : i32
          %dma_start3A_832 = arith.constant 0 : i32
          %dma_start3A_833 = arith.constant 0 : i32
          %dma_start3A_834 = tpu.memref_slice %arg13[%rem3A_784, %dma_start3A_832, %dma_start3A_833] : memref<4x40x128xf32, #tpu.memory_space<vmem>> -> memref<1x40x128xf32, #tpu.memory_space<vmem>>
          %dma_start3A_835 = tpu.memref_squeeze %dma_start3A_834 : memref<1x40x128xf32, #tpu.memory_space<vmem>> -> memref<40x128xf32, #tpu.memory_space<vmem>>
          %dma_start3A_836 = tpu.memref_slice %arg10[%mul3A_831] : memref<10000xi32, #tpu.memory_space<vmem>> -> memref<40xi32, #tpu.memory_space<vmem>>
          %dma_start3A_837 = arith.constant 0 : i32
          %dma_start3A_838 = arith.constant 0 : i32
          %dma_start3A_839 = tpu.memref_slice %arg2[%dma_start3A_837, %dma_start3A_838] : memref<10000x128xf32, #tpu.memory_space<hbm>> -> memref<10000x128xf32, #tpu.memory_space<hbm>>
          %dma_start3A_840 = tpu.memref_slice %arg15[%rem3A_784] : memref<4x!tpu.dma_semaphore, #tpu.memory_space<semaphore_mem>> -> memref<1x!tpu.dma_semaphore, #tpu.memory_space<semaphore_mem>>
          %dma_start3A_841 = tpu.memref_squeeze %dma_start3A_840 : memref<1x!tpu.dma_semaphore, #tpu.memory_space<semaphore_mem>> -> memref<!tpu.dma_semaphore, #tpu.memory_space<semaphore_mem>>
          tpu.enqueue_indirect_dma source(%dma_start3A_839 : memref<10000x128xf32, #tpu.memory_space<hbm>>) target(%dma_start3A_835 : memref<40x128xf32, #tpu.memory_space<vmem>>) offsets(%dma_start3A_836 : memref<40xi32, #tpu.memory_space<vmem>>) semaphore(%dma_start3A_841 : memref<!tpu.dma_semaphore, #tpu.memory_space<semaphore_mem>>)
        } else {
        }
        %ne3A_825 = arith.constant 0 : i32
        %ne3A_826 = arith.cmpi ne, %arg0, %ne3A_825 : i32
        %convert_element_type3A_827 = arith.extui %ne3A_826 : i1 to i32
        %cond3A_828 = arith.constant 0 : i32
        %cond3A_829 = arith.cmpi ne, %convert_element_type3A_827, %cond3A_828 : i32
        scf.if %cond3A_829 {
          %mul3A_830 = arith.constant 40 : i32
          %mul3A_831 = arith.muli %add3A_724, %mul3A_830 : i32
          %dma_start3A_832 = arith.constant 0 : i32
          %dma_start3A_833 = arith.constant 0 : i32
          %dma_start3A_834 = tpu.memref_slice %arg13[%rem3A_784, %dma_start3A_832, %dma_start3A_833] : memref<4x40x128xf32, #tpu.memory_space<vmem>> -> memref<1x40x128xf32, #tpu.memory_space<vmem>>
          %dma_start3A_835 = tpu.memref_squeeze %dma_start3A_834 : memref<1x40x128xf32, #tpu.memory_space<vmem>> -> memref<40x128xf32, #tpu.memory_space<vmem>>
          %dma_start3A_836 = tpu.memref_slice %arg10[%mul3A_831] : memref<10000xi32, #tpu.memory_space<vmem>> -> memref<40xi32, #tpu.memory_space<vmem>>
          %dma_start3A_837 = arith.constant 0 : i32
          %dma_start3A_838 = arith.constant 0 : i32
          %dma_start3A_839 = tpu.memref_slice %arg3[%dma_start3A_837, %dma_start3A_838] : memref<10000x128xf32, #tpu.memory_space<hbm>> -> memref<10000x128xf32, #tpu.memory_space<hbm>>
          %dma_start3A_840 = tpu.memref_slice %arg15[%rem3A_784] : memref<4x!tpu.dma_semaphore, #tpu.memory_space<semaphore_mem>> -> memref<1x!tpu.dma_semaphore, #tpu.memory_space<semaphore_mem>>
          %dma_start3A_841 = tpu.memref_squeeze %dma_start3A_840 : memref<1x!tpu.dma_semaphore, #tpu.memory_space<semaphore_mem>> -> memref<!tpu.dma_semaphore, #tpu.memory_space<semaphore_mem>>
          tpu.enqueue_indirect_dma source(%dma_start3A_839 : memref<10000x128xf32, #tpu.memory_space<hbm>>) target(%dma_start3A_835 : memref<40x128xf32, #tpu.memory_space<vmem>>) offsets(%dma_start3A_836 : memref<40xi32, #tpu.memory_space<vmem>>) semaphore(%dma_start3A_841 : memref<!tpu.dma_semaphore, #tpu.memory_space<semaphore_mem>>)
        } else {
        }
      } else {
      }
      %dma_wait3A_729 = arith.constant 0 : i32
      %dma_wait3A_730 = tpu.memref_slice %arg11[%rem3A_722, %dma_wait3A_729] : memref<4x40xi32, #tpu.memory_space<vmem>> -> memref<1x40xi32, #tpu.memory_space<vmem>>
      %dma_wait3A_731 = tpu.memref_squeeze %dma_wait3A_730 : memref<1x40xi32, #tpu.memory_space<vmem>> -> memref<40xi32, #tpu.memory_space<vmem>>
      %dma_wait3A_732 = arith.constant 0 : i32
      %dma_wait3A_733 = tpu.memref_slice %arg6[%arg1, %scan3A_719, %dma_wait3A_732] : memref<16x250x40xi32, #tpu.memory_space<hbm>> -> memref<1x1x40xi32, #tpu.memory_space<hbm>>
      %dma_wait3A_734 = tpu.memref_squeeze %dma_wait3A_733 : memref<1x1x40xi32, #tpu.memory_space<hbm>> -> memref<40xi32, #tpu.memory_space<hbm>>
      %dma_wait3A_735 = tpu.memref_slice %arg17[%rem3A_722] : memref<4x!tpu.dma_semaphore, #tpu.memory_space<semaphore_mem>> -> memref<1x!tpu.dma_semaphore, #tpu.memory_space<semaphore_mem>>
      %dma_wait3A_736 = tpu.memref_squeeze %dma_wait3A_735 : memref<1x!tpu.dma_semaphore, #tpu.memory_space<semaphore_mem>> -> memref<!tpu.dma_semaphore, #tpu.memory_space<semaphore_mem>>
      %dma_wait3A_737 = arith.constant 0 : i32
      %dma_wait3A_738 = tpu.memref_slice %arg11[%rem3A_722, %dma_wait3A_737] : memref<4x40xi32, #tpu.memory_space<vmem>> -> memref<1x40xi32, #tpu.memory_space<vmem>>
      %dma_wait3A_739 = tpu.memref_squeeze %dma_wait3A_738 : memref<1x40xi32, #tpu.memory_space<vmem>> -> memref<40xi32, #tpu.memory_space<vmem>>
      %dma_wait3A_740 = arith.constant 0 : i32
      %dma_wait3A_741 = tpu.memref_slice %arg6[%arg1, %scan3A_719, %dma_wait3A_740] : memref<16x250x40xi32, #tpu.memory_space<hbm>> -> memref<1x1x40xi32, #tpu.memory_space<hbm>>
      %dma_wait3A_742 = tpu.memref_squeeze %dma_wait3A_741 : memref<1x1x40xi32, #tpu.memory_space<hbm>> -> memref<40xi32, #tpu.memory_space<hbm>>
      tpu.wait_dma2 semaphore(%dma_wait3A_736 : memref<!tpu.dma_semaphore, #tpu.memory_space<semaphore_mem>>) src(%dma_wait3A_742 : memref<40xi32, #tpu.memory_space<hbm>>) dst(%dma_wait3A_739 : memref<40xi32, #tpu.memory_space<vmem>>)
      %mul3A_743 = arith.constant 40 : i32
      %mul3A_744 = arith.muli %scan3A_719, %mul3A_743 : i32
      %add3A_745 = arith.addi %mul3A_2, %mul3A_744 : i32
      %dma_wait3A_746 = arith.constant 0 : i32
      %dma_wait3A_747 = arith.constant 0 : i32
      %dma_wait3A_748 = tpu.memref_slice %arg12[%rem3A_720, %dma_wait3A_746, %dma_wait3A_747] : memref<3x40x128xf32, #tpu.memory_space<vmem>> -> memref<1x40x128xf32, #tpu.memory_space<vmem>>
      %dma_wait3A_749 = tpu.memref_squeeze %dma_wait3A_748 : memref<1x40x128xf32, #tpu.memory_space<vmem>> -> memref<40x128xf32, #tpu.memory_space<vmem>>
      %dma_wait3A_750 = tpu.memref_slice %arg4[%add3A_745, %mul3A_4] : memref<160000x256xf32, #tpu.memory_space<hbm>> -> memref<40x128xf32, #tpu.memory_space<hbm>>
      %dma_wait3A_751 = tpu.memref_slice %arg14[%rem3A_720] : memref<3x!tpu.dma_semaphore, #tpu.memory_space<semaphore_mem>> -> memref<1x!tpu.dma_semaphore, #tpu.memory_space<semaphore_mem>>
      %dma_wait3A_752 = tpu.memref_squeeze %dma_wait3A_751 : memref<1x!tpu.dma_semaphore, #tpu.memory_space<semaphore_mem>> -> memref<!tpu.dma_semaphore, #tpu.memory_space<semaphore_mem>>
      %dma_wait3A_753 = arith.constant 0 : i32
      %dma_wait3A_754 = arith.constant 0 : i32
      %dma_wait3A_755 = tpu.memref_slice %arg12[%rem3A_720, %dma_wait3A_753, %dma_wait3A_754] : memref<3x40x128xf32, #tpu.memory_space<vmem>> -> memref<1x40x128xf32, #tpu.memory_space<vmem>>
      %dma_wait3A_756 = tpu.memref_squeeze %dma_wait3A_755 : memref<1x40x128xf32, #tpu.memory_space<vmem>> -> memref<40x128xf32, #tpu.memory_space<vmem>>
      %dma_wait3A_757 = tpu.memref_slice %arg4[%add3A_745, %mul3A_4] : memref<160000x256xf32, #tpu.memory_space<hbm>> -> memref<40x128xf32, #tpu.memory_space<hbm>>
      tpu.wait_dma2 semaphore(%dma_wait3A_752 : memref<!tpu.dma_semaphore, #tpu.memory_space<semaphore_mem>>) src(%dma_wait3A_757 : memref<40x128xf32, #tpu.memory_space<hbm>>) dst(%dma_wait3A_756 : memref<40x128xf32, #tpu.memory_space<vmem>>)
      %eq3A_758 = arith.constant 0 : i32
      %eq3A_759 = arith.cmpi eq, %arg0, %eq3A_758 : i32
      %convert_element_type3A_760 = arith.extui %eq3A_759 : i1 to i32
      %cond3A_761 = arith.constant 0 : i32
      %cond3A_762 = arith.cmpi ne, %convert_element_type3A_760, %cond3A_761 : i32
      scf.if %cond3A_762 {
        %mul3A_783 = arith.constant 40 : i32
        %mul3A_784 = arith.muli %scan3A_719, %mul3A_783 : i32
        %dma_wait3A_785 = arith.constant 0 : i32
        %dma_wait3A_786 = arith.constant 0 : i32
        %dma_wait3A_787 = tpu.memref_slice %arg13[%rem3A_722, %dma_wait3A_785, %dma_wait3A_786] : memref<4x40x128xf32, #tpu.memory_space<vmem>> -> memref<1x40x128xf32, #tpu.memory_space<vmem>>
        %dma_wait3A_788 = tpu.memref_squeeze %dma_wait3A_787 : memref<1x40x128xf32, #tpu.memory_space<vmem>> -> memref<40x128xf32, #tpu.memory_space<vmem>>
        %dma_wait3A_789 = tpu.memref_slice %arg10[%mul3A_784] : memref<10000xi32, #tpu.memory_space<vmem>> -> memref<40xi32, #tpu.memory_space<vmem>>
        %dma_wait3A_790 = arith.constant 0 : i32
        %dma_wait3A_791 = arith.constant 0 : i32
        %dma_wait3A_792 = tpu.memref_slice %arg2[%dma_wait3A_790, %dma_wait3A_791] : memref<10000x128xf32, #tpu.memory_space<hbm>> -> memref<10000x128xf32, #tpu.memory_space<hbm>>
        %dma_wait3A_793 = tpu.memref_slice %arg15[%rem3A_722] : memref<4x!tpu.dma_semaphore, #tpu.memory_space<semaphore_mem>> -> memref<1x!tpu.dma_semaphore, #tpu.memory_space<semaphore_mem>>
        %dma_wait3A_794 = tpu.memref_squeeze %dma_wait3A_793 : memref<1x!tpu.dma_semaphore, #tpu.memory_space<semaphore_mem>> -> memref<!tpu.dma_semaphore, #tpu.memory_space<semaphore_mem>>
        tpu.wait_indirect_dma semaphore(%dma_wait3A_794 : memref<!tpu.dma_semaphore, #tpu.memory_space<semaphore_mem>>) src(%dma_wait3A_792 : memref<10000x128xf32, #tpu.memory_space<hbm>>) dst(%dma_wait3A_788 : memref<40x128xf32, #tpu.memory_space<vmem>>)
      } else {
      }
      %ne3A_763 = arith.constant 0 : i32
      %ne3A_764 = arith.cmpi ne, %arg0, %ne3A_763 : i32
      %convert_element_type3A_765 = arith.extui %ne3A_764 : i1 to i32
      %cond3A_766 = arith.constant 0 : i32
      %cond3A_767 = arith.cmpi ne, %convert_element_type3A_765, %cond3A_766 : i32
      scf.if %cond3A_767 {
        %mul3A_783 = arith.constant 40 : i32
        %mul3A_784 = arith.muli %scan3A_719, %mul3A_783 : i32
        %dma_wait3A_785 = arith.constant 0 : i32
        %dma_wait3A_786 = arith.constant 0 : i32
        %dma_wait3A_787 = tpu.memref_slice %arg13[%rem3A_722, %dma_wait3A_785, %dma_wait3A_786] : memref<4x40x128xf32, #tpu.memory_space<vmem>> -> memref<1x40x128xf32, #tpu.memory_space<vmem>>
        %dma_wait3A_788 = tpu.memref_squeeze %dma_wait3A_787 : memref<1x40x128xf32, #tpu.memory_space<vmem>> -> memref<40x128xf32, #tpu.memory_space<vmem>>
        %dma_wait3A_789 = tpu.memref_slice %arg10[%mul3A_784] : memref<10000xi32, #tpu.memory_space<vmem>> -> memref<40xi32, #tpu.memory_space<vmem>>
        %dma_wait3A_790 = arith.constant 0 : i32
        %dma_wait3A_791 = arith.constant 0 : i32
        %dma_wait3A_792 = tpu.memref_slice %arg3[%dma_wait3A_790, %dma_wait3A_791] : memref<10000x128xf32, #tpu.memory_space<hbm>> -> memref<10000x128xf32, #tpu.memory_space<hbm>>
        %dma_wait3A_793 = tpu.memref_slice %arg15[%rem3A_722] : memref<4x!tpu.dma_semaphore, #tpu.memory_space<semaphore_mem>> -> memref<1x!tpu.dma_semaphore, #tpu.memory_space<semaphore_mem>>
        %dma_wait3A_794 = tpu.memref_squeeze %dma_wait3A_793 : memref<1x!tpu.dma_semaphore, #tpu.memory_space<semaphore_mem>> -> memref<!tpu.dma_semaphore, #tpu.memory_space<semaphore_mem>>
        tpu.wait_indirect_dma semaphore(%dma_wait3A_794 : memref<!tpu.dma_semaphore, #tpu.memory_space<semaphore_mem>>) src(%dma_wait3A_792 : memref<10000x128xf32, #tpu.memory_space<hbm>>) dst(%dma_wait3A_788 : memref<40x128xf32, #tpu.memory_space<vmem>>)
      } else {
      }
      %parallel_loop3A_768 = arith.constant 0 : i32
      %parallel_loop3A_769 = arith.constant 40 : i32
      %parallel_loop3A_770 = arith.constant 1 : i32
      scf.for %parallel_loop3A_783 = %parallel_loop3A_768 to %parallel_loop3A_769 step %parallel_loop3A_770  : i32 {
        %parallel_loop3A_784 = arith.index_cast %rem3A_722 : i32 to index
        %parallel_loop3A_785 = arith.index_cast %parallel_loop3A_783 : i32 to index
        %parallel_loop3A_786 = arith.constant 0 : index
        %parallel_loop3A_787 = tpu.vector_load %arg13[%parallel_loop3A_784, %parallel_loop3A_785, %parallel_loop3A_786] {strides = array<i32>} : memref<4x40x128xf32, #tpu.memory_space<vmem>>, vector<1x1x16xf32>,
        %parallel_loop3A_788 = vector.shape_cast %parallel_loop3A_787 : vector<1x1x16xf32> to vector<16xf32>
        %parallel_loop3A_789 = arith.index_cast %rem3A_720 : i32 to index
        %parallel_loop3A_790 = arith.index_cast %parallel_loop3A_783 : i32 to index
        %parallel_loop3A_791 = arith.constant 0 : index
        %parallel_loop3A_792 = tpu.vector_load %arg12[%parallel_loop3A_789, %parallel_loop3A_790, %parallel_loop3A_791] {strides = array<i32>} : memref<3x40x128xf32, #tpu.memory_space<vmem>>, vector<1x1x16xf32>,
        %parallel_loop3A_793 = vector.shape_cast %parallel_loop3A_792 : vector<1x1x16xf32> to vector<16xf32>
        %parallel_loop3A_794 = arith.addf %parallel_loop3A_788, %parallel_loop3A_793 : vector<16xf32>
        %parallel_loop3A_795 = arith.constant 0.000000e+00 : f32
        %parallel_loop3A_796 = vector.broadcast %parallel_loop3A_795 : f32 to vector<16xf32>
        %parallel_loop3A_797 = arith.maximumf %parallel_loop3A_794, %parallel_loop3A_796 : vector<16xf32>
        %parallel_loop3A_798 = arith.index_cast %rem3A_722 : i32 to index
        %parallel_loop3A_799 = arith.index_cast %parallel_loop3A_783 : i32 to index
        %parallel_loop3A_800 = arith.constant 0 : index
        %parallel_loop3A_801 = tpu.vector_load %arg13[%parallel_loop3A_798, %parallel_loop3A_799, %parallel_loop3A_800] {strides = array<i32>} : memref<4x40x128xf32, #tpu.memory_space<vmem>>, vector<1x1x16xf32>,
        %parallel_loop3A_802 = vector.shape_cast %parallel_loop3A_801 : vector<1x1x16xf32> to vector<16xf32>
        %parallel_loop3A_803 = vector.shape_cast %parallel_loop3A_797 : vector<16xf32> to vector<1x1x16xf32>
        tpu.vector_store %arg13[%parallel_loop3A_798, %parallel_loop3A_799, %parallel_loop3A_800], %parallel_loop3A_803 {strides = array<i32>} : memref<4x40x128xf32, #tpu.memory_space<vmem>>, vector<1x1x16xf32>,
        %parallel_loop3A_804 = arith.index_cast %rem3A_722 : i32 to index
        %parallel_loop3A_805 = arith.index_cast %parallel_loop3A_783 : i32 to index
        %parallel_loop3A_806 = arith.constant 16 : index
        %parallel_loop3A_807 = tpu.vector_load %arg13[%parallel_loop3A_804, %parallel_loop3A_805, %parallel_loop3A_806] {strides = array<i32>} : memref<4x40x128xf32, #tpu.memory_space<vmem>>, vector<1x1x16xf32>,
        %parallel_loop3A_808 = vector.shape_cast %parallel_loop3A_807 : vector<1x1x16xf32> to vector<16xf32>
        %parallel_loop3A_809 = arith.index_cast %rem3A_720 : i32 to index
        %parallel_loop3A_810 = arith.index_cast %parallel_loop3A_783 : i32 to index
        %parallel_loop3A_811 = arith.constant 16 : index
        %parallel_loop3A_812 = tpu.vector_load %arg12[%parallel_loop3A_809, %parallel_loop3A_810, %parallel_loop3A_811] {strides = array<i32>} : memref<3x40x128xf32, #tpu.memory_space<vmem>>, vector<1x1x16xf32>,
        %parallel_loop3A_813 = vector.shape_cast %parallel_loop3A_812 : vector<1x1x16xf32> to vector<16xf32>
        %parallel_loop3A_814 = arith.addf %parallel_loop3A_808, %parallel_loop3A_813 : vector<16xf32>
        %parallel_loop3A_815 = arith.constant 0.000000e+00 : f32
        %parallel_loop3A_816 = vector.broadcast %parallel_loop3A_815 : f32 to vector<16xf32>
        %parallel_loop3A_817 = arith.maximumf %parallel_loop3A_814, %parallel_loop3A_816 : vector<16xf32>
        %parallel_loop3A_818 = arith.index_cast %rem3A_722 : i32 to index
        %parallel_loop3A_819 = arith.index_cast %parallel_loop3A_783 : i32 to index
        %parallel_loop3A_820 = arith.constant 16 : index
        %parallel_loop3A_821 = tpu.vector_load %arg13[%parallel_loop3A_818, %parallel_loop3A_819, %parallel_loop3A_820] {strides = array<i32>} : memref<4x40x128xf32, #tpu.memory_space<vmem>>, vector<1x1x16xf32>,
        %parallel_loop3A_822 = vector.shape_cast %parallel_loop3A_821 : vector<1x1x16xf32> to vector<16xf32>
        %parallel_loop3A_823 = vector.shape_cast %parallel_loop3A_817 : vector<16xf32> to vector<1x1x16xf32>
        tpu.vector_store %arg13[%parallel_loop3A_818, %parallel_loop3A_819, %parallel_loop3A_820], %parallel_loop3A_823 {strides = array<i32>} : memref<4x40x128xf32, #tpu.memory_space<vmem>>, vector<1x1x16xf32>,
        %parallel_loop3A_824 = arith.index_cast %rem3A_722 : i32 to index
        %parallel_loop3A_825 = arith.index_cast %parallel_loop3A_783 : i32 to index
        %parallel_loop3A_826 = arith.constant 32 : index
        %parallel_loop3A_827 = tpu.vector_load %arg13[%parallel_loop3A_824, %parallel_loop3A_825, %parallel_loop3A_826] {strides = array<i32>} : memref<4x40x128xf32, #tpu.memory_space<vmem>>, vector<1x1x16xf32>,
        %parallel_loop3A_828 = vector.shape_cast %parallel_loop3A_827 : vector<1x1x16xf32> to vector<16xf32>
        %parallel_loop3A_829 = arith.index_cast %rem3A_720 : i32 to index
        %parallel_loop3A_830 = arith.index_cast %parallel_loop3A_783 : i32 to index
        %parallel_loop3A_831 = arith.constant 32 : index
        %parallel_loop3A_832 = tpu.vector_load %arg12[%parallel_loop3A_829, %parallel_loop3A_830, %parallel_loop3A_831] {strides = array<i32>} : memref<3x40x128xf32, #tpu.memory_space<vmem>>, vector<1x1x16xf32>,
        %parallel_loop3A_833 = vector.shape_cast %parallel_loop3A_832 : vector<1x1x16xf32> to vector<16xf32>
        %parallel_loop3A_834 = arith.addf %parallel_loop3A_828, %parallel_loop3A_833 : vector<16xf32>
        %parallel_loop3A_835 = arith.constant 0.000000e+00 : f32
        %parallel_loop3A_836 = vector.broadcast %parallel_loop3A_835 : f32 to vector<16xf32>
        %parallel_loop3A_837 = arith.maximumf %parallel_loop3A_834, %parallel_loop3A_836 : vector<16xf32>
        %parallel_loop3A_838 = arith.index_cast %rem3A_722 : i32 to index
        %parallel_loop3A_839 = arith.index_cast %parallel_loop3A_783 : i32 to index
        %parallel_loop3A_840 = arith.constant 32 : index
        %parallel_loop3A_841 = tpu.vector_load %arg13[%parallel_loop3A_838, %parallel_loop3A_839, %parallel_loop3A_840] {strides = array<i32>} : memref<4x40x128xf32, #tpu.memory_space<vmem>>, vector<1x1x16xf32>,
        %parallel_loop3A_842 = vector.shape_cast %parallel_loop3A_841 : vector<1x1x16xf32> to vector<16xf32>
        %parallel_loop3A_843 = vector.shape_cast %parallel_loop3A_837 : vector<16xf32> to vector<1x1x16xf32>
        tpu.vector_store %arg13[%parallel_loop3A_838, %parallel_loop3A_839, %parallel_loop3A_840], %parallel_loop3A_843 {strides = array<i32>} : memref<4x40x128xf32, #tpu.memory_space<vmem>>, vector<1x1x16xf32>,
        %parallel_loop3A_844 = arith.index_cast %rem3A_722 : i32 to index
        %parallel_loop3A_845 = arith.index_cast %parallel_loop3A_783 : i32 to index
        %parallel_loop3A_846 = arith.constant 48 : index
        %parallel_loop3A_847 = tpu.vector_load %arg13[%parallel_loop3A_844, %parallel_loop3A_845, %parallel_loop3A_846] {strides = array<i32>} : memref<4x40x128xf32, #tpu.memory_space<vmem>>, vector<1x1x16xf32>,
        %parallel_loop3A_848 = vector.shape_cast %parallel_loop3A_847 : vector<1x1x16xf32> to vector<16xf32>
        %parallel_loop3A_849 = arith.index_cast %rem3A_720 : i32 to index
        %parallel_loop3A_850 = arith.index_cast %parallel_loop3A_783 : i32 to index
        %parallel_loop3A_851 = arith.constant 48 : index
        %parallel_loop3A_852 = tpu.vector_load %arg12[%parallel_loop3A_849, %parallel_loop3A_850, %parallel_loop3A_851] {strides = array<i32>} : memref<3x40x128xf32, #tpu.memory_space<vmem>>, vector<1x1x16xf32>,
        %parallel_loop3A_853 = vector.shape_cast %parallel_loop3A_852 : vector<1x1x16xf32> to vector<16xf32>
        %parallel_loop3A_854 = arith.addf %parallel_loop3A_848, %parallel_loop3A_853 : vector<16xf32>
        %parallel_loop3A_855 = arith.constant 0.000000e+00 : f32
        %parallel_loop3A_856 = vector.broadcast %parallel_loop3A_855 : f32 to vector<16xf32>
        %parallel_loop3A_857 = arith.maximumf %parallel_loop3A_854, %parallel_loop3A_856 : vector<16xf32>
        %parallel_loop3A_858 = arith.index_cast %rem3A_722 : i32 to index
        %parallel_loop3A_859 = arith.index_cast %parallel_loop3A_783 : i32 to index
        %parallel_loop3A_860 = arith.constant 48 : index
        %parallel_loop3A_861 = tpu.vector_load %arg13[%parallel_loop3A_858, %parallel_loop3A_859, %parallel_loop3A_860] {strides = array<i32>} : memref<4x40x128xf32, #tpu.memory_space<vmem>>, vector<1x1x16xf32>,
        %parallel_loop3A_862 = vector.shape_cast %parallel_loop3A_861 : vector<1x1x16xf32> to vector<16xf32>
        %parallel_loop3A_863 = vector.shape_cast %parallel_loop3A_857 : vector<16xf32> to vector<1x1x16xf32>
        tpu.vector_store %arg13[%parallel_loop3A_858, %parallel_loop3A_859, %parallel_loop3A_860], %parallel_loop3A_863 {strides = array<i32>} : memref<4x40x128xf32, #tpu.memory_space<vmem>>, vector<1x1x16xf32>,
        %parallel_loop3A_864 = arith.index_cast %rem3A_722 : i32 to index
        %parallel_loop3A_865 = arith.index_cast %parallel_loop3A_783 : i32 to index
        %parallel_loop3A_866 = arith.constant 64 : index
        %parallel_loop3A_867 = tpu.vector_load %arg13[%parallel_loop3A_864, %parallel_loop3A_865, %parallel_loop3A_866] {strides = array<i32>} : memref<4x40x128xf32, #tpu.memory_space<vmem>>, vector<1x1x16xf32>,
        %parallel_loop3A_868 = vector.shape_cast %parallel_loop3A_867 : vector<1x1x16xf32> to vector<16xf32>
        %parallel_loop3A_869 = arith.index_cast %rem3A_720 : i32 to index
        %parallel_loop3A_870 = arith.index_cast %parallel_loop3A_783 : i32 to index
        %parallel_loop3A_871 = arith.constant 64 : index
        %parallel_loop3A_872 = tpu.vector_load %arg12[%parallel_loop3A_869, %parallel_loop3A_870, %parallel_loop3A_871] {strides = array<i32>} : memref<3x40x128xf32, #tpu.memory_space<vmem>>, vector<1x1x16xf32>,
        %parallel_loop3A_873 = vector.shape_cast %parallel_loop3A_872 : vector<1x1x16xf32> to vector<16xf32>
        %parallel_loop3A_874 = arith.addf %parallel_loop3A_868, %parallel_loop3A_873 : vector<16xf32>
        %parallel_loop3A_875 = arith.constant 0.000000e+00 : f32
        %parallel_loop3A_876 = vector.broadcast %parallel_loop3A_875 : f32 to vector<16xf32>
        %parallel_loop3A_877 = arith.maximumf %parallel_loop3A_874, %parallel_loop3A_876 : vector<16xf32>
        %parallel_loop3A_878 = arith.index_cast %rem3A_722 : i32 to index
        %parallel_loop3A_879 = arith.index_cast %parallel_loop3A_783 : i32 to index
        %parallel_loop3A_880 = arith.constant 64 : index
        %parallel_loop3A_881 = tpu.vector_load %arg13[%parallel_loop3A_878, %parallel_loop3A_879, %parallel_loop3A_880] {strides = array<i32>} : memref<4x40x128xf32, #tpu.memory_space<vmem>>, vector<1x1x16xf32>,
        %parallel_loop3A_882 = vector.shape_cast %parallel_loop3A_881 : vector<1x1x16xf32> to vector<16xf32>
        %parallel_loop3A_883 = vector.shape_cast %parallel_loop3A_877 : vector<16xf32> to vector<1x1x16xf32>
        tpu.vector_store %arg13[%parallel_loop3A_878, %parallel_loop3A_879, %parallel_loop3A_880], %parallel_loop3A_883 {strides = array<i32>} : memref<4x40x128xf32, #tpu.memory_space<vmem>>, vector<1x1x16xf32>,
        %parallel_loop3A_884 = arith.index_cast %rem3A_722 : i32 to index
        %parallel_loop3A_885 = arith.index_cast %parallel_loop3A_783 : i32 to index
        %parallel_loop3A_886 = arith.constant 80 : index
        %parallel_loop3A_887 = tpu.vector_load %arg13[%parallel_loop3A_884, %parallel_loop3A_885, %parallel_loop3A_886] {strides = array<i32>} : memref<4x40x128xf32, #tpu.memory_space<vmem>>, vector<1x1x16xf32>,
        %parallel_loop3A_888 = vector.shape_cast %parallel_loop3A_887 : vector<1x1x16xf32> to vector<16xf32>
        %parallel_loop3A_889 = arith.index_cast %rem3A_720 : i32 to index
        %parallel_loop3A_890 = arith.index_cast %parallel_loop3A_783 : i32 to index
        %parallel_loop3A_891 = arith.constant 80 : index
        %parallel_loop3A_892 = tpu.vector_load %arg12[%parallel_loop3A_889, %parallel_loop3A_890, %parallel_loop3A_891] {strides = array<i32>} : memref<3x40x128xf32, #tpu.memory_space<vmem>>, vector<1x1x16xf32>,
        %parallel_loop3A_893 = vector.shape_cast %parallel_loop3A_892 : vector<1x1x16xf32> to vector<16xf32>
        %parallel_loop3A_894 = arith.addf %parallel_loop3A_888, %parallel_loop3A_893 : vector<16xf32>
        %parallel_loop3A_895 = arith.constant 0.000000e+00 : f32
        %parallel_loop3A_896 = vector.broadcast %parallel_loop3A_895 : f32 to vector<16xf32>
        %parallel_loop3A_897 = arith.maximumf %parallel_loop3A_894, %parallel_loop3A_896 : vector<16xf32>
        %parallel_loop3A_898 = arith.index_cast %rem3A_722 : i32 to index
        %parallel_loop3A_899 = arith.index_cast %parallel_loop3A_783 : i32 to index
        %parallel_loop3A_900 = arith.constant 80 : index
        %parallel_loop3A_901 = tpu.vector_load %arg13[%parallel_loop3A_898, %parallel_loop3A_899, %parallel_loop3A_900] {strides = array<i32>} : memref<4x40x128xf32, #tpu.memory_space<vmem>>, vector<1x1x16xf32>,
        %parallel_loop3A_902 = vector.shape_cast %parallel_loop3A_901 : vector<1x1x16xf32> to vector<16xf32>
        %parallel_loop3A_903 = vector.shape_cast %parallel_loop3A_897 : vector<16xf32> to vector<1x1x16xf32>
        tpu.vector_store %arg13[%parallel_loop3A_898, %parallel_loop3A_899, %parallel_loop3A_900], %parallel_loop3A_903 {strides = array<i32>} : memref<4x40x128xf32, #tpu.memory_space<vmem>>, vector<1x1x16xf32>,
        %parallel_loop3A_904 = arith.index_cast %rem3A_722 : i32 to index
        %parallel_loop3A_905 = arith.index_cast %parallel_loop3A_783 : i32 to index
        %parallel_loop3A_906 = arith.constant 96 : index
        %parallel_loop3A_907 = tpu.vector_load %arg13[%parallel_loop3A_904, %parallel_loop3A_905, %parallel_loop3A_906] {strides = array<i32>} : memref<4x40x128xf32, #tpu.memory_space<vmem>>, vector<1x1x16xf32>,
        %parallel_loop3A_908 = vector.shape_cast %parallel_loop3A_907 : vector<1x1x16xf32> to vector<16xf32>
        %parallel_loop3A_909 = arith.index_cast %rem3A_720 : i32 to index
        %parallel_loop3A_910 = arith.index_cast %parallel_loop3A_783 : i32 to index
        %parallel_loop3A_911 = arith.constant 96 : index
        %parallel_loop3A_912 = tpu.vector_load %arg12[%parallel_loop3A_909, %parallel_loop3A_910, %parallel_loop3A_911] {strides = array<i32>} : memref<3x40x128xf32, #tpu.memory_space<vmem>>, vector<1x1x16xf32>,
        %parallel_loop3A_913 = vector.shape_cast %parallel_loop3A_912 : vector<1x1x16xf32> to vector<16xf32>
        %parallel_loop3A_914 = arith.addf %parallel_loop3A_908, %parallel_loop3A_913 : vector<16xf32>
        %parallel_loop3A_915 = arith.constant 0.000000e+00 : f32
        %parallel_loop3A_916 = vector.broadcast %parallel_loop3A_915 : f32 to vector<16xf32>
        %parallel_loop3A_917 = arith.maximumf %parallel_loop3A_914, %parallel_loop3A_916 : vector<16xf32>
        %parallel_loop3A_918 = arith.index_cast %rem3A_722 : i32 to index
        %parallel_loop3A_919 = arith.index_cast %parallel_loop3A_783 : i32 to index
        %parallel_loop3A_920 = arith.constant 96 : index
        %parallel_loop3A_921 = tpu.vector_load %arg13[%parallel_loop3A_918, %parallel_loop3A_919, %parallel_loop3A_920] {strides = array<i32>} : memref<4x40x128xf32, #tpu.memory_space<vmem>>, vector<1x1x16xf32>,
        %parallel_loop3A_922 = vector.shape_cast %parallel_loop3A_921 : vector<1x1x16xf32> to vector<16xf32>
        %parallel_loop3A_923 = vector.shape_cast %parallel_loop3A_917 : vector<16xf32> to vector<1x1x16xf32>
        tpu.vector_store %arg13[%parallel_loop3A_918, %parallel_loop3A_919, %parallel_loop3A_920], %parallel_loop3A_923 {strides = array<i32>} : memref<4x40x128xf32, #tpu.memory_space<vmem>>, vector<1x1x16xf32>,
        %parallel_loop3A_924 = arith.index_cast %rem3A_722 : i32 to index
        %parallel_loop3A_925 = arith.index_cast %parallel_loop3A_783 : i32 to index
        %parallel_loop3A_926 = arith.constant 112 : index
        %parallel_loop3A_927 = tpu.vector_load %arg13[%parallel_loop3A_924, %parallel_loop3A_925, %parallel_loop3A_926] {strides = array<i32>} : memref<4x40x128xf32, #tpu.memory_space<vmem>>, vector<1x1x16xf32>,
        %parallel_loop3A_928 = vector.shape_cast %parallel_loop3A_927 : vector<1x1x16xf32> to vector<16xf32>
        %parallel_loop3A_929 = arith.index_cast %rem3A_720 : i32 to index
        %parallel_loop3A_930 = arith.index_cast %parallel_loop3A_783 : i32 to index
        %parallel_loop3A_931 = arith.constant 112 : index
        %parallel_loop3A_932 = tpu.vector_load %arg12[%parallel_loop3A_929, %parallel_loop3A_930, %parallel_loop3A_931] {strides = array<i32>} : memref<3x40x128xf32, #tpu.memory_space<vmem>>, vector<1x1x16xf32>,
        %parallel_loop3A_933 = vector.shape_cast %parallel_loop3A_932 : vector<1x1x16xf32> to vector<16xf32>
        %parallel_loop3A_934 = arith.addf %parallel_loop3A_928, %parallel_loop3A_933 : vector<16xf32>
        %parallel_loop3A_935 = arith.constant 0.000000e+00 : f32
        %parallel_loop3A_936 = vector.broadcast %parallel_loop3A_935 : f32 to vector<16xf32>
        %parallel_loop3A_937 = arith.maximumf %parallel_loop3A_934, %parallel_loop3A_936 : vector<16xf32>
        %parallel_loop3A_938 = arith.index_cast %rem3A_722 : i32 to index
        %parallel_loop3A_939 = arith.index_cast %parallel_loop3A_783 : i32 to index
        %parallel_loop3A_940 = arith.constant 112 : index
        %parallel_loop3A_941 = tpu.vector_load %arg13[%parallel_loop3A_938, %parallel_loop3A_939, %parallel_loop3A_940] {strides = array<i32>} : memref<4x40x128xf32, #tpu.memory_space<vmem>>, vector<1x1x16xf32>,
        %parallel_loop3A_942 = vector.shape_cast %parallel_loop3A_941 : vector<1x1x16xf32> to vector<16xf32>
        %parallel_loop3A_943 = vector.shape_cast %parallel_loop3A_937 : vector<16xf32> to vector<1x1x16xf32>
        tpu.vector_store %arg13[%parallel_loop3A_938, %parallel_loop3A_939, %parallel_loop3A_940], %parallel_loop3A_943 {strides = array<i32>} : memref<4x40x128xf32, #tpu.memory_space<vmem>>, vector<1x1x16xf32>,
      } {sc.loop_unroll_factor = 8 : i64, sc.parallel_access}
      %dma_start3A_771 = arith.constant 0 : i32
      %dma_start3A_772 = arith.constant 0 : i32
      %dma_start3A_773 = tpu.memref_slice %arg13[%rem3A_722, %dma_start3A_771, %dma_start3A_772] : memref<4x40x128xf32, #tpu.memory_space<vmem>> -> memref<1x40x128xf32, #tpu.memory_space<vmem>>
      %dma_start3A_774 = tpu.memref_squeeze %dma_start3A_773 : memref<1x40x128xf32, #tpu.memory_space<vmem>> -> memref<40x128xf32, #tpu.memory_space<vmem>>
      %dma_start3A_775 = arith.constant 0 : i32
      %dma_start3A_776 = tpu.memref_slice %arg11[%rem3A_722, %dma_start3A_775] : memref<4x40xi32, #tpu.memory_space<vmem>> -> memref<1x40xi32, #tpu.memory_space<vmem>>
      %dma_start3A_777 = tpu.memref_squeeze %dma_start3A_776 : memref<1x40xi32, #tpu.memory_space<vmem>> -> memref<40xi32, #tpu.memory_space<vmem>>
      %dma_start3A_778 = arith.constant 0 : i32
      %dma_start3A_779 = arith.constant 0 : i32
      %dma_start3A_780 = tpu.memref_slice %arg9[%dma_start3A_778, %dma_start3A_779] : memref<10240x128xf32, #tpu.memory_space<vmem_shared>> -> memref<10240x128xf32, #tpu.memory_space<vmem_shared>>
      %dma_start3A_781 = tpu.memref_slice %arg16[%rem3A_722] : memref<4x!tpu.dma_semaphore, #tpu.memory_space<semaphore_mem>> -> memref<1x!tpu.dma_semaphore, #tpu.memory_space<semaphore_mem>>
      %dma_start3A_782 = tpu.memref_squeeze %dma_start3A_781 : memref<1x!tpu.dma_semaphore, #tpu.memory_space<semaphore_mem>> -> memref<!tpu.dma_semaphore, #tpu.memory_space<semaphore_mem>>
      tpu.enqueue_indirect_dma source(%dma_start3A_774 : memref<40x128xf32, #tpu.memory_space<vmem>>) target(%dma_start3A_780 : memref<10240x128xf32, #tpu.memory_space<vmem_shared>>) offsets(%dma_start3A_777 : memref<40xi32, #tpu.memory_space<vmem>>) semaphore(%dma_start3A_782 : memref<!tpu.dma_semaphore, #tpu.memory_space<semaphore_mem>>) {add = true}
    }
    %scan3A_647 = arith.constant 250 : i32
    %dma_wait3A_648 = arith.constant 0 : i32
    %dma_wait3A_649 = arith.constant 0 : i32
    %dma_wait3A_650 = arith.constant 0 : i32
    %dma_wait3A_651 = arith.constant 0 : i32
    %dma_wait3A_652 = arith.constant 0 : i32
    %dma_wait3A_653 = tpu.memref_slice %arg13[%dma_wait3A_648, %dma_wait3A_651, %dma_wait3A_652] : memref<4x40x128xf32, #tpu.memory_space<vmem>> -> memref<1x40x128xf32, #tpu.memory_space<vmem>>
    %dma_wait3A_654 = tpu.memref_squeeze %dma_wait3A_653 : memref<1x40x128xf32, #tpu.memory_space<vmem>> -> memref<40x128xf32, #tpu.memory_space<vmem>>
    %dma_wait3A_655 = arith.constant 0 : i32
    %dma_wait3A_656 = tpu.memref_slice %arg11[%dma_wait3A_649, %dma_wait3A_655] : memref<4x40xi32, #tpu.memory_space<vmem>> -> memref<1x40xi32, #tpu.memory_space<vmem>>
    %dma_wait3A_657 = tpu.memref_squeeze %dma_wait3A_656 : memref<1x40xi32, #tpu.memory_space<vmem>> -> memref<40xi32, #tpu.memory_space<vmem>>
    %dma_wait3A_658 = arith.constant 0 : i32
    %dma_wait3A_659 = arith.constant 0 : i32
    %dma_wait3A_660 = tpu.memref_slice %arg9[%dma_wait3A_658, %dma_wait3A_659] : memref<10240x128xf32, #tpu.memory_space<vmem_shared>> -> memref<10240x128xf32, #tpu.memory_space<vmem_shared>>
    %dma_wait3A_661 = tpu.memref_slice %arg16[%dma_wait3A_650] : memref<4x!tpu.dma_semaphore, #tpu.memory_space<semaphore_mem>> -> memref<1x!tpu.dma_semaphore, #tpu.memory_space<semaphore_mem>>
    %dma_wait3A_662 = tpu.memref_squeeze %dma_wait3A_661 : memref<1x!tpu.dma_semaphore, #tpu.memory_space<semaphore_mem>> -> memref<!tpu.dma_semaphore, #tpu.memory_space<semaphore_mem>>
    tpu.wait_indirect_dma semaphore(%dma_wait3A_662 : memref<!tpu.dma_semaphore, #tpu.memory_space<semaphore_mem>>) src(%dma_wait3A_654 : memref<40x128xf32, #tpu.memory_space<vmem>>) dst(%dma_wait3A_660 : memref<10240x128xf32, #tpu.memory_space<vmem_shared>>)
    %dma_wait3A_663 = arith.constant 1 : i32
    %dma_wait3A_664 = arith.constant 1 : i32
    %dma_wait3A_665 = arith.constant 1 : i32
    %dma_wait3A_666 = arith.constant 0 : i32
    %dma_wait3A_667 = arith.constant 0 : i32
    %dma_wait3A_668 = tpu.memref_slice %arg13[%dma_wait3A_663, %dma_wait3A_666, %dma_wait3A_667] : memref<4x40x128xf32, #tpu.memory_space<vmem>> -> memref<1x40x128xf32, #tpu.memory_space<vmem>>
    %dma_wait3A_669 = tpu.memref_squeeze %dma_wait3A_668 : memref<1x40x128xf32, #tpu.memory_space<vmem>> -> memref<40x128xf32, #tpu.memory_space<vmem>>
    %dma_wait3A_670 = arith.constant 0 : i32
    %dma_wait3A_671 = tpu.memref_slice %arg11[%dma_wait3A_664, %dma_wait3A_670] : memref<4x40xi32, #tpu.memory_space<vmem>> -> memref<1x40xi32, #tpu.memory_space<vmem>>
    %dma_wait3A_672 = tpu.memref_squeeze %dma_wait3A_671 : memref<1x40xi32, #tpu.memory_space<vmem>> -> memref<40xi32, #tpu.memory_space<vmem>>
    %dma_wait3A_673 = arith.constant 0 : i32
    %dma_wait3A_674 = arith.constant 0 : i32
    %dma_wait3A_675 = tpu.memref_slice %arg9[%dma_wait3A_673, %dma_wait3A_674] : memref<10240x128xf32, #tpu.memory_space<vmem_shared>> -> memref<10240x128xf32, #tpu.memory_space<vmem_shared>>
    %dma_wait3A_676 = tpu.memref_slice %arg16[%dma_wait3A_665] : memref<4x!tpu.dma_semaphore, #tpu.memory_space<semaphore_mem>> -> memref<1x!tpu.dma_semaphore, #tpu.memory_space<semaphore_mem>>
    %dma_wait3A_677 = tpu.memref_squeeze %dma_wait3A_676 : memref<1x!tpu.dma_semaphore, #tpu.memory_space<semaphore_mem>> -> memref<!tpu.dma_semaphore, #tpu.memory_space<semaphore_mem>>
    tpu.wait_indirect_dma semaphore(%dma_wait3A_677 : memref<!tpu.dma_semaphore, #tpu.memory_space<semaphore_mem>>) src(%dma_wait3A_669 : memref<40x128xf32, #tpu.memory_space<vmem>>) dst(%dma_wait3A_675 : memref<10240x128xf32, #tpu.memory_space<vmem_shared>>)
    %dma_wait3A_678 = arith.constant 2 : i32
    %dma_wait3A_679 = arith.constant 2 : i32
    %dma_wait3A_680 = arith.constant 2 : i32
    %dma_wait3A_681 = arith.constant 0 : i32
    %dma_wait3A_682 = arith.constant 0 : i32
    %dma_wait3A_683 = tpu.memref_slice %arg13[%dma_wait3A_678, %dma_wait3A_681, %dma_wait3A_682] : memref<4x40x128xf32, #tpu.memory_space<vmem>> -> memref<1x40x128xf32, #tpu.memory_space<vmem>>
    %dma_wait3A_684 = tpu.memref_squeeze %dma_wait3A_683 : memref<1x40x128xf32, #tpu.memory_space<vmem>> -> memref<40x128xf32, #tpu.memory_space<vmem>>
    %dma_wait3A_685 = arith.constant 0 : i32
    %dma_wait3A_686 = tpu.memref_slice %arg11[%dma_wait3A_679, %dma_wait3A_685] : memref<4x40xi32, #tpu.memory_space<vmem>> -> memref<1x40xi32, #tpu.memory_space<vmem>>
    %dma_wait3A_687 = tpu.memref_squeeze %dma_wait3A_686 : memref<1x40xi32, #tpu.memory_space<vmem>> -> memref<40xi32, #tpu.memory_space<vmem>>
    %dma_wait3A_688 = arith.constant 0 : i32
    %dma_wait3A_689 = arith.constant 0 : i32
    %dma_wait3A_690 = tpu.memref_slice %arg9[%dma_wait3A_688, %dma_wait3A_689] : memref<10240x128xf32, #tpu.memory_space<vmem_shared>> -> memref<10240x128xf32, #tpu.memory_space<vmem_shared>>
    %dma_wait3A_691 = tpu.memref_slice %arg16[%dma_wait3A_680] : memref<4x!tpu.dma_semaphore, #tpu.memory_space<semaphore_mem>> -> memref<1x!tpu.dma_semaphore, #tpu.memory_space<semaphore_mem>>
    %dma_wait3A_692 = tpu.memref_squeeze %dma_wait3A_691 : memref<1x!tpu.dma_semaphore, #tpu.memory_space<semaphore_mem>> -> memref<!tpu.dma_semaphore, #tpu.memory_space<semaphore_mem>>
    tpu.wait_indirect_dma semaphore(%dma_wait3A_692 : memref<!tpu.dma_semaphore, #tpu.memory_space<semaphore_mem>>) src(%dma_wait3A_684 : memref<40x128xf32, #tpu.memory_space<vmem>>) dst(%dma_wait3A_690 : memref<10240x128xf32, #tpu.memory_space<vmem_shared>>)
    %dma_wait3A_693 = arith.constant 3 : i32
    %dma_wait3A_694 = arith.constant 3 : i32
    %dma_wait3A_695 = arith.constant 3 : i32
    %dma_wait3A_696 = arith.constant 0 : i32
    %dma_wait3A_697 = arith.constant 0 : i32
    %dma_wait3A_698 = tpu.memref_slice %arg13[%dma_wait3A_693, %dma_wait3A_696, %dma_wait3A_697] : memref<4x40x128xf32, #tpu.memory_space<vmem>> -> memref<1x40x128xf32, #tpu.memory_space<vmem>>
    %dma_wait3A_699 = tpu.memref_squeeze %dma_wait3A_698 : memref<1x40x128xf32, #tpu.memory_space<vmem>> -> memref<40x128xf32, #tpu.memory_space<vmem>>
    %dma_wait3A_700 = arith.constant 0 : i32
    %dma_wait3A_701 = tpu.memref_slice %arg11[%dma_wait3A_694, %dma_wait3A_700] : memref<4x40xi32, #tpu.memory_space<vmem>> -> memref<1x40xi32, #tpu.memory_space<vmem>>
    %dma_wait3A_702 = tpu.memref_squeeze %dma_wait3A_701 : memref<1x40xi32, #tpu.memory_space<vmem>> -> memref<40xi32, #tpu.memory_space<vmem>>
    %dma_wait3A_703 = arith.constant 0 : i32
    %dma_wait3A_704 = arith.constant 0 : i32
    %dma_wait3A_705 = tpu.memref_slice %arg9[%dma_wait3A_703, %dma_wait3A_704] : memref<10240x128xf32, #tpu.memory_space<vmem_shared>> -> memref<10240x128xf32, #tpu.memory_space<vmem_shared>>
    %dma_wait3A_706 = tpu.memref_slice %arg16[%dma_wait3A_695] : memref<4x!tpu.dma_semaphore, #tpu.memory_space<semaphore_mem>> -> memref<1x!tpu.dma_semaphore, #tpu.memory_space<semaphore_mem>>
    %dma_wait3A_707 = tpu.memref_squeeze %dma_wait3A_706 : memref<1x!tpu.dma_semaphore, #tpu.memory_space<semaphore_mem>> -> memref<!tpu.dma_semaphore, #tpu.memory_space<semaphore_mem>>
    tpu.wait_indirect_dma semaphore(%dma_wait3A_707 : memref<!tpu.dma_semaphore, #tpu.memory_space<semaphore_mem>>) src(%dma_wait3A_699 : memref<40x128xf32, #tpu.memory_space<vmem>>) dst(%dma_wait3A_705 : memref<10240x128xf32, #tpu.memory_space<vmem_shared>>)
    %barrier3A_708 = arith.constant 0 : index
    tpu.barrier barrier_id(%barrier3A_708)
    %eq3A_709 = arith.constant 0 : i32
    %eq3A_710 = arith.cmpi eq, %arg0, %eq3A_709 : i32
    %convert_element_type3A_711 = arith.extui %eq3A_710 : i1 to i32
    %cond3A_712 = arith.constant 0 : i32
    %cond3A_713 = arith.cmpi ne, %convert_element_type3A_711, %cond3A_712 : i32
    scf.if %cond3A_713 {
      %lt3A = arith.constant 15 : i32
      %lt3A_719 = arith.cmpi slt, %arg1, %lt3A : i32
      %convert_element_type3A_720 = arith.extui %lt3A_719 : i1 to i32
      %cond3A_721 = arith.constant 0 : i32
      %cond3A_722 = arith.cmpi ne, %convert_element_type3A_720, %cond3A_721 : i32
      scf.if %cond3A_722 {
        "tpu.region"() ({
          %run_scoped3A = tpu.sem_alloc : memref<!tpu.dma_semaphore, #tpu.memory_space<semaphore_mem>>
          %dma_start3A_728 = arith.constant 0 : i32
          %dma_start3A_729 = tpu.memref_slice %arg7[%mul3A_0, %dma_start3A_728] : memref<10000x128xf32, #tpu.memory_space<hbm>> -> memref<640x128xf32, #tpu.memory_space<hbm>>
          %dma_start3A_730 = arith.constant 0 : i32
          %dma_start3A_731 = tpu.memref_slice %arg9[%mul3A_0, %dma_start3A_730] : memref<10240x128xf32, #tpu.memory_space<vmem_shared>> -> memref<640x128xf32, #tpu.memory_space<vmem_shared>>
          tpu.enqueue_dma source(%dma_start3A_731 : memref<640x128xf32, #tpu.memory_space<vmem_shared>>) target(%dma_start3A_729 : memref<640x128xf32, #tpu.memory_space<hbm>>) target_semaphore(%run_scoped3A : memref<!tpu.dma_semaphore, #tpu.memory_space<semaphore_mem>>)
          %dma_wait3A_732 = arith.constant 0 : i32
          %dma_wait3A_733 = tpu.memref_slice %arg7[%mul3A_0, %dma_wait3A_732] : memref<10000x128xf32, #tpu.memory_space<hbm>> -> memref<640x128xf32, #tpu.memory_space<hbm>>
          %dma_wait3A_734 = arith.constant 0 : i32
          %dma_wait3A_735 = tpu.memref_slice %arg9[%mul3A_0, %dma_wait3A_734] : memref<10240x128xf32, #tpu.memory_space<vmem_shared>> -> memref<640x128xf32, #tpu.memory_space<vmem_shared>>
          tpu.wait_dma2 semaphore(%run_scoped3A : memref<!tpu.dma_semaphore, #tpu.memory_space<semaphore_mem>>) src(%dma_wait3A_735 : memref<640x128xf32, #tpu.memory_space<vmem_shared>>) dst(%dma_wait3A_733 : memref<640x128xf32, #tpu.memory_space<hbm>>)
          tpu.yield
        }) : () -> ()
      } else {
      }
      %eq3A_723 = arith.constant 15 : i32
      %eq3A_724 = arith.cmpi eq, %arg1, %eq3A_723 : i32
      %convert_element_type3A_725 = arith.extui %eq3A_724 : i1 to i32
      %cond3A_726 = arith.constant 0 : i32
      %cond3A_727 = arith.cmpi ne, %convert_element_type3A_725, %cond3A_726 : i32
      scf.if %cond3A_727 {
        "tpu.region"() ({
          %run_scoped3A = tpu.sem_alloc : memref<!tpu.dma_semaphore, #tpu.memory_space<semaphore_mem>>
          %dma_start3A_728 = arith.constant 0 : i32
          %dma_start3A_729 = tpu.memref_slice %arg7[%mul3A_0, %dma_start3A_728] : memref<10000x128xf32, #tpu.memory_space<hbm>> -> memref<400x128xf32, #tpu.memory_space<hbm>>
          %dma_start3A_730 = arith.constant 0 : i32
          %dma_start3A_731 = tpu.memref_slice %arg9[%mul3A_0, %dma_start3A_730] : memref<10240x128xf32, #tpu.memory_space<vmem_shared>> -> memref<400x128xf32, #tpu.memory_space<vmem_shared>>
          tpu.enqueue_dma source(%dma_start3A_731 : memref<400x128xf32, #tpu.memory_space<vmem_shared>>) target(%dma_start3A_729 : memref<400x128xf32, #tpu.memory_space<hbm>>) target_semaphore(%run_scoped3A : memref<!tpu.dma_semaphore, #tpu.memory_space<semaphore_mem>>)
          %dma_wait3A_732 = arith.constant 0 : i32
          %dma_wait3A_733 = tpu.memref_slice %arg7[%mul3A_0, %dma_wait3A_732] : memref<10000x128xf32, #tpu.memory_space<hbm>> -> memref<400x128xf32, #tpu.memory_space<hbm>>
          %dma_wait3A_734 = arith.constant 0 : i32
          %dma_wait3A_735 = tpu.memref_slice %arg9[%mul3A_0, %dma_wait3A_734] : memref<10240x128xf32, #tpu.memory_space<vmem_shared>> -> memref<400x128xf32, #tpu.memory_space<vmem_shared>>
          tpu.wait_dma2 semaphore(%run_scoped3A : memref<!tpu.dma_semaphore, #tpu.memory_space<semaphore_mem>>) src(%dma_wait3A_735 : memref<400x128xf32, #tpu.memory_space<vmem_shared>>) dst(%dma_wait3A_733 : memref<400x128xf32, #tpu.memory_space<hbm>>)
          tpu.yield
        }) : () -> ()
      } else {
      }
    } else {
    }
    %ne3A_714 = arith.constant 0 : i32
    %ne3A_715 = arith.cmpi ne, %arg0, %ne3A_714 : i32
    %convert_element_type3A_716 = arith.extui %ne3A_715 : i1 to i32
    %cond3A_717 = arith.constant 0 : i32
    %cond3A_718 = arith.cmpi ne, %convert_element_type3A_716, %cond3A_717 : i32
    scf.if %cond3A_718 {
      %lt3A = arith.constant 15 : i32
      %lt3A_719 = arith.cmpi slt, %arg1, %lt3A : i32
      %convert_element_type3A_720 = arith.extui %lt3A_719 : i1 to i32
      %cond3A_721 = arith.constant 0 : i32
      %cond3A_722 = arith.cmpi ne, %convert_element_type3A_720, %cond3A_721 : i32
      scf.if %cond3A_722 {
        "tpu.region"() ({
          %run_scoped3A = tpu.sem_alloc : memref<!tpu.dma_semaphore, #tpu.memory_space<semaphore_mem>>
          %dma_start3A_728 = arith.constant 0 : i32
          %dma_start3A_729 = tpu.memref_slice %arg8[%mul3A_0, %dma_start3A_728] : memref<10000x128xf32, #tpu.memory_space<hbm>> -> memref<640x128xf32, #tpu.memory_space<hbm>>
          %dma_start3A_730 = arith.constant 0 : i32
          %dma_start3A_731 = tpu.memref_slice %arg9[%mul3A_0, %dma_start3A_730] : memref<10240x128xf32, #tpu.memory_space<vmem_shared>> -> memref<640x128xf32, #tpu.memory_space<vmem_shared>>
          tpu.enqueue_dma source(%dma_start3A_731 : memref<640x128xf32, #tpu.memory_space<vmem_shared>>) target(%dma_start3A_729 : memref<640x128xf32, #tpu.memory_space<hbm>>) target_semaphore(%run_scoped3A : memref<!tpu.dma_semaphore, #tpu.memory_space<semaphore_mem>>)
          %dma_wait3A_732 = arith.constant 0 : i32
          %dma_wait3A_733 = tpu.memref_slice %arg8[%mul3A_0, %dma_wait3A_732] : memref<10000x128xf32, #tpu.memory_space<hbm>> -> memref<640x128xf32, #tpu.memory_space<hbm>>
          %dma_wait3A_734 = arith.constant 0 : i32
          %dma_wait3A_735 = tpu.memref_slice %arg9[%mul3A_0, %dma_wait3A_734] : memref<10240x128xf32, #tpu.memory_space<vmem_shared>> -> memref<640x128xf32, #tpu.memory_space<vmem_shared>>
          tpu.wait_dma2 semaphore(%run_scoped3A : memref<!tpu.dma_semaphore, #tpu.memory_space<semaphore_mem>>) src(%dma_wait3A_735 : memref<640x128xf32, #tpu.memory_space<vmem_shared>>) dst(%dma_wait3A_733 : memref<640x128xf32, #tpu.memory_space<hbm>>)
          tpu.yield
        }) : () -> ()
      } else {
      }
      %eq3A_723 = arith.constant 15 : i32
      %eq3A_724 = arith.cmpi eq, %arg1, %eq3A_723 : i32
      %convert_element_type3A_725 = arith.extui %eq3A_724 : i1 to i32
      %cond3A_726 = arith.constant 0 : i32
      %cond3A_727 = arith.cmpi ne, %convert_element_type3A_725, %cond3A_726 : i32
      scf.if %cond3A_727 {
        "tpu.region"() ({
          %run_scoped3A = tpu.sem_alloc : memref<!tpu.dma_semaphore, #tpu.memory_space<semaphore_mem>>
          %dma_start3A_728 = arith.constant 0 : i32
          %dma_start3A_729 = tpu.memref_slice %arg8[%mul3A_0, %dma_start3A_728] : memref<10000x128xf32, #tpu.memory_space<hbm>> -> memref<400x128xf32, #tpu.memory_space<hbm>>
          %dma_start3A_730 = arith.constant 0 : i32
          %dma_start3A_731 = tpu.memref_slice %arg9[%mul3A_0, %dma_start3A_730] : memref<10240x128xf32, #tpu.memory_space<vmem_shared>> -> memref<400x128xf32, #tpu.memory_space<vmem_shared>>
          tpu.enqueue_dma source(%dma_start3A_731 : memref<400x128xf32, #tpu.memory_space<vmem_shared>>) target(%dma_start3A_729 : memref<400x128xf32, #tpu.memory_space<hbm>>) target_semaphore(%run_scoped3A : memref<!tpu.dma_semaphore, #tpu.memory_space<semaphore_mem>>)
          %dma_wait3A_732 = arith.constant 0 : i32
          %dma_wait3A_733 = tpu.memref_slice %arg8[%mul3A_0, %dma_wait3A_732] : memref<10000x128xf32, #tpu.memory_space<hbm>> -> memref<400x128xf32, #tpu.memory_space<hbm>>
          %dma_wait3A_734 = arith.constant 0 : i32
          %dma_wait3A_735 = tpu.memref_slice %arg9[%mul3A_0, %dma_wait3A_734] : memref<10240x128xf32, #tpu.memory_space<vmem_shared>> -> memref<400x128xf32, #tpu.memory_space<vmem_shared>>
          tpu.wait_dma2 semaphore(%run_scoped3A : memref<!tpu.dma_semaphore, #tpu.memory_space<semaphore_mem>>) src(%dma_wait3A_735 : memref<400x128xf32, #tpu.memory_space<vmem_shared>>) dst(%dma_wait3A_733 : memref<400x128xf32, #tpu.memory_space<hbm>>)
          tpu.yield
        }) : () -> ()
      } else {
      }
    } else {
    }
    return
  }
}

module attributes {stable_mosaic.version = 14 : i64} {
  func.func @_tc_block(%arg0: i32, %arg1: memref<1000x256xf32, #tpu.memory_space<vmem>>, %arg2: memref<1000x128xf32, #tpu.memory_space<vmem>>, %arg3: memref<1000x128xf32, #tpu.memory_space<vmem>>, %arg4: memref<256x512xf32, #tpu.memory_space<vmem>>, %arg5: memref<1x512xf32, #tpu.memory_space<vmem>>, %arg6: memref<512x256xf32, #tpu.memory_space<vmem>>, %arg7: memref<1x256xf32, #tpu.memory_space<vmem>>, %arg8: memref<1x256xf32, #tpu.memory_space<vmem>>, %arg9: memref<1x256xf32, #tpu.memory_space<vmem>>, %arg10: memref<10000x1xi32, #tpu.memory_space<vmem>>, %arg11: memref<1000x1xi32, #tpu.memory_space<vmem>>, %arg12: memref<1000x256xf32, #tpu.memory_space<vmem>>, %arg13: memref<8x128xf32, #tpu.memory_space<vmem>>) attributes {dimension_semantics = [#tpu.dimension_semantics<arbitrary>], iteration_bounds = array<i64: 10>, scalar_prefetch = 0 : i64, scratch_operands = 1 : i64, tpu.core_type = #tpu.core_type<tc>, window_params = [{transform_indices = @transform_0, window_bounds = array<i64: 1000, 256>}, {transform_indices = @transform_1, window_bounds = array<i64: 1000, 128>}, {transform_indices = @transform_2, window_bounds = array<i64: 1000, 128>}, {pipeline_mode = #tpu.pipeline_mode<synchronous>, transform_indices = @transform_3, window_bounds = array<i64: 256, 512>}, {pipeline_mode = #tpu.pipeline_mode<synchronous>, transform_indices = @transform_4, window_bounds = array<i64: 1, 512>}, {pipeline_mode = #tpu.pipeline_mode<synchronous>, transform_indices = @transform_5, window_bounds = array<i64: 512, 256>}, {pipeline_mode = #tpu.pipeline_mode<synchronous>, transform_indices = @transform_6, window_bounds = array<i64: 1, 256>}, {pipeline_mode = #tpu.pipeline_mode<synchronous>, transform_indices = @transform_7, window_bounds = array<i64: 1, 256>}, {pipeline_mode = #tpu.pipeline_mode<synchronous>, transform_indices = @transform_8, window_bounds = array<i64: 1, 256>}, {pipeline_mode = #tpu.pipeline_mode<synchronous>, transform_indices = @transform_9, window_bounds = array<i64: 10000, 1>}, {transform_indices = @transform_10, window_bounds = array<i64: 1000, 1>}, {transform_indices = @transform_11, window_bounds = array<i64: 1000, 256>}]} {
    %iota3A = tpu.iota {dimensions = array<i32: 1>} : vector<1x64xi32>
    %eq3A = arith.constant 0 : i32
    %eq3A_0 = arith.cmpi eq, %arg0, %eq3A : i32
    %convert_element_type3A = arith.extui %eq3A_0 : i1 to i32
    %cond3A = arith.constant 0 : i32
    %cond3A_1 = arith.cmpi ne, %convert_element_type3A, %cond3A : i32
    scf.if %cond3A_1 {
      %get3A_88 = arith.constant 0 : index
      %get3A_89 = arith.constant 0 : index
      %get3A_90 = vector.load %arg10[%get3A_88, %get3A_89] : memref<10000x1xi32, #tpu.memory_space<vmem>>, vector<10000x1xi32>
      %eq3A_91 = vector.broadcast %get3A_90 : vector<10000x1xi32> to vector<10000x64xi32>
      %eq3A_92 = vector.broadcast %iota3A : vector<1x64xi32> to vector<10000x64xi32>
      %eq3A_93 = arith.cmpi eq, %eq3A_91, %eq3A_92 : vector<10000x64xi32>
      %convert_element_type3A_94 = arith.extui %eq3A_93 : vector<10000x64xi1> to vector<10000x64xi32>
      %convert_element_type3A_95 = arith.sitofp %convert_element_type3A_94 : vector<10000x64xi32> to vector<10000x64xf32>
      %reduce_sum3A_96 = arith.constant dense<0.000000e+00> : vector<64xf32>
      %reduce_sum3A_97 = vector.multi_reduction <add>, %convert_element_type3A_95, %reduce_sum3A_96 [0] : vector<10000x64xf32> to vector<64xf32>
      %broadcast_in_dim3A_98 = vector.shape_cast %reduce_sum3A_97 : vector<64xf32> to vector<1x64xf32>
      %max3A = arith.constant 1.000000e+00 : f32
      %max3A_99 = vector.broadcast %max3A : f32 to vector<1x64xf32>
      %max3A_100 = arith.maximumf %broadcast_in_dim3A_98, %max3A_99 : vector<1x64xf32>
      %rsqrt3A_101 = math.rsqrt %max3A_100 : vector<1x64xf32>
      %swap3A_102 = arith.constant 0 : index
      %swap3A_103 = arith.constant 0 : index
      %swap3A_104 = vector.load %arg13[%swap3A_102, %swap3A_103] : memref<8x128xf32, #tpu.memory_space<vmem>>, vector<1x64xf32>
      tpu.vector_store %arg13[%swap3A_102, %swap3A_103], %rsqrt3A_101 {strides = array<i32>} : memref<8x128xf32, #tpu.memory_space<vmem>>, vector<1x64xf32>,
    } else {
    }
    %get3A = arith.constant 0 : index
    %get3A_2 = arith.constant 0 : index
    %get3A_3 = vector.load %arg1[%get3A, %get3A_2] : memref<1000x256xf32, #tpu.memory_space<vmem>>, vector<1000x256xf32>
    %get3A_4 = arith.constant 0 : index
    %get3A_5 = arith.constant 0 : index
    %get3A_6 = vector.load %arg2[%get3A_4, %get3A_5] : memref<1000x128xf32, #tpu.memory_space<vmem>>, vector<1000x128xf32>
    %get3A_7 = arith.constant 0 : index
    %get3A_8 = arith.constant 0 : index
    %get3A_9 = vector.load %arg3[%get3A_7, %get3A_8] : memref<1000x128xf32, #tpu.memory_space<vmem>>, vector<1000x128xf32>
    %concatenate3A = tpu.concatenate %get3A_6, %get3A_9 in 1 : vector<1000x128xf32>, vector<1000x128xf32> -> vector<1000x256xf32>
    %add3A = arith.addf %get3A_3, %concatenate3A : vector<1000x256xf32>
    %get3A_10 = arith.constant 0 : index
    %get3A_11 = arith.constant 0 : index
    %get3A_12 = vector.load %arg4[%get3A_10, %get3A_11] : memref<256x512xf32, #tpu.memory_space<vmem>>, vector<256x512xf32>
    %dot_general3A = arith.constant dense<0.000000e+00> : vector<1000x512xf32>
    %dot_general3A_13 = tpu.matmul %add3A, %get3A_12, %dot_general3A {dimension_numbers = #tpu.dot_dimension_numbers<[1], [0], [0], [1], [0, 0, 1, 1], [], []>, transpose_lhs_hint = false} : vector<1000x256xf32>, vector<256x512xf32>, vector<1000x512xf32> -> vector<1000x512xf32>
    %get3A_14 = arith.constant 0 : index
    %get3A_15 = arith.constant 0 : index
    %get3A_16 = vector.load %arg5[%get3A_14, %get3A_15] : memref<1x512xf32, #tpu.memory_space<vmem>>, vector<1x512xf32>
    %add3A_17 = vector.broadcast %get3A_16 : vector<1x512xf32> to vector<1000x512xf32>
    %add3A_18 = arith.addf %dot_general3A_13, %add3A_17 : vector<1000x512xf32>
    %gt3A = arith.constant 0.000000e+00 : f32
    %gt3A_19 = vector.broadcast %gt3A : f32 to vector<1000x512xf32>
    %gt3A_20 = arith.cmpf ogt, %add3A_18, %gt3A_19 : vector<1000x512xf32>
    %mul3A = arith.constant 2.000000e-01 : f32
    %mul3A_21 = vector.broadcast %mul3A : f32 to vector<1000x512xf32>
    %mul3A_22 = arith.mulf %mul3A_21, %add3A_18 : vector<1000x512xf32>
    %select_n3A = arith.select %gt3A_20, %add3A_18, %mul3A_22 : vector<1000x512xi1>, vector<1000x512xf32>
    %get3A_23 = arith.constant 0 : index
    %get3A_24 = arith.constant 0 : index
    %get3A_25 = vector.load %arg6[%get3A_23, %get3A_24] : memref<512x256xf32, #tpu.memory_space<vmem>>, vector<512x256xf32>
    %dot_general3A_26 = arith.constant dense<0.000000e+00> : vector<1000x256xf32>
    %dot_general3A_27 = tpu.matmul %select_n3A, %get3A_25, %dot_general3A_26 {dimension_numbers = #tpu.dot_dimension_numbers<[1], [0], [0], [1], [0, 0, 1, 1], [], []>, transpose_lhs_hint = false} : vector<1000x512xf32>, vector<512x256xf32>, vector<1000x256xf32> -> vector<1000x256xf32>
    %get3A_28 = arith.constant 0 : index
    %get3A_29 = arith.constant 0 : index
    %get3A_30 = vector.load %arg7[%get3A_28, %get3A_29] : memref<1x256xf32, #tpu.memory_space<vmem>>, vector<1x256xf32>
    %add3A_31 = vector.broadcast %get3A_30 : vector<1x256xf32> to vector<1000x256xf32>
    %add3A_32 = arith.addf %dot_general3A_27, %add3A_31 : vector<1000x256xf32>
    %reduce_sum3A = arith.constant dense<0.000000e+00> : vector<1000xf32>
    %reduce_sum3A_33 = vector.multi_reduction <add>, %add3A_32, %reduce_sum3A [1] : vector<1000x256xf32> to vector<1000xf32>
    %broadcast_in_dim3A = vector.shape_cast %reduce_sum3A_33 : vector<1000xf32> to vector<1000x1xf32>
    %div3A = arith.constant 2.560000e+02 : f32
    %div3A_34 = vector.broadcast %div3A : f32 to vector<1000x1xf32>
    %div3A_35 = arith.divf %broadcast_in_dim3A, %div3A_34 : vector<1000x1xf32>
    %sub3A = vector.broadcast %div3A_35 : vector<1000x1xf32> to vector<1000x256xf32>
    %sub3A_36 = arith.subf %add3A_32, %sub3A : vector<1000x256xf32>
    %integer_pow3A = arith.mulf %sub3A_36, %sub3A_36 : vector<1000x256xf32>
    %reduce_sum3A_37 = arith.constant dense<0.000000e+00> : vector<1000xf32>
    %reduce_sum3A_38 = vector.multi_reduction <add>, %integer_pow3A, %reduce_sum3A_37 [1] : vector<1000x256xf32> to vector<1000xf32>
    %broadcast_in_dim3A_39 = vector.shape_cast %reduce_sum3A_38 : vector<1000xf32> to vector<1000x1xf32>
    %div3A_40 = arith.constant 2.560000e+02 : f32
    %div3A_41 = vector.broadcast %div3A_40 : f32 to vector<1000x1xf32>
    %div3A_42 = arith.divf %broadcast_in_dim3A_39, %div3A_41 : vector<1000x1xf32>
    %sub3A_43 = vector.broadcast %div3A_35 : vector<1000x1xf32> to vector<1000x256xf32>
    %sub3A_44 = arith.subf %add3A_32, %sub3A_43 : vector<1000x256xf32>
    %add3A_45 = arith.constant 9.99999974E-6 : f32
    %add3A_46 = vector.broadcast %add3A_45 : f32 to vector<1000x1xf32>
    %add3A_47 = arith.addf %div3A_42, %add3A_46 : vector<1000x1xf32>
    %rsqrt3A = math.rsqrt %add3A_47 : vector<1000x1xf32>
    %mul3A_48 = vector.broadcast %rsqrt3A : vector<1000x1xf32> to vector<1000x256xf32>
    %mul3A_49 = arith.mulf %sub3A_44, %mul3A_48 : vector<1000x256xf32>
    %get3A_50 = arith.constant 0 : index
    %get3A_51 = arith.constant 0 : index
    %get3A_52 = vector.load %arg8[%get3A_50, %get3A_51] : memref<1x256xf32, #tpu.memory_space<vmem>>, vector<1x256xf32>
    %mul3A_53 = vector.broadcast %get3A_52 : vector<1x256xf32> to vector<1000x256xf32>
    %mul3A_54 = arith.mulf %mul3A_49, %mul3A_53 : vector<1000x256xf32>
    %get3A_55 = arith.constant 0 : index
    %get3A_56 = arith.constant 0 : index
    %get3A_57 = vector.load %arg9[%get3A_55, %get3A_56] : memref<1x256xf32, #tpu.memory_space<vmem>>, vector<1x256xf32>
    %add3A_58 = vector.broadcast %get3A_57 : vector<1x256xf32> to vector<1000x256xf32>
    %add3A_59 = arith.addf %mul3A_54, %add3A_58 : vector<1000x256xf32>
    %get3A_60 = arith.constant 0 : index
    %get3A_61 = arith.constant 0 : index
    %get3A_62 = vector.load %arg13[%get3A_60, %get3A_61] : memref<8x128xf32, #tpu.memory_space<vmem>>, vector<1x64xf32>
    %get3A_63 = arith.constant 0 : index
    %get3A_64 = arith.constant 0 : index
    %get3A_65 = vector.load %arg11[%get3A_63, %get3A_64] : memref<1000x1xi32, #tpu.memory_space<vmem>>, vector<1000x1xi32>
    %eq3A_66 = vector.broadcast %get3A_65 : vector<1000x1xi32> to vector<1000x64xi32>
    %eq3A_67 = vector.broadcast %iota3A : vector<1x64xi32> to vector<1000x64xi32>
    %eq3A_68 = arith.cmpi eq, %eq3A_66, %eq3A_67 : vector<1000x64xi32>
    %convert_element_type3A_69 = arith.extui %eq3A_68 : vector<1000x64xi1> to vector<1000x64xi32>
    %convert_element_type3A_70 = arith.sitofp %convert_element_type3A_69 : vector<1000x64xi32> to vector<1000x64xf32>
    %mul3A_71 = vector.broadcast %get3A_62 : vector<1x64xf32> to vector<1000x64xf32>
    %mul3A_72 = arith.mulf %convert_element_type3A_70, %mul3A_71 : vector<1000x64xf32>
    %reduce_sum3A_73 = arith.constant dense<0.000000e+00> : vector<1000xf32>
    %reduce_sum3A_74 = vector.multi_reduction <add>, %mul3A_72, %reduce_sum3A_73 [1] : vector<1000x64xf32> to vector<1000xf32>
    %broadcast_in_dim3A_75 = vector.shape_cast %reduce_sum3A_74 : vector<1000xf32> to vector<1000x1xf32>
    %mul3A_76 = vector.broadcast %broadcast_in_dim3A_75 : vector<1000x1xf32> to vector<1000x256xf32>
    %mul3A_77 = arith.mulf %add3A_59, %mul3A_76 : vector<1000x256xf32>
    %gt3A_78 = arith.constant 0.000000e+00 : f32
    %gt3A_79 = vector.broadcast %gt3A_78 : f32 to vector<1000x256xf32>
    %gt3A_80 = arith.cmpf ogt, %mul3A_77, %gt3A_79 : vector<1000x256xf32>
    %mul3A_81 = arith.constant 2.000000e-01 : f32
    %mul3A_82 = vector.broadcast %mul3A_81 : f32 to vector<1000x256xf32>
    %mul3A_83 = arith.mulf %mul3A_82, %mul3A_77 : vector<1000x256xf32>
    %select_n3A_84 = arith.select %gt3A_80, %mul3A_77, %mul3A_83 : vector<1000x256xi1>, vector<1000x256xf32>
    %add3A_85 = arith.addf %select_n3A_84, %get3A_3 : vector<1000x256xf32>
    %swap3A = arith.constant 0 : index
    %swap3A_86 = arith.constant 0 : index
    %swap3A_87 = vector.load %arg12[%swap3A, %swap3A_86] : memref<1000x256xf32, #tpu.memory_space<vmem>>, vector<1000x256xf32>
    tpu.vector_store %arg12[%swap3A, %swap3A_86], %add3A_85 {strides = array<i32>} : memref<1000x256xf32, #tpu.memory_space<vmem>>, vector<1000x256xf32>,
    return
  }
  func.func @transform_0(%arg0: i32) -> (i32, i32) {
    %c0_i32 = arith.constant 0 : i32
    %c0_i32_0 = arith.constant 0 : i32
    return %arg0, %c0_i32 : i32, i32
  }
  func.func @transform_1(%arg0: i32) -> (i32, i32) {
    %c0_i32 = arith.constant 0 : i32
    %c0_i32_0 = arith.constant 0 : i32
    return %arg0, %c0_i32 : i32, i32
  }
  func.func @transform_2(%arg0: i32) -> (i32, i32) {
    %c0_i32 = arith.constant 0 : i32
    %c0_i32_0 = arith.constant 0 : i32
    return %arg0, %c0_i32 : i32, i32
  }
  func.func @transform_3(%arg0: i32) -> (i32, i32) {
    %c0_i32 = arith.constant 0 : i32
    %c0_i32_0 = arith.constant 0 : i32
    %c0_i32_1 = arith.constant 0 : i32
    return %c0_i32, %c0_i32_0 : i32, i32
  }
  func.func @transform_4(%arg0: i32) -> (i32, i32) {
    %c0_i32 = arith.constant 0 : i32
    %c0_i32_0 = arith.constant 0 : i32
    %c0_i32_1 = arith.constant 0 : i32
    return %c0_i32, %c0_i32_0 : i32, i32
  }
  func.func @transform_5(%arg0: i32) -> (i32, i32) {
    %c0_i32 = arith.constant 0 : i32
    %c0_i32_0 = arith.constant 0 : i32
    %c0_i32_1 = arith.constant 0 : i32
    return %c0_i32, %c0_i32_0 : i32, i32
  }
  func.func @transform_6(%arg0: i32) -> (i32, i32) {
    %c0_i32 = arith.constant 0 : i32
    %c0_i32_0 = arith.constant 0 : i32
    %c0_i32_1 = arith.constant 0 : i32
    return %c0_i32, %c0_i32_0 : i32, i32
  }
  func.func @transform_7(%arg0: i32) -> (i32, i32) {
    %c0_i32 = arith.constant 0 : i32
    %c0_i32_0 = arith.constant 0 : i32
    %c0_i32_1 = arith.constant 0 : i32
    return %c0_i32, %c0_i32_0 : i32, i32
  }
  func.func @transform_8(%arg0: i32) -> (i32, i32) {
    %c0_i32 = arith.constant 0 : i32
    %c0_i32_0 = arith.constant 0 : i32
    %c0_i32_1 = arith.constant 0 : i32
    return %c0_i32, %c0_i32_0 : i32, i32
  }
  func.func @transform_9(%arg0: i32) -> (i32, i32) {
    %c0_i32 = arith.constant 0 : i32
    %c0_i32_0 = arith.constant 0 : i32
    %c0_i32_1 = arith.constant 0 : i32
    return %c0_i32, %c0_i32_0 : i32, i32
  }
  func.func @transform_10(%arg0: i32) -> (i32, i32) {
    %c0_i32 = arith.constant 0 : i32
    %c0_i32_0 = arith.constant 0 : i32
    return %arg0, %c0_i32 : i32, i32
  }
  func.func @transform_11(%arg0: i32) -> (i32, i32) {
    %c0_i32 = arith.constant 0 : i32
    %c0_i32_0 = arith.constant 0 : i32
    return %arg0, %c0_i32 : i32, i32
  }
}

</mosaic_0001>

<sc_bundles>
// kernel: kernel.4.cloned.1.call-start
scs
__scs_entry_jumppad:
0x0: {  	(pc) =	sbr.rel $0x88, $3  }
0x1: {  	(tag) =	ssettag $0x0;
	lr =	simm.s32 $0x1  }
0x2: {  	[smem:$0x3F97] =	sst lr;
	_ =	strace $0xD0000000  }
0x3: {  	_ = 	snop  }
0x4: {  	_ = 	snop  }
0x5: {  	_ = 	snop  }
0x6: {  	_ = 	snop  }
0x7: {  	_ = 	snop  }
__scs_overlays_trampoline_lowered:
0x8: {  	[smem:$0x3FA6] =	sst s0  }
0x9: {  	[smem:$0x3FA7] =	sst s1  }
0xa: {  	[smem:$0x3FA8] =	sst s2  }
0xb: {  	[smem:$0x3FA9] =	sst s3  }
0xc: {  	[smem:$0x3FAA] =	sst s4  }
0xd: {  	[smem:$0x3FAB] =	sst s5  }
0xe: {  	[smem:$0x3FAC] =	sst s6  }
0xf: {  	[smem:$0x3FAD] =	sst s7  }
0x10: {  	[smem:$0x3FAE] =	sst s8  }
0x11: {  	[smem:$0x3FAF] =	sst s9;
	s0 =	simm.s32 @!p0 $0x0  }
0x12: {  	s1 =	sld [smem:$0x3F95];
	s0 =	simm.s32 @p0 $0x1  }
0x13: {  	[smem:$0x3FB0] =	sst s0;
	s0 =	simm.s32 @!p1 $0x0  }
0x14: {  	s2 =	sld [smem:$0x3F94];
	s0 =	simm.s32 @p1 $0x1  }
0x15: {  	[smem:$0x3FB1] =	sst s0;
	s0 =	simm.s32 @!p2 $0x0  }
0x16: {  	s3 =	sld [smem:$0x3FDB];
	s0 =	simm.s32 @p2 $0x1  }
0x17: {  	s4 =	simm.s32 $0x1BF5;
	[smem:$0x3FB3] =	sst s0  }
0x18: {  	s0 =	sld [smem:$0x3F96];
	_ =	swait.ge [sflag:s4], $0x0  }
0x19: {  	s7 =	sld [smem:$0x3F97]  }
0x1a: {  	s8 =	sadd.s32 $0xFFFFE003, lr  }
0x1b: {  	s9 =	sadd.s32 $0xFFFFFEF7, lr;
	s5 =	simm.s32 $0xFFFFFFFF;
	p2 =	slt.u32 s8, $0xFFFFF086  }
0x1c: {  	p1 =	slt.u32 s9, $0xF7A;
	s5 =	simm.s32 @!p2 $0x0  }
0x1d: {  	s5 =	simm.s32 @p1 $0x1;
	p0 =	seq.s32 s7, s2  }
0x1e: {  	s7 =	smul.u32 @!p0 $0xF7A, s2;
	p2 =	seq.s32 @!p0 s5, $0x0  }
0x1f: {  	s9 =	smul.u32 $0xF7A, s1;
	s8 =	simm.s32 @!p0 $0x1BF5;
	p2 =	por !p2, p0  }
0x20: {  	[sflag:s8] =	ssyncset.s32 @!p0 $0xFFFFF086;
	s6 =	sadd.s32 @!p0 s3, s7;
	s7 =	simm.s32 @!p0 $0x108  }
0x21: {  	s3 =	sadd.s32 s3, s9;
	s6 =	sadd.s32 @!p0 $0x88, s6;
	s7 =	simm.s32 @p2 $0x1082  }
0x22: {  	[simem:s7], [sflag:s8] =	dma.local @!p0 [hbm:s6], $0xF7A  }
0x23: {  	s9 =	sor.u32 $0xD0000000, s2;
	s6 =	simm.s32 $0x108;
	_ =	swait.ge @!p0 [sflag:s8], $0x0  }
0x24: {  	s3 =	sadd.s32 $0x88, s3;
	s6 =	simm.s32 @!p1 $0x1082;
	[sflag:s4] =	ssyncset.s32 $0xFFFFF086  }
0x25: {  	[simem:s6], [sflag:s4] =	dma.local [hbm:s3], $0xF7A  }
0x26: {  	[smem:$0x3F97] =	sst s1;
	(tag) =	ssettag s2;
	_ =	strace s9  }
0x27: {  	s1 =	sld [smem:$0x3FA7]  }
0x28: {  	s2 =	sld [smem:$0x3FA8]  }
0x29: {  	s4 =	sld [smem:$0x3FAA]  }
0x2a: {  	p0 =	seq.s32 s5, $0x0;
	s5 =	sld [smem:$0x3FAB]  }
0x2b: {  	s6 =	sld [smem:$0x3FAC]  }
0x2c: {  	s7 =	sld [smem:$0x3FAD]  }
0x2d: {  	s3 =	simm.s32 $0x108;
	s8 =	sld [smem:$0x3FAE]  }
0x2e: {  	s3 =	simm.s32 @!p0 $0x1082;
	s9 =	sld [smem:$0x3FAF]  }
0x2f: {  	lr =	sadd.s32 s0, s3;
	s0 =	sld [smem:$0x3FA6]  }
0x30: {  	s3 =	sld [smem:$0x3FA9]  }
0x31: {  	[smem:$0x3FB2] =	sst s10  }
0x32: {  	s10 =	sld [smem:$0x3FB0];
	_ =	sdelay $0x3  }
0x33: {  	p0 =	seq.s32 s10, $0x1;
	s10 =	sld [smem:$0x3FB2];
	_ =	sdelay $0x3  }
0x34: {  	[smem:$0x3FB2] =	sst s10  }
0x35: {  	s10 =	sld [smem:$0x3FB1];
	_ =	sdelay $0x3  }
0x36: {  	p1 =	seq.s32 s10, $0x1;
	s10 =	sld [smem:$0x3FB2];
	_ =	sdelay $0x3  }
0x37: {  	[smem:$0x3FB2] =	sst s10  }
0x38: {  	s10 =	sld [smem:$0x3FB3]  }
0x39: {  	_ = 	snop;
	(pc) =	sbr.ind lr, $3  }
0x3a: {  	_ = 	snop  }
0x3b: {  	_ = 	snop  }
0x3c: {  	p2 =	seq.s32 s10, $0x1;
	s10 =	sld [smem:$0x3FB2]  }
0x3d: {  	_ =	shalt  }
0x3e: {  	_ =	shalt  }
0x3f: {  	_ =	shalt  }
0x40: {  	_ =	shalt  }
0x41: {  	_ =	shalt  }
0x42: {  	_ =	shalt  }
0x43: {  	_ =	shalt  }
0x44: {  	_ =	shalt  }
0x45: {  	_ =	shalt  }
0x46: {  	_ =	shalt  }
0x47: {  	_ =	shalt  }
0x48: {  	_ =	shalt  }
0x49: {  	_ =	shalt  }
0x4a: {  	_ =	shalt  }
0x4b: {  	_ =	shalt  }
0x4c: {  	_ =	shalt  }
0x4d: {  	_ =	shalt  }
0x4e: {  	_ =	shalt  }
0x4f: {  	_ =	shalt  }
0x50: {  	_ =	shalt  }
0x51: {  	_ =	shalt  }
0x52: {  	_ =	shalt  }
0x53: {  	_ =	shalt  }
0x54: {  	_ =	shalt  }
0x55: {  	_ =	shalt  }
0x56: {  	_ =	shalt  }
0x57: {  	_ =	shalt  }
0x58: {  	_ =	shalt  }
0x59: {  	_ =	shalt  }
0x5a: {  	_ =	shalt  }
0x5b: {  	_ =	shalt  }
0x5c: {  	_ =	shalt  }
0x5d: {  	_ =	shalt  }
0x5e: {  	_ =	shalt  }
0x5f: {  	_ =	shalt  }
0x60: {  	_ =	shalt  }
0x61: {  	_ =	shalt  }
0x62: {  	_ =	shalt  }
0x63: {  	_ =	shalt  }
0x64: {  	_ =	shalt  }
0x65: {  	_ =	shalt  }
0x66: {  	_ =	shalt  }
0x67: {  	_ =	shalt  }
0x68: {  	_ =	shalt  }
0x69: {  	_ =	shalt  }
0x6a: {  	_ =	shalt  }
0x6b: {  	_ =	shalt  }
0x6c: {  	_ =	shalt  }
0x6d: {  	_ =	shalt  }
0x6e: {  	_ =	shalt  }
0x6f: {  	_ =	shalt  }
0x70: {  	_ =	shalt  }
0x71: {  	_ =	shalt  }
0x72: {  	_ =	shalt  }
0x73: {  	_ =	shalt  }
0x74: {  	_ =	shalt  }
0x75: {  	_ =	shalt  }
0x76: {  	_ =	shalt  }
0x77: {  	_ =	shalt  }
0x78: {  	_ =	shalt  }
0x79: {  	_ =	shalt  }
0x7a: {  	_ =	shalt  }
0x7b: {  	_ =	shalt  }
0x7c: {  	_ =	shalt  }
0x7d: {  	_ =	shalt  }
0x7e: {  	_ =	shalt  }
0x7f: {  	_ =	shalt  }
0x80: {  	_ =	shalt  }
0x81: {  	_ =	shalt  }
0x82: {  	_ =	shalt  }
0x83: {  	_ =	shalt  }
0x84: {  	_ =	shalt  }
0x85: {  	_ =	shalt  }
0x86: {  	_ =	shalt  }
0x87: {  	_ =	shalt  }
.Lfunc_end0:
.L_simem_size_0:
called_computation_lowered:
.L_overlay_start_0:
0x88: {  	s2 =	sld [smem:$0x3FD9]  }
0x89: {  	s3 =	sld [smem:$0x3FFE];
	_ =	sdelay $0x1  }
0x8a: {  	s1 =	srdreg.scid  }
0x8b: {  	s0 =	sand.u32 $0x1, s1  }
0x8c: {  	s17 =	sshll.u32 s0, $0xA;
	s2 =	sadd.s32 s3, s2  }
0x8d: {  	s2 =	sadd.s32 s2, s17  }
0x8e: {  	[smem:$0x3FBE] =	sst s2  }
0x8f: {  	_ = 	snop  }
0x90: {  	s2 =	sld [smem:$0x3FC8]  }
0x91: {  	s18 =	sld [smem:$0x3FD0];
	(tm) =	ssettm $0x1  }
0x92: {  	s4 =	sld [smem:$0x3FFB];
	_ =	sdelay $0x3  }
0x93: {  	_ =	strace s4  }
0x94: {  	s4 =	sld [smem:$0x3FFC];
	_ =	sdelay $0x3  }
0x95: {  	_ =	strace s4  }
0x96: {  	s4 =	sld [smem:$0x3FFD];
	_ =	sdelay $0x3  }
0x97: {  	_ =	strace s4  }
0x98: {  	_ =	strace $0x8FFFFFFF  }
0x99: {  	s19 =	sld [smem:$0x3FDB];
	_ =	sdelay $0x1  }
0x9a: {  	s5 =	simm.s32 $_scs_section_size  }
0x9b: {  	s6 =	simm.s32 $_size__tile_overlayer_lowered;
	s7 =	simm.s32 $_tile_overlayer_lowered  }
0x9c: {  	s22 =	simm.s32 $0x1BFF;
	s21 =	sshll.u32 s7, $0x1;
	s4 =	sadd.s32 s5, s19  }
0x9d: {  	s8 =	simm.s32 $0x0;
	s20 =	sshll.u32 s6, $0x1;
	s6 =	sadd.s32 s21, s4  }
0x9e: {  	[timem:s8], [sflag:s22] =	dma.local [hbm:s6], s20  }
0x9f: {  	_ =	swait.ge [sflag:s22], s20  }
0xa0: {  	s5 =	ssub.s32 $0x0, s20;
	[sflag:s22] =	ssyncset.done $0x0  }
0xa1: {  	[sflag:s22] =	ssyncadd.s32 s5;
	_ =	sdelay $0x1  }
0xa2: {  	s23 =	simm.s32 $0x1B8B  }
0xa3: {  	_ =	swait.ge [sflag:s23], $0x1  }
0xa4: {  	[sflag:s23] =	ssyncset.done $0x0  }
0xa5: {  	s25 =	simm.s32 $0x1B8E;
	s24 =	sld [smem:$0x3FFE];
	[sflag:s23] =	ssyncadd.s32 $0xFFFFFFFF  }
0xa6: {  	s26 =	simm.s32 $execute0_lowered;
	[smem:$0x3FD2] =	sst s25  }
0xa7: {  	s6 =	sshll.u32 s26, $0x1;
	_ =	strace $0x80000046;
	[dreg:$0x1] =	wrdreg $0xFFFFFFFF  }
0xa8: {  	s28 =	simm.s32 $_size_execute0_lowered;
	s4 =	sadd.s32 s4, s6;
	[dreg:$0x0] =	wrdreg $0x0  }
0xa9: {  	s6 =	sshll.u32 s28, $0x1;
	[dreg:$0x2] =	wrdreg s4  }
0xaa: {  	[dreg:$0x3] =	wrdreg s6  }
0xab: {  	[dreg:$0x4] =	wrdreg $0xC0  }
0xac: {  	_ =	task [dreg:s8], $0x5FFFF  }
0xad: {  	[dreg:$0x1] =	wrdreg $0xFFFFFFFF  }
0xae: {  	[dreg:$0x0] =	wrdreg $0x60  }
0xaf: {  	[dreg:$0x2] =	wrdreg s24  }
0xb0: {  	[dreg:$0x3] =	wrdreg s18  }
0xb1: {  	[dreg:$0x4] =	wrdreg s2  }
0xb2: {  	[dreg:$0x5] =	wrdreg $0x0  }
0xb3: {  	[dreg:$0x6] =	wrdreg $0x9  }
0xb4: {  	_ =	task.clear_ibuf [dreg:s8], $0x7FFFF;
	_ =	strace $0x90000046  }
0xb5: {  	s29 =	simm.s32 $0x9;
	_ =	strace $0x80000048  }
0xb6: {  	_ =	swait.ge [sflag:s29], $0x1  }
0xb7: {  	[sflag:s29] =	ssyncadd.s32 $0xFFFFFFFF  }
0xb8: {  	_ =	strace $0x90000048  }
0xb9: {  	_ =	sfence  }
0xba: {  	s30 =	sld [smem:$0x0];
	_ =	sdelay $0x2  }
0xbb: {  	s31 =	sshll.u32 s1, $0xD;
	s1 =	sshrl.u32 s1, $0x2  }
0xbc: {  	s3 =	sand.u32 $0x4000, s31;
	s1 =	sadd.s32 s1, s30  }
0xbd: {  	s0 =	sor.u32 s3, s0;
	s1 =	sshll.u32 s1, $0x11  }
0xbe: {  	s0 =	sor.u32 s1, s0  }
0xbf: {  	s0 =	sadd.s32 $0x8F2B, s0  }
0xc0: {  	[sflag:s0] =	ssyncadd.remote.s32 $0x1  }
0xc1: {  	_ =	sfence.sel $0xFFFF  }
0xc2: {  	[dreg:$0x0] =	wrdreg $0xFFFFFFFF;
	(pc) =	sbr.abs _section_cstart, $3  }
0xc3: {  	[dreg:$0x1] =	wrdreg $0xFFFFFFFF  }
0xc4: {  	_ =	task.clear_ibuf [dreg:s8], $0x2FFFF;
	_ =	strace $0x9FFFFFFF  }
0xc5: {  	(tm) =	ssettm $0x7FFFFFFF  }
tec
execute0_lowered:
.L_overlay_start_1:
0x0: {  	(tag) =	ssettag $0x1  }
0x1: {  	s0 =	rddreg [dreg:$0x0]  }
0x2: {  	s2 =	rddreg [dreg:$0x1]  }
0x3: {  	s3 =	rddreg [dreg:$0x2]  }
0x4: {  	s4 =	rddreg [dreg:$0x3]  }
0x5: {  	s1 =	stileid.u32;
	s7 =	simm.s32 $0x0;
	s25 =	srdreg.scid  }
0x6: {  	s5 =	sshrl.u32 s1, $0x3;
	s6 =	sshll.u32 s1, $0x7;
	s9 =	smul.u32 $0x2800, s1  }
0x7: {  	[smem:$0x7FF] =	sst s7;
	s8 =	sadd.s32 $0x1600, s0;
	s29 =	smul.u32 $0x271000, s1  }
0x8: {  	s26 =	sshll.u32 s1, $0xC;
	s10 =	sand.u32 $0x1, s25;
	s13 =	smul.u32 $0x50000, s1  }
0x9: {  	s21 =	sadd.s32 $0x8A200, s0;
	s5 =	smul.u32 $0x13C00, s5;
	s6 =	sand.u32 $0x380, s6  }
0xa: {  	_ =	strace $0x80000047;
	s11 =	sadd.s32 s26, s0;
	s7 =	sshll.u32 s10, $0xA  }
0xb: {  	p0 =	seq.s32 s10, $0x0;
	p3 =	sne.s32 s10, $0x0;
	[dreg:$0x11] =	wrdreg s21  }
0xc: {  	s21 =	simm.s32 $0xB;
	s12 =	sadd.s32 s9, s0;
	s30 =	sor.u32 s7, s29  }
0xd: {  	s9 =	sadd.s32 $0x28800, s11;
	s13 =	sshrl.u32 s13, $0x2;
	s11 =	sadd.s32 $0x28810, s11  }
0xe: {  	s2 =	smov.u32 @p0 s8;
	p1 =	seq.s32 @p3 s1, $0xF;
	p4 =	seq.s32 @!p3 s1, $0xF  }
0xf: {  	s5 =	sor.u32 s6, s5;
	s6 =	ssub.s32 $0x2, s10;
	s15 =	sshrl.u32 s30, $0x3  }
0x10: {  	[dreg:$0x7] =	wrdreg s11;
	s13 =	sadd.s32 s13, s4;
	s20 =	sadd.s32 $0x64A00, s12  }
0x11: {  	s22 =	sadd.s32 $0x3D800, s12;
	p0 =	por !p1, !p3;
	[dreg:$0x10] =	wrdreg s20  }
0x12: {  	p1 =	por p1, !p3;
	s15 =	sadd.s32 s3, s15;
	[dreg:$0x12] =	wrdreg s22  }
0x13: {  	p2 =	por !p4, p3;
	s31 =	sadd.s32 $0x1400, s13;
	[dreg:$0x6] =	wrdreg s15  }
0x14: {  	p3 =	por p4, p3;
	s11 =	sadd.s32 $0x2800, s13;
	[dreg:$0x9] =	wrdreg s31  }
0x15: {  	s10 =	simm.s32 $0x400;
	s16 =	sadd.s32 $0x5000, s13;
	[dreg:$0xa] =	wrdreg s11  }
0x16: {  	s5 =	sshrl.u32 s5, $0x3;
	s17 =	sadd.s32 $0x6400, s13;
	[dreg:$0xc] =	wrdreg s16  }
0x17: {  	s28 =	sshrl.u32 s6, $0x1;
	s18 =	sadd.s32 $0x7800, s13;
	[dreg:$0xd] =	wrdreg s17  }
0x18: {  	s19 =	sadd.s32 $0x8C00, s13;
	s24 =	sadd.s32 $0xA000, s13;
	[dreg:$0xe] =	wrdreg s18  }
0x19: {  	s25 =	sadd.s32 $0xB400, s13;
	s26 =	sadd.s32 $0xC800, s13;
	[dreg:$0xf] =	wrdreg s19  }
0x1a: {  	s29 =	sadd.s32 $0xF000, s13;
	s8 =	sadd.s32 $0x12C00, s13;
	[dreg:$0x15] =	wrdreg s24  }
0x1b: {  	s20 =	simm.s32 $0xA;
	s22 =	simm.s32 $0x0;
	[dreg:$0x16] =	wrdreg s25  }
0x1c: {  	s5 =	sadd.s32 s5, s0;
	s14 =	ssub.s32 s6, s28;
	[dreg:$0x17] =	wrdreg s26  }
0x1d: {  	s6 =	smul.u32 $0x2710, s1;
	s15 =	sadd.s32 $0x3C00, s13;
	[dreg:$0x19] =	wrdreg s29  }
0x1e: {  	s0 =	sadd.s32 $0x63000, s0;
	s28 =	sadd.s32 $0xDC00, s13;
	[dreg:$0xb] =	wrdreg s15  }
0x1f: {  	s31 =	sadd.s32 $0x11800, s13;
	s16 =	simm.s32 $0x28;
	[dreg:$0x13] =	wrdreg s0  }
0x20: {  	s17 =	simm.s32 $0x4;
	s18 =	simm.s32 $0x8;
	[dreg:$0x18] =	wrdreg s28  }
0x21: {  	s19 =	simm.s32 $0x9;
	s5 =	sadd.s32 $0x38800, s5;
	[dreg:$0x1b] =	wrdreg s31  }
0x22: {  	s23 =	smax.u32 s14, $0x1;
	[dreg:$0x5] =	wrdreg s5;
	s5 =	sadd.s32 $0x2800, s30  }
0x23: {  	[dreg:$0x14] =	wrdreg s23;
	s30 =	sadd.s32 $0x10400, s13;
	s5 =	sshrl.u32 s5, $0x3  }
0x24: {  	s14 =	simm.s32 $0x1A580;
	[dreg:$0x1a] =	wrdreg s30;
	s5 =	sadd.s32 s3, s5  }
0x25: {  	v0 =	vimm.f32 $0.0e+00;
	s15 =	simm.s32 $0x10;
	s23 =	simm.s32 $0x14000;
	[dreg:$0x8] =	wrdreg s5  }
.LBB2_1:
0x26: {  	s0 =	rddreg [dreg:$0x5];
	s5 =	simm.s32 $0x80  }
0x27: {  	[tilespmem:s23], [sflag:$0x10] =	stream.strided.gather [hbm4b:s0+s5], $0x2780, s10, s5, $0x38;
	[tilespmem:$0x1F580] =	vst v63  }
0x28: {  	s24 =	simm.s32 $0x0;
	s25 =	simm.s32 $0x16780  }
0x29: {  	[tilespmem:s25], [sflag:$0xC] =	stream.linear.gather [hbm4b:s9+s24], $0x80, $0x38;
	[tilespmem:$0x1F580] =	vst v63  }
0x2a: {  	s26 =	rddreg [dreg:$0x6];
	s11 =	simm.s32 $0x800;
	s12 =	simm.s32 $0x16980  }
0x2b: {  	[tilespmem:s12], [sflag:$0x1] =	stream.strided.gather [hbm4b:s26+s10], $0x1400, s11, s10, $0x38;
	[tilespmem:$0x1F580] =	vst v63  }
0x2c: {  	s28 =	rddreg [dreg:$0x7];
	s29 =	simm.s32 $0x16800  }
0x2d: {  	[tilespmem:s29], [sflag:$0xD] =	stream.linear.gather [hbm4b:s28+s24], $0x80, $0x38;
	[tilespmem:$0x1F580] =	vst v63  }
0x2e: {  	s30 =	rddreg [dreg:$0x8];
	s31 =	simm.s32 $0x17D80  }
0x2f: {  	[tilespmem:s31], [sflag:$0x2] =	stream.strided.gather [hbm4b:s30+s10], $0x1400, s11, s10, $0x38;
	[tilespmem:$0x1F580] =	vst v63  }
0x30: {  	s11 =	simm.s32 $0x1A680  }
0x31: {  	[tilespmem:s11+$0xFFFFFF00] =	vst v0  }
0x32: {  	[tilespmem:s11+$0xF0] =	vst v0  }
0x33: {  	[tilespmem:s11+$0xE0] =	vst v0  }
0x34: {  	[tilespmem:s11+$0xD0] =	vst v0  }
0x35: {  	[tilespmem:s11+$0xC0] =	vst v0  }
0x36: {  	[tilespmem:s11+$0xB0] =	vst v0  }
0x37: {  	[tilespmem:s11+$0xA0] =	vst v0  }
0x38: {  	[tilespmem:s11+$0x90] =	vst v0  }
0x39: {  	[tilespmem:s11+$0x80] =	vst v0  }
0x3a: {  	[tilespmem:s11+$0x70] =	vst v0  }
0x3b: {  	[tilespmem:s11+$0x60] =	vst v0  }
0x3c: {  	[tilespmem:s11+$0x50] =	vst v0  }
0x3d: {  	[tilespmem:s11+$0x40] =	vst v0  }
0x3e: {  	[tilespmem:s11+$0x30] =	vst v0  }
0x3f: {  	[tilespmem:s11+$0x20] =	vst v0  }
0x40: {  	[tilespmem:s11+$0x10] =	vst v0  }
0x41: {  	[tilespmem:s11+$0x0] =	vst v0  }
0x42: {  	[tilespmem:s11+$0xFFFFFFF0] =	vst v0  }
0x43: {  	[tilespmem:s11+$0xFFFFFFE0] =	vst v0  }
0x44: {  	[tilespmem:s11+$0xFFFFFFD0] =	vst v0  }
0x45: {  	[tilespmem:s11+$0xFFFFFFC0] =	vst v0  }
0x46: {  	[tilespmem:s11+$0xFFFFFFB0] =	vst v0  }
0x47: {  	[tilespmem:s11+$0xFFFFFFA0] =	vst v0  }
0x48: {  	[tilespmem:s11+$0xFFFFFF90] =	vst v0  }
0x49: {  	[tilespmem:s11+$0xFFFFFF80] =	vst v0  }
0x4a: {  	[tilespmem:s11+$0xFFFFFF70] =	vst v0  }
0x4b: {  	[tilespmem:s11+$0xFFFFFF60] =	vst v0  }
0x4c: {  	[tilespmem:s11+$0xFFFFFF50] =	vst v0  }
0x4d: {  	[tilespmem:s11+$0xFFFFFF40] =	vst v0  }
0x4e: {  	[tilespmem:s11+$0xFFFFFF30] =	vst v0  }
0x4f: {  	s12 =	simm.s32 $0x0;
	[tilespmem:s11+$0xFFFFFF20] =	vst v0  }
.LBB2_2:
0x50: {  	s12 =	sadd.s32 $0x4, s12;
	[tilespmem:s11+$0xFFFFFF10] =	vst v0;
	s11 =	sadd.s32 $0x200, s11  }
0x51: {  	[tilespmem:s11+$0xFFFFFF00] =	vst v0;
	p4 =	slt.u32 s12, $0x24  }
0x52: {  	[tilespmem:s11+$0xF0] =	vst v0  }
0x53: {  	[tilespmem:s11+$0xE0] =	vst v0  }
0x54: {  	[tilespmem:s11+$0xD0] =	vst v0  }
0x55: {  	[tilespmem:s11+$0xC0] =	vst v0  }
0x56: {  	[tilespmem:s11+$0xB0] =	vst v0  }
0x57: {  	[tilespmem:s11+$0xA0] =	vst v0  }
0x58: {  	[tilespmem:s11+$0x90] =	vst v0  }
0x59: {  	[tilespmem:s11+$0x80] =	vst v0  }
0x5a: {  	[tilespmem:s11+$0x70] =	vst v0  }
0x5b: {  	[tilespmem:s11+$0x60] =	vst v0  }
0x5c: {  	[tilespmem:s11+$0x50] =	vst v0  }
0x5d: {  	[tilespmem:s11+$0x40] =	vst v0  }
0x5e: {  	[tilespmem:s11+$0x30] =	vst v0  }
0x5f: {  	[tilespmem:s11+$0x20] =	vst v0  }
0x60: {  	[tilespmem:s11+$0x10] =	vst v0  }
0x61: {  	[tilespmem:s11+$0x0] =	vst v0  }
0x62: {  	[tilespmem:s11+$0xFFFFFFF0] =	vst v0  }
0x63: {  	[tilespmem:s11+$0xFFFFFFE0] =	vst v0  }
0x64: {  	[tilespmem:s11+$0xFFFFFFD0] =	vst v0  }
0x65: {  	[tilespmem:s11+$0xFFFFFFC0] =	vst v0  }
0x66: {  	[tilespmem:s11+$0xFFFFFFB0] =	vst v0  }
0x67: {  	[tilespmem:s11+$0xFFFFFFA0] =	vst v0  }
0x68: {  	[tilespmem:s11+$0xFFFFFF90] =	vst v0  }
0x69: {  	[tilespmem:s11+$0xFFFFFF80] =	vst v0  }
0x6a: {  	[tilespmem:s11+$0xFFFFFF70] =	vst v0  }
.Ltmp0:
0x6b: {  	[tilespmem:s11+$0xFFFFFF60] =	vst v0;
	(pc) =	sbr.rel @p4 .LBB2_2-.Ltmp0, $4  }
0x6c: {  	[tilespmem:s11+$0xFFFFFF50] =	vst v0  }
0x6d: {  	[tilespmem:s11+$0xFFFFFF40] =	vst v0  }
0x6e: {  	[tilespmem:s11+$0xFFFFFF30] =	vst v0  }
0x6f: {  	[tilespmem:s11+$0xFFFFFF20] =	vst v0  }
0x70: {  	[tilespmem:s11+$0xFFFFFF10] =	vst v0  }
0x71: {  	[spmem:s13] =	stream.linear.scatter [tilespmem:s14], [sflag:$0x4], $0x1400, $0x38;
	[tilespmem:$0x1F580] =	vst v63  }
0x72: {  	s0 =	rddreg [dreg:$0x9]  }
0x73: {  	[spmem:s0] =	stream.linear.scatter [tilespmem:s14], [sflag:$0x4], $0x1400, $0x38;
	[tilespmem:$0x1F580] =	vst v63  }
0x74: {  	s28 =	rddreg [dreg:$0xa]  }
0x75: {  	[spmem:s28] =	stream.linear.scatter [tilespmem:s14], [sflag:$0x4], $0x1400, $0x38;
	[tilespmem:$0x1F580] =	vst v63  }
0x76: {  	s29 =	rddreg [dreg:$0xb]  }
0x77: {  	[spmem:s29] =	stream.linear.scatter [tilespmem:s14], [sflag:$0x4], $0x1400, $0x38;
	[tilespmem:$0x1F580] =	vst v63  }
0x78: {  	s30 =	rddreg [dreg:$0xc]  }
0x79: {  	[spmem:s30] =	stream.linear.scatter [tilespmem:s14], [sflag:$0x4], $0x1400, $0x38;
	[tilespmem:$0x1F580] =	vst v63  }
0x7a: {  	s31 =	rddreg [dreg:$0xd]  }
0x7b: {  	[spmem:s31] =	stream.linear.scatter [tilespmem:s14], [sflag:$0x4], $0x1400, $0x38;
	[tilespmem:$0x1F580] =	vst v63  }
0x7c: {  	s5 =	rddreg [dreg:$0xe]  }
0x7d: {  	[spmem:s5] =	stream.linear.scatter [tilespmem:s14], [sflag:$0x4], $0x1400, $0x38;
	[tilespmem:$0x1F580] =	vst v63  }
0x7e: {  	s11 =	rddreg [dreg:$0xf]  }
0x7f: {  	[spmem:s11] =	stream.linear.scatter [tilespmem:s14], [sflag:$0x4], $0x1400, $0x38;
	[tilespmem:$0x1F580] =	vst v63  }
0x80: {  	s12 =	rddreg [dreg:$0x15]  }
0x81: {  	[spmem:s12] =	stream.linear.scatter [tilespmem:s14], [sflag:$0x4], $0x1400, $0x38;
	[tilespmem:$0x1F580] =	vst v63  }
0x82: {  	s24 =	rddreg [dreg:$0x16]  }
0x83: {  	[spmem:s24] =	stream.linear.scatter [tilespmem:s14], [sflag:$0x4], $0x1400, $0x38;
	[tilespmem:$0x1F580] =	vst v63  }
0x84: {  	s25 =	rddreg [dreg:$0x17]  }
0x85: {  	[spmem:s25] =	stream.linear.scatter [tilespmem:s14], [sflag:$0x4], $0x1400, $0x38;
	[tilespmem:$0x1F580] =	vst v63  }
0x86: {  	s26 =	rddreg [dreg:$0x18]  }
0x87: {  	[spmem:s26] =	stream.linear.scatter [tilespmem:s14], [sflag:$0x4], $0x1400, $0x38;
	[tilespmem:$0x1F580] =	vst v63  }
0x88: {  	s28 =	rddreg [dreg:$0x19]  }
0x89: {  	[spmem:s28] =	stream.linear.scatter [tilespmem:s14], [sflag:$0x4], $0x1400, $0x38;
	[tilespmem:$0x1F580] =	vst v63  }
0x8a: {  	s29 =	rddreg [dreg:$0x1a]  }
0x8b: {  	[spmem:s29] =	stream.linear.scatter [tilespmem:s14], [sflag:$0x4], $0x1400, $0x38;
	[tilespmem:$0x1F580] =	vst v63  }
0x8c: {  	s30 =	rddreg [dreg:$0x1b]  }
0x8d: {  	[spmem:s30] =	stream.linear.scatter [tilespmem:s14], [sflag:$0x4], $0x1400, $0x38;
	[tilespmem:$0x1F580] =	vst v63  }
0x8e: {  	_ = 	snop  }
0x8f: {  	[spmem:s8] =	stream.linear.scatter [tilespmem:s14], [sflag:$0x4], $0x1400, $0x38;
	[tilespmem:$0x1F580] =	vst v63  }
0x90: {  	_ =	swait.ge [sflag:s15], $0x2780  }
0x91: {  	[sflag:s15] =	ssyncset.done $0x0  }
0x92: {  	s31 =	simm.s32 $0x14028;
	s5 =	simm.s32 $0x1B980;
	[sflag:s15] =	ssyncadd.s32 $0xFFFFD880  }
0x93: {  	[tilespmem:s5], [sflag:$0x5] =	stream.indirect.gather [hbm4b:s2+s16], $0x80, s31, s16, $0xb8;
	[tilespmem:$0x1F580] =	vst v63  }
0x94: {  	_ =	swait.ge [sflag:s17], $0x1400  }
0x95: {  	[sflag:s17] =	ssyncset.done $0x0  }
0x96: {  	[sflag:s17] =	ssyncadd.s32 $0xFFFFEC00  }
0x97: {  	_ =	swait.ge [sflag:s17], $0x1400  }
0x98: {  	[sflag:s17] =	ssyncset.done $0x0  }
0x99: {  	[sflag:s17] =	ssyncadd.s32 $0xFFFFEC00  }
0x9a: {  	_ =	swait.ge [sflag:s17], $0x1400  }
0x9b: {  	[sflag:s17] =	ssyncset.done $0x0  }
0x9c: {  	[sflag:s17] =	ssyncadd.s32 $0xFFFFEC00  }
0x9d: {  	_ =	swait.ge [sflag:s17], $0x1400  }
0x9e: {  	[sflag:s17] =	ssyncset.done $0x0  }
0x9f: {  	[sflag:s17] =	ssyncadd.s32 $0xFFFFEC00  }
0xa0: {  	_ =	swait.ge [sflag:s17], $0x1400  }
0xa1: {  	[sflag:s17] =	ssyncset.done $0x0  }
0xa2: {  	[sflag:s17] =	ssyncadd.s32 $0xFFFFEC00  }
0xa3: {  	_ =	swait.ge [sflag:s17], $0x1400  }
0xa4: {  	[sflag:s17] =	ssyncset.done $0x0  }
0xa5: {  	[sflag:s17] =	ssyncadd.s32 $0xFFFFEC00  }
0xa6: {  	_ =	swait.ge [sflag:s17], $0x1400  }
0xa7: {  	[sflag:s17] =	ssyncset.done $0x0  }
0xa8: {  	[sflag:s17] =	ssyncadd.s32 $0xFFFFEC00  }
0xa9: {  	_ =	swait.ge [sflag:s17], $0x1400  }
0xaa: {  	[sflag:s17] =	ssyncset.done $0x0  }
0xab: {  	[sflag:s17] =	ssyncadd.s32 $0xFFFFEC00  }
0xac: {  	_ =	swait.ge [sflag:s17], $0x1400  }
0xad: {  	[sflag:s17] =	ssyncset.done $0x0  }
0xae: {  	[sflag:s17] =	ssyncadd.s32 $0xFFFFEC00  }
0xaf: {  	_ =	swait.ge [sflag:s17], $0x1400  }
0xb0: {  	[sflag:s17] =	ssyncset.done $0x0  }
0xb1: {  	[sflag:s17] =	ssyncadd.s32 $0xFFFFEC00  }
0xb2: {  	_ =	swait.ge [sflag:s17], $0x1400  }
0xb3: {  	[sflag:s17] =	ssyncset.done $0x0  }
0xb4: {  	[sflag:s17] =	ssyncadd.s32 $0xFFFFEC00  }
0xb5: {  	_ =	swait.ge [sflag:s17], $0x1400  }
0xb6: {  	[sflag:s17] =	ssyncset.done $0x0  }
0xb7: {  	[sflag:s17] =	ssyncadd.s32 $0xFFFFEC00  }
0xb8: {  	_ =	swait.ge [sflag:s17], $0x1400  }
0xb9: {  	[sflag:s17] =	ssyncset.done $0x0  }
0xba: {  	[sflag:s17] =	ssyncadd.s32 $0xFFFFEC00  }
0xbb: {  	_ =	swait.ge [sflag:s17], $0x1400  }
0xbc: {  	[sflag:s17] =	ssyncset.done $0x0  }
0xbd: {  	[sflag:s17] =	ssyncadd.s32 $0xFFFFEC00  }
0xbe: {  	_ =	swait.ge [sflag:s17], $0x1400  }
0xbf: {  	[sflag:s17] =	ssyncset.done $0x0  }
0xc0: {  	[sflag:s17] =	ssyncadd.s32 $0xFFFFEC00  }
0xc1: {  	_ =	swait.ge [sflag:s17], $0x1400  }
0xc2: {  	[sflag:s17] =	ssyncset.done $0x0  }
0xc3: {  	s11 =	simm.s32 $0x0;
	[sflag:s17] =	ssyncadd.s32 $0xFFFFEC00  }
0xc4: {  	[tilespmem:s14], [sflag:$0x4] =	stream.indirect.gather [hbm4b:s2+s16], $0x80, s23, s16, $0xb8;
	[tilespmem:$0x1F580] =	vst v63  }
0xc5: {  	s24 =	simm.s32 $0x16980;
	s23 =	simm.s32 $0x0;
	[bflag:$0x0] =	sbarrier.arrive $0xFFFF  }
.LBB2_4:
0xc6: {  	p4 =	sgt.u32 s11, $0xF7  }
0xc7: {  	s12 =	sadd.s32 $0x2, s11;
	p5 =	slt.u32 @!p4 s11, $0x2  }
0xc8: {  	s26 =	sand.u32 @!p4 $0x3, s12;
	p5 =	por p5, p4  }
0xc9: {  	s25 =	sor.u32 @!p5 $0x8, s26  }
0xca: {  	_ =	swait.ge @!p5 [sflag:s25], $0x1400  }
0xcb: {  	[sflag:s25] =	ssyncset.done @!p5 $0x0  }
0xcc: {  	[sflag:s25] =	ssyncadd.s32 @!p5 $0xFFFFEC00;
	s25 =	sshll.u32 @!p4 s12, $0x4  }
0xcd: {  	s31 =	smul.u32 @!p4 $0xAB, s12;
	s29 =	sshll.u32 @!p4 s26, $0x7;
	s28 =	sand.u32 @!p4 $0x1F80, s25  }
0xce: {  	s30 =	sor.u32 @!p4 $0xC, s26;
	s25 =	sand.u32 @!p4 $0x70, s25;
	s28 =	sadd.s32 @!p4 s28, s9  }
0xcf: {  	s29 =	sadd.s32 @!p4 $0x16780, s29;
	s25 =	sadd.s32 @!p4 s25, s28;
	s28 =	simm.s32 @!p4 $0x0  }
0xd0: {  	[tilespmem:s29], [sflag:s30] =	stream.linear.gather @!p4 [hbm4b:s25+s28], $0x80, $0x38;
	[tilespmem:$0x1F580] =	vst v63  }
0xd1: {  	s25 =	sshrl.u32 @!p4 s31, $0x9  }
0xd2: {  	s28 =	smul.u32 @!p4 $0x28, s12;
	s25 =	sand.u32 @!p4 $0x7F, s25  }
0xd3: {  	s25 =	smul.u32 @!p4 $0x3, s25  }
0xd4: {  	s5 =	smul.u32 $0xAB, s11  }
0xd5: {  	s0 =	simm.s32 @!p4 $0x800;
	s29 =	sadd.s32 @!p4 s6, s28;
	s12 =	ssub.s32 @!p4 s12, s25  }
0xd6: {  	s31 =	simm.s32 @!p4 $0x400;
	s29 =	sshll.u32 @!p4 s29, $0x8;
	s12 =	sand.u32 @!p4 $0xFF, s12  }
0xd7: {  	s28 =	sadd.s32 @!p4 $0x14000, s28;
	s29 =	sor.u32 @!p4 s7, s29;
	s30 =	smul.u32 @!p4 $0x5000, s12  }
0xd8: {  	s25 =	sshrl.u32 s5, $0x9;
	s5 =	smul.u32 @!p4 $0x5000, s26;
	s26 =	sor.u32 @!p4 $0x4, s26  }
0xd9: {  	s29 =	sshrl.u32 @!p4 s29, $0x3;
	s12 =	sadd.s32 @!p4 $0x1, s12;
	s30 =	sshrl.u32 @!p4 s30, $0x2  }
0xda: {  	s29 =	sadd.s32 @!p4 s3, s29;
	s5 =	sshrl.u32 @!p4 s5, $0x2;
	s30 =	sadd.s32 @!p4 $0x16980, s30  }
0xdb: {  	[tilespmem:s30], [sflag:s12] =	stream.strided.gather @!p4 [hbm4b:s29+s31], $0x1400, s0, s31, $0x38;
	[tilespmem:$0x1F580] =	vst v63  }
0xdc: {  	s25 =	sand.u32 $0x7F, s25;
	s5 =	sadd.s32 @!p4 $0x1A580, s5;
	s31 =	smulhi.u32 $0xAAAAAAAB, s11  }
0xdd: {  	s12 =	smul.u32 $0x3, s25;
	s25 =	sand.u32 $0x3, s11;
	s29 =	simm.s32 @!p4 $0x28  }
0xde: {  	[tilespmem:s5], [sflag:s26] =	stream.indirect.gather @!p4 [hbm4b:s2+s29], $0x80, s28, s29, $0xb8;
	[tilespmem:$0x1F580] =	vst v63  }
0xdf: {  	s0 =	sshrl.u32 s31, $0x1;
	s26 =	sand.u32 $0x3, s23;
	s31 =	sor.u32 $0xC, s25  }
0xe0: {  	s12 =	ssub.s32 s11, s12;
	s5 =	smul.u32 $0x5000, s26;
	_ =	swait.ge [sflag:s31], $0x80  }
0xe1: {  	s0 =	smul.u32 $0xFFFF1000, s0;
	s12 =	sand.u32 $0xFF, s12;
	[sflag:s31] =	ssyncset.done $0x0  }
0xe2: {  	s12 =	sadd.s32 $0x1, s12;
	s5 =	sshrl.u32 s5, $0x2;
	[sflag:s31] =	ssyncadd.s32 $0xFFFFFF80  }
0xe3: {  	s0 =	sshra.s32 s0, $0x2;
	s5 =	sadd.s32 $0x1A780, s5;
	_ =	swait.ge [sflag:s12], $0x1400  }
0xe4: {  	s0 =	sadd.s32 s0, s24;
	[sflag:s12] =	ssyncset.done $0x0;
	v1 =	vmov s5  }
0xe5: {  	s26 =	sor.u32 $0x4, s25;
	v2 =	vmov s0;
	[sflag:s12] =	ssyncadd.s32 $0xFFFFEC00  }
0xe6: {  	_ =	swait.ge [sflag:s26], $0x1400  }
0xe7: {  	[sflag:s26] =	ssyncset.done $0x0  }
0xe8: {  	s12 =	simm.s32 $0x0;
	[sflag:s26] =	ssyncadd.s32 $0xFFFFEC00  }
0xe9: {  	v3 =	vld.idx.msk [tilespmem:v1+s12+$0x180 ss:$0x1], $0xffff  }
0xea: {  	v4 =	vld.idx.msk [tilespmem:v2+s12+$0x380 ss:$0x1], $0xffff  }
0xeb: {  	v5 =	vld.idx.msk [tilespmem:v1+s12+$0xFFFFFE00 ss:$0x1], $0xffff  }
0xec: {  	v6 =	vld.idx.msk [tilespmem:v2+s12+$0x0 ss:$0x1], $0xffff  }
0xed: {  	v7 =	vld.idx.msk [tilespmem:v1+s12+$0xFFFFFE80 ss:$0x1], $0xffff  }
0xee: {  	v8 =	vld.idx.msk [tilespmem:v2+s12+$0x80 ss:$0x1], $0xffff  }
0xef: {  	v9 =	vld.idx.msk [tilespmem:v1+s12+$0xFFFFFF00 ss:$0x1], $0xffff  }
0xf0: {  	v10 =	vld.idx.msk [tilespmem:v2+s12+$0x100 ss:$0x1], $0xffff  }
0xf1: {  	v11 =	vld.idx.msk [tilespmem:v2+s12+$0x180 ss:$0x1], $0xffff  }
0xf2: {  	v12 =	vld.idx.msk [tilespmem:v1+s12+$0x0 ss:$0x1], $0xffff  }
0xf3: {  	v14 =	vld.idx.msk [tilespmem:v2+s12+$0x200 ss:$0x1], $0xffff  }
0xf4: {  	v15 =	vld.idx.msk [tilespmem:v2+s12+$0x280 ss:$0x1], $0xffff;
	v3 =	vadd.f32 v4, v3  }
0xf5: {  	v4 =	vld.idx.msk [tilespmem:v1+s12+$0xFFFFFF80 ss:$0x1], $0xffff;
	v5 =	vadd.f32 v6, v5  }
0xf6: {  	v6 =	vld.idx.msk [tilespmem:v1+s12+$0x80 ss:$0x1], $0xffff;
	v3 =	vmax.f32 v3, $0.0e+00  }
0xf7: {  	v7 =	vadd.f32 v8, v7;
	v8 =	vld.idx.msk [tilespmem:v1+s12+$0x100 ss:$0x1], $0xffff;
	v5 =	vmax.f32 v5, $0.0e+00;
	[tilespmem:v1+s12+$0x180 ss:$0x1] =	vst.idx.msk $0xffff, v3  }
0xf8: {  	[tilespmem:v1+s12+$0xFFFFFE00 ss:$0x1] =	vst.idx.msk $0xffff, v5;
	v5 =	vld.idx.msk [tilespmem:v2+s12+$0x300 ss:$0x1], $0xffff  }
0xf9: {  	v3 =	vld.idx.msk [tilespmem:v1+s12+$0x190 ss:$0x1], $0xffff  }
0xfa: {  	v9 =	vadd.f32 v10, v9;
	v13 =	vld.idx.msk [tilespmem:v2+s12+$0x390 ss:$0x1], $0xffff  }
0xfb: {  	v12 =	vadd.f32 v14, v12;
	v7 =	vmax.f32 v7, $0.0e+00;
	v32 =	vld.idx.msk [tilespmem:v1+s12+$0xFFFFFE10 ss:$0x1], $0xffff  }
0xfc: {  	v9 =	vmax.f32 v9, $0.0e+00;
	[tilespmem:v1+s12+$0xFFFFFE80 ss:$0x1] =	vst.idx.msk $0xffff, v7;
	v7 =	vld.idx.msk [tilespmem:v2+s12+$0x10 ss:$0x1], $0xffff;
	v4 =	vadd.f32 v11, v4  }
0xfd: {  	v12 =	vmax.f32 v12, $0.0e+00;
	[tilespmem:v1+s12+$0xFFFFFF00 ss:$0x1] =	vst.idx.msk $0xffff, v9;
	v10 =	vld.idx.msk [tilespmem:v1+s12+$0xFFFFFE90 ss:$0x1], $0xffff  }
0xfe: {  	[tilespmem:v1+s12+$0x0 ss:$0x1] =	vst.idx.msk $0xffff, v12;
	v33 =	vld.idx.msk [tilespmem:v1+s12+$0xFFFFFF10 ss:$0x1], $0xffff;
	v6 =	vadd.f32 v15, v6;
	v4 =	vmax.f32 v4, $0.0e+00  }
0xff: {  	[tilespmem:v1+s12+$0xFFFFFF80 ss:$0x1] =	vst.idx.msk $0xffff, v4;
	v4 =	vld.idx.msk [tilespmem:v2+s12+$0x110 ss:$0x1], $0xffff  }
0x100: {  	v6 =	vmax.f32 v6, $0.0e+00;
	v5 =	vadd.f32 v5, v8;
	v8 =	vld.idx.msk [tilespmem:v1+s12+$0x10 ss:$0x1], $0xffff  }
0x101: {  	[tilespmem:v1+s12+$0x80 ss:$0x1] =	vst.idx.msk $0xffff, v6;
	v6 =	vld.idx.msk [tilespmem:v2+s12+$0x210 ss:$0x1], $0xffff  }
0x102: {  	v3 =	vadd.f32 v13, v3;
	v34 =	vld.idx.msk [tilespmem:v1+s12+$0xFFFFFF90 ss:$0x1], $0xffff  }
0x103: {  	v35 =	vld.idx.msk [tilespmem:v2+s12+$0x190 ss:$0x1], $0xffff;
	v5 =	vmax.f32 v5, $0.0e+00  }
0x104: {  	v3 =	vmax.f32 v3, $0.0e+00;
	[tilespmem:v1+s12+$0x100 ss:$0x1] =	vst.idx.msk $0xffff, v5;
	v5 =	vld.idx.msk [tilespmem:v2+s12+$0x290 ss:$0x1], $0xffff  }
0x105: {  	[tilespmem:v1+s12+$0x190 ss:$0x1] =	vst.idx.msk $0xffff, v3;
	v3 =	vld.idx.msk [tilespmem:v2+s12+$0x90 ss:$0x1], $0xffff  }
0x106: {  	v7 =	vadd.f32 v7, v32;
	v11 =	vld.idx.msk [tilespmem:v1+s12+$0x1A0 ss:$0x1], $0xffff  }
0x107: {  	v9 =	vld.idx.msk [tilespmem:v2+s12+$0x3A0 ss:$0x1], $0xffff;
	v4 =	vadd.f32 v4, v33  }
0x108: {  	v7 =	vmax.f32 v7, $0.0e+00;
	v36 =	vld.idx.msk [tilespmem:v1+s12+$0x110 ss:$0x1], $0xffff;
	v6 =	vadd.f32 v6, v8  }
0x109: {  	[tilespmem:v1+s12+$0xFFFFFE10 ss:$0x1] =	vst.idx.msk $0xffff, v7;
	v7 =	vld.idx.msk [tilespmem:v2+s12+$0x310 ss:$0x1], $0xffff;
	v4 =	vmax.f32 v4, $0.0e+00  }
0x10a: {  	v37 =	vld.idx.msk [tilespmem:v1+s12+$0xFFFFFE20 ss:$0x1], $0xffff;
	v12 =	vadd.f32 v35, v34;
	v6 =	vmax.f32 v6, $0.0e+00;
	[tilespmem:v1+s12+$0xFFFFFF10 ss:$0x1] =	vst.idx.msk $0xffff, v4  }
0x10b: {  	[tilespmem:v1+s12+$0x10 ss:$0x1] =	vst.idx.msk $0xffff, v6;
	v3 =	vadd.f32 v3, v10;
	v39 =	vld.idx.msk [tilespmem:v2+s12+$0x120 ss:$0x1], $0xffff  }
0x10c: {  	v12 =	vmax.f32 v12, $0.0e+00;
	v40 =	vld.idx.msk [tilespmem:v1+s12+$0x20 ss:$0x1], $0xffff;
	v9 =	vadd.f32 v9, v11  }
0x10d: {  	[tilespmem:v1+s12+$0xFFFFFF90 ss:$0x1] =	vst.idx.msk $0xffff, v12;
	v11 =	vld.idx.msk [tilespmem:v1+s12+$0x90 ss:$0x1], $0xffff;
	v3 =	vmax.f32 v3, $0.0e+00  }
0x10e: {  	v8 =	vld.idx.msk [tilespmem:v1+s12+$0xFFFFFFA0 ss:$0x1], $0xffff;
	v9 =	vmax.f32 v9, $0.0e+00;
	[tilespmem:v1+s12+$0xFFFFFE90 ss:$0x1] =	vst.idx.msk $0xffff, v3  }
0x10f: {  	v3 =	vld.idx.msk [tilespmem:v2+s12+$0x20 ss:$0x1], $0xffff;
	[tilespmem:v1+s12+$0x1A0 ss:$0x1] =	vst.idx.msk $0xffff, v9  }
0x110: {  	v7 =	vadd.f32 v7, v36;
	v9 =	vld.idx.msk [tilespmem:v1+s12+$0x1B0 ss:$0x1], $0xffff  }
0x111: {  	v10 =	vld.idx.msk [tilespmem:v2+s12+$0x3B0 ss:$0x1], $0xffff  }
0x112: {  	v7 =	vmax.f32 v7, $0.0e+00;
	v38 =	vld.idx.msk [tilespmem:v1+s12+$0xFFFFFEA0 ss:$0x1], $0xffff;
	v5 =	vadd.f32 v5, v11  }
0x113: {  	[tilespmem:v1+s12+$0x110 ss:$0x1] =	vst.idx.msk $0xffff, v7;
	v4 =	vld.idx.msk [tilespmem:v2+s12+$0xA0 ss:$0x1], $0xffff  }
0x114: {  	v42 =	vld.idx.msk [tilespmem:v1+s12+$0x120 ss:$0x1], $0xffff;
	v5 =	vmax.f32 v5, $0.0e+00  }
0x115: {  	[tilespmem:v1+s12+$0x90 ss:$0x1] =	vst.idx.msk $0xffff, v5;
	v5 =	vld.idx.msk [tilespmem:v2+s12+$0x220 ss:$0x1], $0xffff  }
0x116: {  	v3 =	vadd.f32 v3, v37;
	v9 =	vadd.f32 v10, v9;
	v10 =	vld.idx.msk [tilespmem:v1+s12+$0xFFFFFF20 ss:$0x1], $0xffff  }
0x117: {  	v41 =	vld.idx.msk [tilespmem:v1+s12+$0xA0 ss:$0x1], $0xffff  }
0x118: {  	v7 =	vld.idx.msk [tilespmem:v2+s12+$0x2A0 ss:$0x1], $0xffff;
	v3 =	vmax.f32 v3, $0.0e+00  }
0x119: {  	[tilespmem:v1+s12+$0xFFFFFE20 ss:$0x1] =	vst.idx.msk $0xffff, v3;
	v3 =	vld.idx.msk [tilespmem:v2+s12+$0x320 ss:$0x1], $0xffff;
	v9 =	vmax.f32 v9, $0.0e+00  }
0x11a: {  	v4 =	vadd.f32 v4, v38;
	[tilespmem:v1+s12+$0x1B0 ss:$0x1] =	vst.idx.msk $0xffff, v9;
	v9 =	vld.idx.msk [tilespmem:v2+s12+$0x1A0 ss:$0x1], $0xffff  }
0x11b: {  	v11 =	vld.idx.msk [tilespmem:v1+s12+$0x1C0 ss:$0x1], $0xffff;
	v5 =	vadd.f32 v5, v40  }
0x11c: {  	v4 =	vmax.f32 v4, $0.0e+00;
	v6 =	vld.idx.msk [tilespmem:v2+s12+$0x3C0 ss:$0x1], $0xffff;
	v10 =	vadd.f32 v39, v10  }
0x11d: {  	[tilespmem:v1+s12+$0xFFFFFEA0 ss:$0x1] =	vst.idx.msk $0xffff, v4;
	v4 =	vld.idx.msk [tilespmem:v2+s12+$0x30 ss:$0x1], $0xffff;
	v7 =	vadd.f32 v7, v41;
	v5 =	vmax.f32 v5, $0.0e+00  }
0x11e: {  	v43 =	vld.idx.msk [tilespmem:v1+s12+$0xFFFFFEB0 ss:$0x1], $0xffff;
	v10 =	vmax.f32 v10, $0.0e+00;
	[tilespmem:v1+s12+$0x20 ss:$0x1] =	vst.idx.msk $0xffff, v5  }
0x11f: {  	v7 =	vmax.f32 v7, $0.0e+00;
	[tilespmem:v1+s12+$0xFFFFFF20 ss:$0x1] =	vst.idx.msk $0xffff, v10;
	v10 =	vld.idx.msk [tilespmem:v2+s12+$0xB0 ss:$0x1], $0xffff  }
0x120: {  	[tilespmem:v1+s12+$0xA0 ss:$0x1] =	vst.idx.msk $0xffff, v7;
	v7 =	vld.idx.msk [tilespmem:v2+s12+$0x230 ss:$0x1], $0xffff  }
0x121: {  	v8 =	vadd.f32 v9, v8;
	v6 =	vadd.f32 v6, v11;
	v11 =	vld.idx.msk [tilespmem:v1+s12+$0xFFFFFE30 ss:$0x1], $0xffff  }
0x122: {  	v44 =	vld.idx.msk [tilespmem:v1+s12+$0xFFFFFF30 ss:$0x1], $0xffff  }
0x123: {  	v46 =	vld.idx.msk [tilespmem:v1+s12+$0xB0 ss:$0x1], $0xffff;
	v8 =	vmax.f32 v8, $0.0e+00  }
0x124: {  	v6 =	vmax.f32 v6, $0.0e+00;
	[tilespmem:v1+s12+$0xFFFFFFA0 ss:$0x1] =	vst.idx.msk $0xffff, v8;
	v8 =	vld.idx.msk [tilespmem:v2+s12+$0x130 ss:$0x1], $0xffff  }
0x125: {  	v3 =	vadd.f32 v3, v42;
	[tilespmem:v1+s12+$0x1C0 ss:$0x1] =	vst.idx.msk $0xffff, v6;
	v45 =	vld.idx.msk [tilespmem:v1+s12+$0xFFFFFFB0 ss:$0x1], $0xffff  }
0x126: {  	v6 =	vld.idx.msk [tilespmem:v1+s12+$0x1D0 ss:$0x1], $0xffff;
	v10 =	vadd.f32 v10, v43  }
0x127: {  	v3 =	vmax.f32 v3, $0.0e+00;
	v9 =	vld.idx.msk [tilespmem:v2+s12+$0x3D0 ss:$0x1], $0xffff;
	v4 =	vadd.f32 v4, v11  }
0x128: {  	[tilespmem:v1+s12+$0x120 ss:$0x1] =	vst.idx.msk $0xffff, v3;
	v5 =	vld.idx.msk [tilespmem:v2+s12+$0x1B0 ss:$0x1], $0xffff;
	v10 =	vmax.f32 v10, $0.0e+00  }
0x129: {  	v47 =	vld.idx.msk [tilespmem:v1+s12+$0x130 ss:$0x1], $0xffff;
	v4 =	vmax.f32 v4, $0.0e+00;
	[tilespmem:v1+s12+$0xFFFFFEB0 ss:$0x1] =	vst.idx.msk $0xffff, v10  }
0x12a: {  	[tilespmem:v1+s12+$0xFFFFFE30 ss:$0x1] =	vst.idx.msk $0xffff, v4;
	v4 =	vld.idx.msk [tilespmem:v2+s12+$0x330 ss:$0x1], $0xffff  }
0x12b: {  	v49 =	vld.idx.msk [tilespmem:v1+s12+$0xFFFFFEC0 ss:$0x1], $0xffff  }
0x12c: {  	v8 =	vadd.f32 v8, v44;
	v6 =	vadd.f32 v9, v6;
	v9 =	vld.idx.msk [tilespmem:v1+s12+$0x30 ss:$0x1], $0xffff  }
0x12d: {  	v5 =	vadd.f32 v5, v45;
	v48 =	vld.idx.msk [tilespmem:v1+s12+$0xFFFFFE40 ss:$0x1], $0xffff  }
0x12e: {  	v10 =	vld.idx.msk [tilespmem:v2+s12+$0x40 ss:$0x1], $0xffff;
	v8 =	vmax.f32 v8, $0.0e+00  }
0x12f: {  	[tilespmem:v1+s12+$0xFFFFFF30 ss:$0x1] =	vst.idx.msk $0xffff, v8;
	v8 =	vld.idx.msk [tilespmem:v2+s12+$0xC0 ss:$0x1], $0xffff;
	v5 =	vmax.f32 v5, $0.0e+00  }
0x130: {  	v6 =	vmax.f32 v6, $0.0e+00;
	[tilespmem:v1+s12+$0xFFFFFFB0 ss:$0x1] =	vst.idx.msk $0xffff, v5;
	v5 =	vld.idx.msk [tilespmem:v2+s12+$0x140 ss:$0x1], $0xffff  }
0x131: {  	[tilespmem:v1+s12+$0x1D0 ss:$0x1] =	vst.idx.msk $0xffff, v6;
	v6 =	vld.idx.msk [tilespmem:v2+s12+$0x2B0 ss:$0x1], $0xffff;
	v4 =	vadd.f32 v4, v47  }
0x132: {  	v11 =	vld.idx.msk [tilespmem:v1+s12+$0x1E0 ss:$0x1], $0xffff;
	v7 =	vadd.f32 v7, v9  }
0x133: {  	v3 =	vld.idx.msk [tilespmem:v2+s12+$0x3E0 ss:$0x1], $0xffff;
	v4 =	vmax.f32 v4, $0.0e+00  }
0x134: {  	v9 =	vld.idx.msk [tilespmem:v1+s12+$0xFFFFFFC0 ss:$0x1], $0xffff;
	v10 =	vadd.f32 v10, v48;
	v7 =	vmax.f32 v7, $0.0e+00;
	[tilespmem:v1+s12+$0x130 ss:$0x1] =	vst.idx.msk $0xffff, v4  }
0x135: {  	[tilespmem:v1+s12+$0x30 ss:$0x1] =	vst.idx.msk $0xffff, v7;
	v7 =	vld.idx.msk [tilespmem:v2+s12+$0x1C0 ss:$0x1], $0xffff  }
0x136: {  	v10 =	vmax.f32 v10, $0.0e+00;
	v53 =	vld.idx.msk [tilespmem:v1+s12+$0x140 ss:$0x1], $0xffff  }
0x137: {  	v8 =	vadd.f32 v8, v49;
	[tilespmem:v1+s12+$0xFFFFFE40 ss:$0x1] =	vst.idx.msk $0xffff, v10;
	v10 =	vld.idx.msk [tilespmem:v2+s12+$0x340 ss:$0x1], $0xffff  }
0x138: {  	v6 =	vadd.f32 v6, v46;
	v3 =	vadd.f32 v3, v11;
	v11 =	vld.idx.msk [tilespmem:v1+s12+$0xFFFFFF40 ss:$0x1], $0xffff  }
0x139: {  	v8 =	vmax.f32 v8, $0.0e+00;
	v51 =	vld.idx.msk [tilespmem:v1+s12+$0x40 ss:$0x1], $0xffff  }
0x13a: {  	[tilespmem:v1+s12+$0xFFFFFEC0 ss:$0x1] =	vst.idx.msk $0xffff, v8;
	v8 =	vld.idx.msk [tilespmem:v2+s12+$0x50 ss:$0x1], $0xffff;
	v6 =	vmax.f32 v6, $0.0e+00  }
0x13b: {  	[tilespmem:v1+s12+$0xB0 ss:$0x1] =	vst.idx.msk $0xffff, v6;
	v6 =	vld.idx.msk [tilespmem:v2+s12+$0x240 ss:$0x1], $0xffff  }
0x13c: {  	v3 =	vmax.f32 v3, $0.0e+00;
	v52 =	vld.idx.msk [tilespmem:v1+s12+$0xC0 ss:$0x1], $0xffff  }
0x13d: {  	[tilespmem:v1+s12+$0x1E0 ss:$0x1] =	vst.idx.msk $0xffff, v3;
	v4 =	vld.idx.msk [tilespmem:v2+s12+$0x2C0 ss:$0x1], $0xffff  }
0x13e: {  	v3 =	vld.idx.msk [tilespmem:v1+s12+$0x1F0 ss:$0x1], $0xffff;
	v7 =	vadd.f32 v7, v9  }
0x13f: {  	v50 =	vld.idx.msk [tilespmem:v2+s12+$0x3F0 ss:$0x1], $0xffff;
	v5 =	vadd.f32 v5, v11  }
0x140: {  	v9 =	vld.idx.msk [tilespmem:v1+s12+$0xFFFFFED0 ss:$0x1], $0xffff;
	v7 =	vmax.f32 v7, $0.0e+00  }
0x141: {  	v11 =	vld.idx.msk [tilespmem:v1+s12+$0xFFFFFE50 ss:$0x1], $0xffff;
	v5 =	vmax.f32 v5, $0.0e+00;
	[tilespmem:v1+s12+$0xFFFFFFC0 ss:$0x1] =	vst.idx.msk $0xffff, v7  }
0x142: {  	[tilespmem:v1+s12+$0xFFFFFF40 ss:$0x1] =	vst.idx.msk $0xffff, v5;
	v5 =	vld.idx.msk [tilespmem:v2+s12+$0xD0 ss:$0x1], $0xffff  }
0x143: {  	v6 =	vadd.f32 v6, v51;
	v55 =	vld.idx.msk [tilespmem:v1+s12+$0xFFFFFFD0 ss:$0x1], $0xffff  }
0x144: {  	v54 =	vld.idx.msk [tilespmem:v1+s12+$0xFFFFFF50 ss:$0x1], $0xffff  }
0x145: {  	v4 =	vadd.f32 v4, v52;
	v7 =	vld.idx.msk [tilespmem:v2+s12+$0x150 ss:$0x1], $0xffff;
	v6 =	vmax.f32 v6, $0.0e+00  }
0x146: {  	[tilespmem:v1+s12+$0x40 ss:$0x1] =	vst.idx.msk $0xffff, v6;
	v6 =	vld.idx.msk [tilespmem:v2+s12+$0x1D0 ss:$0x1], $0xffff  }
0x147: {  	v10 =	vadd.f32 v10, v53;
	v4 =	vmax.f32 v4, $0.0e+00;
	v56 =	vld.idx.msk [tilespmem:v1+s12+$0x50 ss:$0x1], $0xffff  }
0x148: {  	[tilespmem:v1+s12+$0xC0 ss:$0x1] =	vst.idx.msk $0xffff, v4;
	v4 =	vld.idx.msk [tilespmem:v2+s12+$0x250 ss:$0x1], $0xffff  }
0x149: {  	v10 =	vmax.f32 v10, $0.0e+00;
	v8 =	vadd.f32 v8, v11;
	v11 =	vld.idx.msk [tilespmem:v1+s12+$0xD0 ss:$0x1], $0xffff  }
0x14a: {  	[tilespmem:v1+s12+$0x140 ss:$0x1] =	vst.idx.msk $0xffff, v10;
	v10 =	vld.idx.msk [tilespmem:v2+s12+$0x2D0 ss:$0x1], $0xffff  }
0x14b: {  	v8 =	vmax.f32 v8, $0.0e+00;
	v5 =	vadd.f32 v5, v9;
	v9 =	vld.idx.msk [tilespmem:v1+s12+$0x150 ss:$0x1], $0xffff  }
0x14c: {  	[tilespmem:v1+s12+$0xFFFFFE50 ss:$0x1] =	vst.idx.msk $0xffff, v8;
	v8 =	vld.idx.msk [tilespmem:v2+s12+$0x350 ss:$0x1], $0xffff  }
0x14d: {  	v7 =	vadd.f32 v7, v54;
	v57 =	vld.idx.msk [tilespmem:v1+s12+$0xFFFFFE60 ss:$0x1], $0xffff;
	v5 =	vmax.f32 v5, $0.0e+00  }
0x14e: {  	[tilespmem:v1+s12+$0xFFFFFED0 ss:$0x1] =	vst.idx.msk $0xffff, v5;
	v5 =	vld.idx.msk [tilespmem:v2+s12+$0x60 ss:$0x1], $0xffff  }
0x14f: {  	v6 =	vadd.f32 v6, v55;
	v7 =	vmax.f32 v7, $0.0e+00;
	v58 =	vld.idx.msk [tilespmem:v1+s12+$0xFFFFFEE0 ss:$0x1], $0xffff  }
0x150: {  	[tilespmem:v1+s12+$0xFFFFFF50 ss:$0x1] =	vst.idx.msk $0xffff, v7;
	v7 =	vld.idx.msk [tilespmem:v2+s12+$0xE0 ss:$0x1], $0xffff  }
0x151: {  	v4 =	vadd.f32 v4, v56;
	v6 =	vmax.f32 v6, $0.0e+00;
	v59 =	vld.idx.msk [tilespmem:v1+s12+$0xFFFFFF60 ss:$0x1], $0xffff  }
0x152: {  	[tilespmem:v1+s12+$0xFFFFFFD0 ss:$0x1] =	vst.idx.msk $0xffff, v6;
	v6 =	vld.idx.msk [tilespmem:v2+s12+$0x160 ss:$0x1], $0xffff  }
0x153: {  	v10 =	vadd.f32 v10, v11;
	v4 =	vmax.f32 v4, $0.0e+00;
	v11 =	vld.idx.msk [tilespmem:v1+s12+$0xFFFFFFE0 ss:$0x1], $0xffff  }
0x154: {  	[tilespmem:v1+s12+$0x50 ss:$0x1] =	vst.idx.msk $0xffff, v4;
	v4 =	vld.idx.msk [tilespmem:v2+s12+$0x1E0 ss:$0x1], $0xffff  }
0x155: {  	v8 =	vadd.f32 v8, v9;
	v10 =	vmax.f32 v10, $0.0e+00;
	v9 =	vld.idx.msk [tilespmem:v1+s12+$0x60 ss:$0x1], $0xffff  }
0x156: {  	[tilespmem:v1+s12+$0xD0 ss:$0x1] =	vst.idx.msk $0xffff, v10;
	v10 =	vld.idx.msk [tilespmem:v2+s12+$0x260 ss:$0x1], $0xffff  }
0x157: {  	v8 =	vmax.f32 v8, $0.0e+00;
	v5 =	vadd.f32 v5, v57;
	v60 =	vld.idx.msk [tilespmem:v1+s12+$0xE0 ss:$0x1], $0xffff  }
0x158: {  	[tilespmem:v1+s12+$0x150 ss:$0x1] =	vst.idx.msk $0xffff, v8;
	v8 =	vld.idx.msk [tilespmem:v2+s12+$0x2E0 ss:$0x1], $0xffff  }
0x159: {  	v7 =	vadd.f32 v7, v58;
	v61 =	vld.idx.msk [tilespmem:v1+s12+$0x160 ss:$0x1], $0xffff;
	v5 =	vmax.f32 v5, $0.0e+00  }
0x15a: {  	[tilespmem:v1+s12+$0xFFFFFE60 ss:$0x1] =	vst.idx.msk $0xffff, v5;
	v5 =	vld.idx.msk [tilespmem:v2+s12+$0x360 ss:$0x1], $0xffff  }
0x15b: {  	v6 =	vadd.f32 v6, v59;
	v7 =	vmax.f32 v7, $0.0e+00;
	v62 =	vld.idx.msk [tilespmem:v1+s12+$0xFFFFFE70 ss:$0x1], $0xffff  }
0x15c: {  	[tilespmem:v1+s12+$0xFFFFFEE0 ss:$0x1] =	vst.idx.msk $0xffff, v7;
	v7 =	vld.idx.msk [tilespmem:v2+s12+$0x70 ss:$0x1], $0xffff  }
0x15d: {  	v4 =	vadd.f32 v4, v11;
	v6 =	vmax.f32 v6, $0.0e+00;
	v11 =	vld.idx.msk [tilespmem:v1+s12+$0xFFFFFEF0 ss:$0x1], $0xffff  }
0x15e: {  	[tilespmem:v1+s12+$0xFFFFFF60 ss:$0x1] =	vst.idx.msk $0xffff, v6;
	v6 =	vld.idx.msk [tilespmem:v2+s12+$0xF0 ss:$0x1], $0xffff  }
0x15f: {  	v9 =	vadd.f32 v10, v9;
	v4 =	vmax.f32 v4, $0.0e+00;
	v10 =	vld.idx.msk [tilespmem:v1+s12+$0xFFFFFF70 ss:$0x1], $0xffff  }
0x160: {  	v15 =	vadd.f32 v50, v3;
	[tilespmem:v1+s12+$0xFFFFFFE0 ss:$0x1] =	vst.idx.msk $0xffff, v4;
	v16 =	vld.idx.msk [tilespmem:v2+s12+$0x170 ss:$0x1], $0xffff  }
0x161: {  	v8 =	vadd.f32 v8, v60;
	v4 =	vmax.f32 v9, $0.0e+00;
	v3 =	vld.idx.msk [tilespmem:v1+s12+$0xFFFFFFF0 ss:$0x1], $0xffff  }
0x162: {  	[tilespmem:v1+s12+$0x60 ss:$0x1] =	vst.idx.msk $0xffff, v4;
	v4 =	vmax.f32 v15, $0.0e+00;
	v9 =	vadd.f32 v5, v61;
	v5 =	vld.idx.msk [tilespmem:v2+s12+$0x1F0 ss:$0x1], $0xffff  }
0x163: {  	v8 =	vmax.f32 v8, $0.0e+00;
	[tilespmem:v1+s12+$0x1F0 ss:$0x1] =	vst.idx.msk $0xffff, v4;
	v4 =	vld.idx.msk [tilespmem:v1+s12+$0x70 ss:$0x1], $0xffff;
	v63 =	vadd.f32 v7, v62  }
0x164: {  	s0 =	smul.u32 $0x5000, s25;
	[tilespmem:v1+s12+$0xE0 ss:$0x1] =	vst.idx.msk $0xffff, v8;
	v7 =	vld.idx.msk [tilespmem:v2+s12+$0x270 ss:$0x1], $0xffff;
	v8 =	vmax.f32 v9, $0.0e+00;
	v9 =	vadd.f32 v6, v11  }
0x165: {  	v6 =	vld.idx.msk [tilespmem:v1+s12+$0xF0 ss:$0x1], $0xffff;
	[tilespmem:v1+s12+$0x160 ss:$0x1] =	vst.idx.msk $0xffff, v8;
	v8 =	vmax.f32 v63, $0.0e+00  }
0x166: {  	s30 =	simm.s32 $0x1000;
	s31 =	sshll.u32 s25, $0x7;
	s0 =	sshrl.u32 s0, $0x2;
	v10 =	vadd.f32 v16, v10;
	[tilespmem:v1+s12+$0xFFFFFE70 ss:$0x1] =	vst.idx.msk $0xffff, v8;
	v8 =	vmax.f32 v9, $0.0e+00;
	v9 =	vld.idx.msk [tilespmem:v2+s12+$0x2F0 ss:$0x1], $0xffff  }
0x167: {  	s29 =	simm.s32 $0x0;
	s28 =	sadd.s32 $0x1A580, s0;
	s26 =	sadd.s32 $0x16780, s31;
	[tilespmem:v1+s12+$0xFFFFFEF0 ss:$0x1] =	vst.idx.msk $0xffff, v8;
	v8 =	vld.idx.msk [tilespmem:v1+s12+$0x170 ss:$0x1], $0xffff  }
.LBB2_5:
0x168: {  	s0 =	sshra.s32 s30, $0x2;
	v10 =	vmax.f32 v10, $0.0e+00;
	v3 =	vadd.f32 v5, v3;
	v5 =	vld.idx.msk [tilespmem:v2+s12+$0x370 ss:$0x1], $0xffff  }
0x169: {  	v11 =	vld.idx.msk [tilespmem:v1+s0+$0x180 ss:$0x1], $0xffff;
	[tilespmem:v1+s12+$0xFFFFFF70 ss:$0x1] =	vst.idx.msk $0xffff, v10  }
0x16a: {  	v4 =	vadd.f32 v7, v4;
	v10 =	vld.idx.msk [tilespmem:v2+s0+$0x380 ss:$0x1], $0xffff;
	v3 =	vmax.f32 v3, $0.0e+00  }
0x16b: {  	v7 =	vld.idx.msk [tilespmem:v1+s0+$0xFFFFFE00 ss:$0x1], $0xffff;
	[tilespmem:v1+s12+$0xFFFFFFF0 ss:$0x1] =	vst.idx.msk $0xffff, v3  }
0x16c: {  	v4 =	vmax.f32 v4, $0.0e+00;
	v6 =	vadd.f32 v9, v6;
	v3 =	vld.idx.msk [tilespmem:v2+s0+$0x0 ss:$0x1], $0xffff  }
0x16d: {  	v9 =	vld.idx.msk [tilespmem:v1+s0+$0xFFFFFE80 ss:$0x1], $0xffff;
	[tilespmem:v1+s12+$0x70 ss:$0x1] =	vst.idx.msk $0xffff, v4  }
0x16e: {  	v6 =	vmax.f32 v6, $0.0e+00;
	v5 =	vadd.f32 v5, v8;
	v4 =	vld.idx.msk [tilespmem:v2+s0+$0x80 ss:$0x1], $0xffff  }
0x16f: {  	v8 =	vld.idx.msk [tilespmem:v1+s0+$0xFFFFFF00 ss:$0x1], $0xffff;
	[tilespmem:v1+s12+$0xF0 ss:$0x1] =	vst.idx.msk $0xffff, v6  }
0x170: {  	s29 =	sadd.s32 $0x8, s29;
	v10 =	vadd.f32 v10, v11;
	v5 =	vmax.f32 v5, $0.0e+00;
	v6 =	vld.idx.msk [tilespmem:v2+s0+$0x100 ss:$0x1], $0xffff  }
0x171: {  	p4 =	slt.u32 s29, $0x20;
	v11 =	vld.idx.msk [tilespmem:v1+s0+$0xFFFFFF80 ss:$0x1], $0xffff;
	[tilespmem:v1+s12+$0x170 ss:$0x1] =	vst.idx.msk $0xffff, v5;
	s12 =	smov.u32 s0  }
0x172: {  	v3 =	vadd.f32 v3, v7;
	v7 =	vmax.f32 v10, $0.0e+00;
	v5 =	vld.idx.msk [tilespmem:v2+s12+$0x180 ss:$0x1], $0xffff  }
0x173: {  	v10 =	vld.idx.msk [tilespmem:v1+s12+$0x0 ss:$0x1], $0xffff;
	[tilespmem:v1+s12+$0x180 ss:$0x1] =	vst.idx.msk $0xffff, v7  }
0x174: {  	v3 =	vmax.f32 v3, $0.0e+00;
	v4 =	vadd.f32 v4, v9;
	v7 =	vld.idx.msk [tilespmem:v1+s12+$0x190 ss:$0x1], $0xffff  }
0x175: {  	[tilespmem:v1+s12+$0xFFFFFE00 ss:$0x1] =	vst.idx.msk $0xffff, v3;
	v3 =	vld.idx.msk [tilespmem:v2+s12+$0x390 ss:$0x1], $0xffff  }
0x176: {  	v4 =	vmax.f32 v4, $0.0e+00;
	v6 =	vadd.f32 v6, v8;
	v8 =	vld.idx.msk [tilespmem:v2+s12+$0x200 ss:$0x1], $0xffff  }
0x177: {  	[tilespmem:v1+s12+$0xFFFFFE80 ss:$0x1] =	vst.idx.msk $0xffff, v4;
	v4 =	vld.idx.msk [tilespmem:v1+s12+$0x80 ss:$0x1], $0xffff  }
0x178: {  	v6 =	vmax.f32 v6, $0.0e+00;
	v5 =	vadd.f32 v5, v11;
	v9 =	vld.idx.msk [tilespmem:v2+s12+$0x280 ss:$0x1], $0xffff  }
0x179: {  	[tilespmem:v1+s12+$0xFFFFFF00 ss:$0x1] =	vst.idx.msk $0xffff, v6;
	v6 =	vld.idx.msk [tilespmem:v1+s12+$0x100 ss:$0x1], $0xffff  }
0x17a: {  	v5 =	vmax.f32 v5, $0.0e+00;
	v11 =	vld.idx.msk [tilespmem:v2+s12+$0x300 ss:$0x1], $0xffff  }
0x17b: {  	v3 =	vadd.f32 v3, v7;
	v12 =	vld.idx.msk [tilespmem:v1+s12+$0xFFFFFE10 ss:$0x1], $0xffff;
	[tilespmem:v1+s12+$0xFFFFFF80 ss:$0x1] =	vst.idx.msk $0xffff, v5  }
0x17c: {  	v7 =	vadd.f32 v8, v10;
	v5 =	vld.idx.msk [tilespmem:v2+s12+$0x10 ss:$0x1], $0xffff  }
0x17d: {  	v3 =	vmax.f32 v3, $0.0e+00;
	v8 =	vld.idx.msk [tilespmem:v1+s12+$0xFFFFFE90 ss:$0x1], $0xffff  }
0x17e: {  	v7 =	vmax.f32 v7, $0.0e+00;
	v4 =	vadd.f32 v9, v4;
	v10 =	vld.idx.msk [tilespmem:v2+s12+$0x90 ss:$0x1], $0xffff;
	[tilespmem:v1+s12+$0x190 ss:$0x1] =	vst.idx.msk $0xffff, v3  }
0x17f: {  	[tilespmem:v1+s12+$0x0 ss:$0x1] =	vst.idx.msk $0xffff, v7;
	v3 =	vld.idx.msk [tilespmem:v1+s12+$0x1A0 ss:$0x1], $0xffff  }
0x180: {  	v4 =	vmax.f32 v4, $0.0e+00;
	v6 =	vadd.f32 v11, v6;
	v7 =	vld.idx.msk [tilespmem:v2+s12+$0x3A0 ss:$0x1], $0xffff  }
0x181: {  	v9 =	vld.idx.msk [tilespmem:v1+s12+$0xFFFFFF10 ss:$0x1], $0xffff;
	[tilespmem:v1+s12+$0x80 ss:$0x1] =	vst.idx.msk $0xffff, v4  }
0x182: {  	v4 =	vadd.f32 v5, v12;
	v6 =	vmax.f32 v6, $0.0e+00;
	v5 =	vld.idx.msk [tilespmem:v2+s12+$0x110 ss:$0x1], $0xffff  }
0x183: {  	v11 =	vld.idx.msk [tilespmem:v1+s12+$0xFFFFFF90 ss:$0x1], $0xffff;
	[tilespmem:v1+s12+$0x100 ss:$0x1] =	vst.idx.msk $0xffff, v6  }
0x184: {  	v4 =	vmax.f32 v4, $0.0e+00;
	v6 =	vadd.f32 v10, v8;
	v8 =	vld.idx.msk [tilespmem:v2+s12+$0x190 ss:$0x1], $0xffff  }
0x185: {  	[tilespmem:v1+s12+$0xFFFFFE10 ss:$0x1] =	vst.idx.msk $0xffff, v4;
	v4 =	vld.idx.msk [tilespmem:v1+s12+$0x10 ss:$0x1], $0xffff  }
0x186: {  	v6 =	vmax.f32 v6, $0.0e+00;
	v3 =	vadd.f32 v7, v3;
	v10 =	vld.idx.msk [tilespmem:v2+s12+$0x210 ss:$0x1], $0xffff  }
0x187: {  	[tilespmem:v1+s12+$0xFFFFFE90 ss:$0x1] =	vst.idx.msk $0xffff, v6;
	v6 =	vld.idx.msk [tilespmem:v1+s12+$0x90 ss:$0x1], $0xffff  }
0x188: {  	v5 =	vadd.f32 v5, v9;
	v3 =	vmax.f32 v3, $0.0e+00;
	v7 =	vld.idx.msk [tilespmem:v2+s12+$0x290 ss:$0x1], $0xffff  }
0x189: {  	v9 =	vld.idx.msk [tilespmem:v1+s12+$0x110 ss:$0x1], $0xffff;
	[tilespmem:v1+s12+$0x1A0 ss:$0x1] =	vst.idx.msk $0xffff, v3  }
0x18a: {  	v3 =	vmax.f32 v5, $0.0e+00;
	v5 =	vadd.f32 v8, v11;
	v8 =	vld.idx.msk [tilespmem:v1+s12+$0x1B0 ss:$0x1], $0xffff  }
0x18b: {  	[tilespmem:v1+s12+$0xFFFFFF10 ss:$0x1] =	vst.idx.msk $0xffff, v3;
	v3 =	vld.idx.msk [tilespmem:v2+s12+$0x3B0 ss:$0x1], $0xffff  }
0x18c: {  	v5 =	vmax.f32 v5, $0.0e+00;
	v4 =	vadd.f32 v10, v4;
	v10 =	vld.idx.msk [tilespmem:v2+s12+$0x310 ss:$0x1], $0xffff  }
0x18d: {  	v11 =	vld.idx.msk [tilespmem:v1+s12+$0xFFFFFE20 ss:$0x1], $0xffff;
	[tilespmem:v1+s12+$0xFFFFFF90 ss:$0x1] =	vst.idx.msk $0xffff, v5  }
0x18e: {  	v4 =	vmax.f32 v4, $0.0e+00;
	v6 =	vadd.f32 v7, v6;
	v5 =	vld.idx.msk [tilespmem:v2+s12+$0x20 ss:$0x1], $0xffff  }
0x18f: {  	v7 =	vld.idx.msk [tilespmem:v1+s12+$0xFFFFFEA0 ss:$0x1], $0xffff;
	[tilespmem:v1+s12+$0x10 ss:$0x1] =	vst.idx.msk $0xffff, v4  }
0x190: {  	v6 =	vmax.f32 v6, $0.0e+00;
	v4 =	vld.idx.msk [tilespmem:v2+s12+$0xA0 ss:$0x1], $0xffff  }
0x191: {  	v3 =	vadd.f32 v3, v8;
	v12 =	vld.idx.msk [tilespmem:v1+s12+$0xFFFFFF20 ss:$0x1], $0xffff;
	[tilespmem:v1+s12+$0x90 ss:$0x1] =	vst.idx.msk $0xffff, v6  }
0x192: {  	v8 =	vadd.f32 v10, v9;
	v6 =	vld.idx.msk [tilespmem:v2+s12+$0x120 ss:$0x1], $0xffff  }
0x193: {  	v3 =	vmax.f32 v3, $0.0e+00;
	v9 =	vld.idx.msk [tilespmem:v1+s12+$0xFFFFFFA0 ss:$0x1], $0xffff  }
0x194: {  	v5 =	vadd.f32 v5, v11;
	v8 =	vmax.f32 v8, $0.0e+00;
	v10 =	vld.idx.msk [tilespmem:v2+s12+$0x1A0 ss:$0x1], $0xffff;
	[tilespmem:v1+s12+$0x1B0 ss:$0x1] =	vst.idx.msk $0xffff, v3  }
0x195: {  	[tilespmem:v1+s12+$0x110 ss:$0x1] =	vst.idx.msk $0xffff, v8;
	v3 =	vld.idx.msk [tilespmem:v1+s12+$0x1C0 ss:$0x1], $0xffff  }
0x196: {  	v5 =	vmax.f32 v5, $0.0e+00;
	v4 =	vadd.f32 v4, v7;
	v7 =	vld.idx.msk [tilespmem:v2+s12+$0x3C0 ss:$0x1], $0xffff  }
0x197: {  	[tilespmem:v1+s12+$0xFFFFFE20 ss:$0x1] =	vst.idx.msk $0xffff, v5;
	v5 =	vld.idx.msk [tilespmem:v1+s12+$0x20 ss:$0x1], $0xffff  }
0x198: {  	v4 =	vmax.f32 v4, $0.0e+00;
	v6 =	vadd.f32 v6, v12;
	v8 =	vld.idx.msk [tilespmem:v2+s12+$0x220 ss:$0x1], $0xffff  }
0x199: {  	[tilespmem:v1+s12+$0xFFFFFEA0 ss:$0x1] =	vst.idx.msk $0xffff, v4;
	v4 =	vld.idx.msk [tilespmem:v1+s12+$0xA0 ss:$0x1], $0xffff  }
0x19a: {  	v6 =	vmax.f32 v6, $0.0e+00;
	v9 =	vadd.f32 v10, v9;
	v10 =	vld.idx.msk [tilespmem:v2+s12+$0x2A0 ss:$0x1], $0xffff  }
0x19b: {  	[tilespmem:v1+s12+$0xFFFFFF20 ss:$0x1] =	vst.idx.msk $0xffff, v6;
	v6 =	vld.idx.msk [tilespmem:v1+s12+$0x120 ss:$0x1], $0xffff  }
0x19c: {  	v9 =	vmax.f32 v9, $0.0e+00;
	v3 =	vadd.f32 v7, v3;
	v11 =	vld.idx.msk [tilespmem:v2+s12+$0x320 ss:$0x1], $0xffff  }
0x19d: {  	v7 =	vld.idx.msk [tilespmem:v1+s12+$0xFFFFFE30 ss:$0x1], $0xffff;
	[tilespmem:v1+s12+$0xFFFFFFA0 ss:$0x1] =	vst.idx.msk $0xffff, v9  }
0x19e: {  	v5 =	vadd.f32 v8, v5;
	v3 =	vmax.f32 v3, $0.0e+00;
	v9 =	vld.idx.msk [tilespmem:v2+s12+$0x30 ss:$0x1], $0xffff  }
0x19f: {  	v8 =	vld.idx.msk [tilespmem:v1+s12+$0xFFFFFEB0 ss:$0x1], $0xffff;
	[tilespmem:v1+s12+$0x1C0 ss:$0x1] =	vst.idx.msk $0xffff, v3  }
0x1a0: {  	v3 =	vmax.f32 v5, $0.0e+00;
	v4 =	vadd.f32 v10, v4;
	v5 =	vld.idx.msk [tilespmem:v1+s12+$0x1D0 ss:$0x1], $0xffff  }
0x1a1: {  	[tilespmem:v1+s12+$0x20 ss:$0x1] =	vst.idx.msk $0xffff, v3;
	v3 =	vld.idx.msk [tilespmem:v2+s12+$0x3D0 ss:$0x1], $0xffff  }
0x1a2: {  	v4 =	vmax.f32 v4, $0.0e+00;
	v6 =	vadd.f32 v11, v6;
	v10 =	vld.idx.msk [tilespmem:v2+s12+$0xB0 ss:$0x1], $0xffff  }
0x1a3: {  	v11 =	vld.idx.msk [tilespmem:v1+s12+$0xFFFFFF30 ss:$0x1], $0xffff;
	[tilespmem:v1+s12+$0xA0 ss:$0x1] =	vst.idx.msk $0xffff, v4  }
0x1a4: {  	v4 =	vadd.f32 v9, v7;
	v6 =	vmax.f32 v6, $0.0e+00;
	v7 =	vld.idx.msk [tilespmem:v2+s12+$0x130 ss:$0x1], $0xffff  }
0x1a5: {  	v9 =	vld.idx.msk [tilespmem:v1+s12+$0xFFFFFFB0 ss:$0x1], $0xffff;
	[tilespmem:v1+s12+$0x120 ss:$0x1] =	vst.idx.msk $0xffff, v6  }
0x1a6: {  	v4 =	vmax.f32 v4, $0.0e+00;
	v6 =	vld.idx.msk [tilespmem:v2+s12+$0x1B0 ss:$0x1], $0xffff  }
0x1a7: {  	v3 =	vadd.f32 v3, v5;
	[tilespmem:v1+s12+$0xFFFFFE30 ss:$0x1] =	vst.idx.msk $0xffff, v4;
	v4 =	vld.idx.msk [tilespmem:v1+s12+$0x30 ss:$0x1], $0xffff  }
0x1a8: {  	v5 =	vadd.f32 v10, v8;
	v8 =	vld.idx.msk [tilespmem:v2+s12+$0x230 ss:$0x1], $0xffff  }
0x1a9: {  	v3 =	vmax.f32 v3, $0.0e+00;
	v10 =	vld.idx.msk [tilespmem:v1+s12+$0xB0 ss:$0x1], $0xffff  }
0x1aa: {  	v5 =	vmax.f32 v5, $0.0e+00;
	v7 =	vadd.f32 v7, v11;
	v11 =	vld.idx.msk [tilespmem:v2+s12+$0x2B0 ss:$0x1], $0xffff;
	[tilespmem:v1+s12+$0x1D0 ss:$0x1] =	vst.idx.msk $0xffff, v3  }
0x1ab: {  	[tilespmem:v1+s12+$0xFFFFFEB0 ss:$0x1] =	vst.idx.msk $0xffff, v5;
	v3 =	vld.idx.msk [tilespmem:v1+s12+$0x1E0 ss:$0x1], $0xffff  }
0x1ac: {  	v5 =	vmax.f32 v7, $0.0e+00;
	v6 =	vadd.f32 v6, v9;
	v7 =	vld.idx.msk [tilespmem:v2+s12+$0x3E0 ss:$0x1], $0xffff  }
0x1ad: {  	[tilespmem:v1+s12+$0xFFFFFF30 ss:$0x1] =	vst.idx.msk $0xffff, v5;
	v5 =	vld.idx.msk [tilespmem:v1+s12+$0x130 ss:$0x1], $0xffff  }
0x1ae: {  	v6 =	vmax.f32 v6, $0.0e+00;
	v4 =	vadd.f32 v8, v4;
	v8 =	vld.idx.msk [tilespmem:v2+s12+$0x330 ss:$0x1], $0xffff  }
0x1af: {  	v9 =	vld.idx.msk [tilespmem:v1+s12+$0xFFFFFE40 ss:$0x1], $0xffff;
	[tilespmem:v1+s12+$0xFFFFFFB0 ss:$0x1] =	vst.idx.msk $0xffff, v6  }
0x1b0: {  	v4 =	vmax.f32 v4, $0.0e+00;
	v10 =	vadd.f32 v11, v10;
	v6 =	vld.idx.msk [tilespmem:v2+s12+$0x40 ss:$0x1], $0xffff  }
0x1b1: {  	v11 =	vld.idx.msk [tilespmem:v1+s12+$0xFFFFFEC0 ss:$0x1], $0xffff;
	[tilespmem:v1+s12+$0x30 ss:$0x1] =	vst.idx.msk $0xffff, v4  }
0x1b2: {  	v10 =	vmax.f32 v10, $0.0e+00;
	v3 =	vadd.f32 v7, v3;
	v4 =	vld.idx.msk [tilespmem:v2+s12+$0xC0 ss:$0x1], $0xffff  }
0x1b3: {  	v7 =	vld.idx.msk [tilespmem:v1+s12+$0xFFFFFF40 ss:$0x1], $0xffff;
	[tilespmem:v1+s12+$0xB0 ss:$0x1] =	vst.idx.msk $0xffff, v10  }
0x1b4: {  	v5 =	vadd.f32 v8, v5;
	v3 =	vmax.f32 v3, $0.0e+00;
	v10 =	vld.idx.msk [tilespmem:v2+s12+$0x140 ss:$0x1], $0xffff  }
0x1b5: {  	v8 =	vld.idx.msk [tilespmem:v1+s12+$0xFFFFFFC0 ss:$0x1], $0xffff;
	[tilespmem:v1+s12+$0x1E0 ss:$0x1] =	vst.idx.msk $0xffff, v3  }
0x1b6: {  	v3 =	vadd.f32 v6, v9;
	v5 =	vmax.f32 v5, $0.0e+00;
	v6 =	vld.idx.msk [tilespmem:v1+s12+$0x1F0 ss:$0x1], $0xffff  }
0x1b7: {  	[tilespmem:v1+s12+$0x130 ss:$0x1] =	vst.idx.msk $0xffff, v5;
	v5 =	vld.idx.msk [tilespmem:v2+s12+$0x3F0 ss:$0x1], $0xffff  }
0x1b8: {  	v3 =	vmax.f32 v3, $0.0e+00;
	v4 =	vadd.f32 v4, v11;
	v9 =	vld.idx.msk [tilespmem:v2+s12+$0x1C0 ss:$0x1], $0xffff  }
0x1b9: {  	[tilespmem:v1+s12+$0xFFFFFE40 ss:$0x1] =	vst.idx.msk $0xffff, v3;
	v3 =	vld.idx.msk [tilespmem:v1+s12+$0x40 ss:$0x1], $0xffff  }
0x1ba: {  	v4 =	vmax.f32 v4, $0.0e+00;
	v7 =	vadd.f32 v10, v7;
	v10 =	vld.idx.msk [tilespmem:v2+s12+$0x240 ss:$0x1], $0xffff  }
0x1bb: {  	[tilespmem:v1+s12+$0xFFFFFEC0 ss:$0x1] =	vst.idx.msk $0xffff, v4;
	v4 =	vld.idx.msk [tilespmem:v1+s12+$0xC0 ss:$0x1], $0xffff  }
0x1bc: {  	v7 =	vmax.f32 v7, $0.0e+00;
	v11 =	vld.idx.msk [tilespmem:v2+s12+$0x2C0 ss:$0x1], $0xffff  }
0x1bd: {  	v5 =	vadd.f32 v5, v6;
	[tilespmem:v1+s12+$0xFFFFFF40 ss:$0x1] =	vst.idx.msk $0xffff, v7;
	v7 =	vld.idx.msk [tilespmem:v1+s12+$0x140 ss:$0x1], $0xffff  }
0x1be: {  	v6 =	vadd.f32 v9, v8;
	v8 =	vld.idx.msk [tilespmem:v2+s12+$0x340 ss:$0x1], $0xffff  }
0x1bf: {  	v5 =	vmax.f32 v5, $0.0e+00;
	v9 =	vld.idx.msk [tilespmem:v1+s12+$0xFFFFFE50 ss:$0x1], $0xffff  }
0x1c0: {  	v6 =	vmax.f32 v6, $0.0e+00;
	v3 =	vadd.f32 v10, v3;
	v12 =	vld.idx.msk [tilespmem:v2+s12+$0x50 ss:$0x1], $0xffff;
	[tilespmem:v1+s12+$0x1F0 ss:$0x1] =	vst.idx.msk $0xffff, v5  }
0x1c1: {  	v5 =	vld.idx.msk [tilespmem:v1+s12+$0xFFFFFED0 ss:$0x1], $0xffff;
	[tilespmem:v1+s12+$0xFFFFFFC0 ss:$0x1] =	vst.idx.msk $0xffff, v6  }
0x1c2: {  	v3 =	vmax.f32 v3, $0.0e+00;
	v4 =	vadd.f32 v11, v4;
	v6 =	vld.idx.msk [tilespmem:v2+s12+$0xD0 ss:$0x1], $0xffff  }
0x1c3: {  	v10 =	vld.idx.msk [tilespmem:v1+s12+$0xFFFFFF50 ss:$0x1], $0xffff;
	[tilespmem:v1+s12+$0x40 ss:$0x1] =	vst.idx.msk $0xffff, v3  }
0x1c4: {  	v4 =	vmax.f32 v4, $0.0e+00;
	v7 =	vadd.f32 v8, v7;
	v3 =	vld.idx.msk [tilespmem:v2+s12+$0x150 ss:$0x1], $0xffff  }
0x1c5: {  	v8 =	vld.idx.msk [tilespmem:v1+s12+$0xFFFFFFD0 ss:$0x1], $0xffff;
	[tilespmem:v1+s12+$0xC0 ss:$0x1] =	vst.idx.msk $0xffff, v4  }
0x1c6: {  	v4 =	vadd.f32 v12, v9;
	v7 =	vmax.f32 v7, $0.0e+00;
	v9 =	vld.idx.msk [tilespmem:v2+s12+$0x1D0 ss:$0x1], $0xffff  }
0x1c7: {  	v11 =	vld.idx.msk [tilespmem:v1+s12+$0x50 ss:$0x1], $0xffff;
	[tilespmem:v1+s12+$0x140 ss:$0x1] =	vst.idx.msk $0xffff, v7  }
0x1c8: {  	v4 =	vmax.f32 v4, $0.0e+00;
	v5 =	vadd.f32 v6, v5;
	v6 =	vld.idx.msk [tilespmem:v2+s12+$0x250 ss:$0x1], $0xffff  }
0x1c9: {  	[tilespmem:v1+s12+$0xFFFFFE50 ss:$0x1] =	vst.idx.msk $0xffff, v4;
	v4 =	vld.idx.msk [tilespmem:v1+s12+$0xD0 ss:$0x1], $0xffff  }
0x1ca: {  	v5 =	vmax.f32 v5, $0.0e+00;
	v3 =	vadd.f32 v3, v10;
	v7 =	vld.idx.msk [tilespmem:v2+s12+$0x2D0 ss:$0x1], $0xffff  }
0x1cb: {  	[tilespmem:v1+s12+$0xFFFFFED0 ss:$0x1] =	vst.idx.msk $0xffff, v5;
	v5 =	vld.idx.msk [tilespmem:v1+s12+$0x150 ss:$0x1], $0xffff  }
0x1cc: {  	v3 =	vmax.f32 v3, $0.0e+00;
	v8 =	vadd.f32 v9, v8;
	v9 =	vld.idx.msk [tilespmem:v2+s12+$0x350 ss:$0x1], $0xffff  }
0x1cd: {  	v10 =	vld.idx.msk [tilespmem:v1+s12+$0xFFFFFE60 ss:$0x1], $0xffff;
	[tilespmem:v1+s12+$0xFFFFFF50 ss:$0x1] =	vst.idx.msk $0xffff, v3  }
0x1ce: {  	v8 =	vmax.f32 v8, $0.0e+00;
	v6 =	vadd.f32 v6, v11;
	v3 =	vld.idx.msk [tilespmem:v2+s12+$0x60 ss:$0x1], $0xffff  }
0x1cf: {  	v11 =	vld.idx.msk [tilespmem:v1+s12+$0xFFFFFEE0 ss:$0x1], $0xffff;
	[tilespmem:v1+s12+$0xFFFFFFD0 ss:$0x1] =	vst.idx.msk $0xffff, v8  }
0x1d0: {  	v6 =	vmax.f32 v6, $0.0e+00;
	v4 =	vadd.f32 v7, v4;
	v8 =	vld.idx.msk [tilespmem:v2+s12+$0xE0 ss:$0x1], $0xffff  }
0x1d1: {  	v7 =	vld.idx.msk [tilespmem:v1+s12+$0xFFFFFF60 ss:$0x1], $0xffff;
	[tilespmem:v1+s12+$0x50 ss:$0x1] =	vst.idx.msk $0xffff, v6  }
0x1d2: {  	v4 =	vmax.f32 v4, $0.0e+00;
	v5 =	vadd.f32 v9, v5;
	v6 =	vld.idx.msk [tilespmem:v2+s12+$0x160 ss:$0x1], $0xffff  }
0x1d3: {  	v9 =	vld.idx.msk [tilespmem:v1+s12+$0xFFFFFFE0 ss:$0x1], $0xffff;
	[tilespmem:v1+s12+$0xD0 ss:$0x1] =	vst.idx.msk $0xffff, v4  }
0x1d4: {  	v3 =	vadd.f32 v3, v10;
	v5 =	vmax.f32 v5, $0.0e+00;
	v4 =	vld.idx.msk [tilespmem:v2+s12+$0x1E0 ss:$0x1], $0xffff  }
0x1d5: {  	v10 =	vld.idx.msk [tilespmem:v1+s12+$0x60 ss:$0x1], $0xffff;
	[tilespmem:v1+s12+$0x150 ss:$0x1] =	vst.idx.msk $0xffff, v5  }
0x1d6: {  	v3 =	vmax.f32 v3, $0.0e+00;
	v5 =	vadd.f32 v8, v11;
	v8 =	vld.idx.msk [tilespmem:v2+s12+$0x260 ss:$0x1], $0xffff  }
0x1d7: {  	[tilespmem:v1+s12+$0xFFFFFE60 ss:$0x1] =	vst.idx.msk $0xffff, v3;
	v3 =	vld.idx.msk [tilespmem:v1+s12+$0xE0 ss:$0x1], $0xffff  }
0x1d8: {  	v5 =	vmax.f32 v5, $0.0e+00;
	v6 =	vadd.f32 v6, v7;
	v7 =	vld.idx.msk [tilespmem:v2+s12+$0x2E0 ss:$0x1], $0xffff  }
0x1d9: {  	[tilespmem:v1+s12+$0xFFFFFEE0 ss:$0x1] =	vst.idx.msk $0xffff, v5;
	v5 =	vld.idx.msk [tilespmem:v1+s12+$0x160 ss:$0x1], $0xffff  }
0x1da: {  	v6 =	vmax.f32 v6, $0.0e+00;
	v4 =	vadd.f32 v4, v9;
	v9 =	vld.idx.msk [tilespmem:v2+s12+$0x360 ss:$0x1], $0xffff  }
0x1db: {  	v11 =	vld.idx.msk [tilespmem:v1+s12+$0xFFFFFE70 ss:$0x1], $0xffff;
	[tilespmem:v1+s12+$0xFFFFFF60 ss:$0x1] =	vst.idx.msk $0xffff, v6  }
0x1dc: {  	v4 =	vmax.f32 v4, $0.0e+00;
	v8 =	vadd.f32 v8, v10;
	v6 =	vld.idx.msk [tilespmem:v2+s12+$0x70 ss:$0x1], $0xffff  }
0x1dd: {  	v10 =	vld.idx.msk [tilespmem:v1+s12+$0xFFFFFEF0 ss:$0x1], $0xffff;
	[tilespmem:v1+s12+$0xFFFFFFE0 ss:$0x1] =	vst.idx.msk $0xffff, v4  }
0x1de: {  	v4 =	vmax.f32 v8, $0.0e+00;
	v3 =	vadd.f32 v7, v3;
	v12 =	vld.idx.msk [tilespmem:v2+s12+$0xF0 ss:$0x1], $0xffff  }
0x1df: {  	v8 =	vld.idx.msk [tilespmem:v1+s12+$0xFFFFFF70 ss:$0x1], $0xffff;
	[tilespmem:v1+s12+$0x60 ss:$0x1] =	vst.idx.msk $0xffff, v4  }
0x1e0: {  	v4 =	vmax.f32 v3, $0.0e+00;
	v7 =	vadd.f32 v9, v5;
	v13 =	vld.idx.msk [tilespmem:v2+s12+$0x170 ss:$0x1], $0xffff  }
0x1e1: {  	v3 =	vld.idx.msk [tilespmem:v1+s12+$0xFFFFFFF0 ss:$0x1], $0xffff;
	[tilespmem:v1+s12+$0xE0 ss:$0x1] =	vst.idx.msk $0xffff, v4  }
0x1e2: {  	v6 =	vadd.f32 v6, v11;
	v7 =	vmax.f32 v7, $0.0e+00;
	v5 =	vld.idx.msk [tilespmem:v2+s12+$0x1F0 ss:$0x1], $0xffff  }
.Ltmp1:
0x1e3: {  	v4 =	vld.idx.msk [tilespmem:v1+s12+$0x70 ss:$0x1], $0xffff;
	[tilespmem:v1+s12+$0x160 ss:$0x1] =	vst.idx.msk $0xffff, v7;
	(pc) =	sbr.rel @p4 .LBB2_5-.Ltmp1, $4  }
0x1e4: {  	v6 =	vmax.f32 v6, $0.0e+00;
	v9 =	vadd.f32 v12, v10;
	v7 =	vld.idx.msk [tilespmem:v2+s12+$0x270 ss:$0x1], $0xffff  }
0x1e5: {  	[tilespmem:v1+s12+$0xFFFFFE70 ss:$0x1] =	vst.idx.msk $0xffff, v6;
	v6 =	vld.idx.msk [tilespmem:v1+s12+$0xF0 ss:$0x1], $0xffff  }
0x1e6: {  	v11 =	vmax.f32 v9, $0.0e+00;
	v10 =	vadd.f32 v13, v8;
	v9 =	vld.idx.msk [tilespmem:v2+s12+$0x2F0 ss:$0x1], $0xffff  }
0x1e7: {  	s30 =	sadd.s32 $0x1000, s30;
	[tilespmem:v1+s12+$0xFFFFFEF0 ss:$0x1] =	vst.idx.msk $0xffff, v11;
	v8 =	vld.idx.msk [tilespmem:v1+s12+$0x170 ss:$0x1], $0xffff  }
0x1e8: {  	_ =	sdelay $0x3  }
0x1e9: {  	v2 =	vld.idx.msk [tilespmem:v2+s12+$0x370 ss:$0x1], $0xffff;
	_ =	sdelay $0x1  }
0x1ea: {  	v3 =	vadd.f32 v5, v3  }
0x1eb: {  	v62 =	vmax.f32 v10, $0.0e+00;
	s11 =	sadd.s32 $0x1, s11;
	v4 =	vadd.f32 v7, v4  }
0x1ec: {  	[tilespmem:v1+s12+$0xFFFFFF70 ss:$0x1] =	vst.idx.msk $0xffff, v62;
	p4 =	sne.s32 s11, $0xFA;
	v3 =	vmax.f32 v3, $0.0e+00;
	v63 =	vadd.f32 v9, v6  }
.Ltmp2:
0x1ed: {  	[tilespmem:v1+s12+$0xFFFFFFF0 ss:$0x1] =	vst.idx.msk $0xffff, v3;
	v3 =	vmax.f32 v4, $0.0e+00;
	v2 =	vadd.f32 v2, v8;
	(pc) =	sbr.rel @p4 .LBB2_4-.Ltmp2, $4  }
0x1ee: {  	[tilespmem:v1+s12+$0x70 ss:$0x1] =	vst.idx.msk $0xffff, v3;
	v3 =	vmax.f32 v63, $0.0e+00  }
0x1ef: {  	[tilespmem:v1+s12+$0xF0 ss:$0x1] =	vst.idx.msk $0xffff, v3;
	v2 =	vmax.f32 v2, $0.0e+00  }
0x1f0: {  	s0 =	sor.u32 $0x8, s25;
	s24 =	sadd.s32 $0x1400, s24;
	s23 =	sadd.s32 $0x1, s23;
	[tilespmem:v1+s12+$0x170 ss:$0x1] =	vst.idx.msk $0xffff, v2  }
0x1f1: {  	[spmem:s4] =	stream.indirect.scatter.add.f32 [tilespmem:s28], [sflag:s0], $0x80, s26, s16, $0xb8;
	[tilespmem:$0x1F580] =	vst v63  }
0x1f2: {  	_ =	swait.ge [sflag:s18], $0x1400  }
0x1f3: {  	[sflag:s18] =	ssyncset.done $0x0  }
0x1f4: {  	[sflag:s18] =	ssyncadd.s32 $0xFFFFEC00  }
0x1f5: {  	_ =	swait.ge [sflag:s19], $0x1400  }
0x1f6: {  	[sflag:s19] =	ssyncset.done $0x0  }
0x1f7: {  	[sflag:s19] =	ssyncadd.s32 $0xFFFFEC00  }
0x1f8: {  	_ =	swait.ge [sflag:s20], $0x1400  }
0x1f9: {  	[sflag:s20] =	ssyncset.done $0x0  }
0x1fa: {  	[sflag:s20] =	ssyncadd.s32 $0xFFFFEC00  }
0x1fb: {  	_ =	swait.ge [sflag:s21], $0x1400  }
0x1fc: {  	[sflag:s21] =	ssyncset.done $0x0  }
0x1fd: {  	[sflag:s21] =	ssyncadd.s32 $0xFFFFEC00  }
0x1fe: {  	[bflag:$0x0] =	sbarrier.arrive $0xFFFF  }
0x1ff: {  	s0 =	sshrl.u32 @!p0 s13, $0x3;
	s5 =	simm.s32 @!p0 $0x1FD1;
	s11 =	rddreg [dreg:$0x11]  }
0x200: {  	[hbm:s11], [sflag:s5] =	dma.local @!p0 [spmem:s0], $0x1900  }
0x201: {  	s0 =	simm.s32 @!p0 $0x11  }
0x202: {  	_ =	swait.ge @!p0 [sflag:s0], $0x1900  }
0x203: {  	s5 =	sshll.u32 @!p1 s1, $0x6;
	[sflag:s0] =	ssyncset.done @!p0 $0x0;
	s11 =	rddreg [dreg:$0x10]  }
0x204: {  	[sflag:s0] =	ssyncadd.s32 @!p0 $0xFFFFE700;
	s0 =	sor.u32 @!p1 $0x1C11, s5;
	s5 =	sshrl.u32 @!p1 s13, $0x3  }
0x205: {  	[hbm:s11], [sflag:s0] =	dma.local @!p1 [spmem:s5], $0x2800  }
0x206: {  	s0 =	simm.s32 @!p1 $0x11  }
0x207: {  	_ =	swait.ge @!p1 [sflag:s0], $0x2800  }
0x208: {  	s5 =	simm.s32 @!p2 $0x1FD1;
	[sflag:s0] =	ssyncset.done @!p1 $0x0  }
0x209: {  	s11 =	rddreg [dreg:$0x13];
	[sflag:s0] =	ssyncadd.s32 @!p1 $0xFFFFD800;
	s0 =	sshrl.u32 @!p2 s13, $0x3  }
0x20a: {  	[hbm:s11], [sflag:s5] =	dma.local @!p2 [spmem:s0], $0x1900  }
0x20b: {  	s0 =	simm.s32 @!p2 $0x11  }
0x20c: {  	_ =	swait.ge @!p2 [sflag:s0], $0x1900  }
0x20d: {  	s5 =	sshll.u32 @!p3 s1, $0x6;
	[sflag:s0] =	ssyncset.done @!p2 $0x0;
	s11 =	rddreg [dreg:$0x12]  }
0x20e: {  	[sflag:s0] =	ssyncadd.s32 @!p2 $0xFFFFE700;
	s0 =	sor.u32 @!p3 $0x1C11, s5;
	s5 =	sshrl.u32 @!p3 s13, $0x3  }
0x20f: {  	[hbm:s11], [sflag:s0] =	dma.local @!p3 [spmem:s5], $0x2800  }
0x210: {  	s0 =	simm.s32 @!p3 $0x11  }
0x211: {  	_ =	swait.ge @!p3 [sflag:s0], $0x2800  }
0x212: {  	s22 =	sadd.s32 $0x1, s22;
	s31 =	rddreg [dreg:$0x14]  }
0x213: {  	p4 =	sne.s32 s22, s31  }
.Ltmp3:
0x214: {  	_ = 	snop;
	(pc) =	sbr.rel @p4 .LBB2_1-.Ltmp3, $3  }
0x215: {  	_ =	sdelay $0x1  }
0x216: {  	[sflag:s0] =	ssyncset.done @!p3 $0x0  }
0x217: {  	s23 =	simm.s32 $0x14000;
	[sflag:s0] =	ssyncadd.s32 @!p3 $0xFFFFD800  }
0x218: {  	_ =	sfence.sel $0x180000  }
0x219: {  	[bflag:$0x0] =	sbarrier.arrive $0xFFFF  }
0x21a: {  	_ =	strace $0x90000047  }
0x21b: {  	[bflag:$0x2] =	sbarrier.arrive $0xFFFF  }
0x21c: {  	p0 =	sne.s32 s1, $0x0;
	s0 =	rddreg [dreg:$0x4]  }
0x21d: {  	s0 =	sadd.s32 @!p0 $0x100000, s0  }
0x21e: {  	[sflag:s0] =	ssyncadd.tile.s32 @!p0 $0x1;
	_ =	shalt  }
.Lfunc_end2:
_tile_overlayer_lowered:
.L_overlay_start_2:
0x21f: {  	(tag) =	ssettag $0x2  }
0x220: {  	s0 =	rddreg [dreg:$0x0];
	s2 =	stileid.u32  }
0x221: {  	s1 =	rddreg [dreg:$0x1];
	p0 =	sne.s32 s2, $0x0  }
0x222: {  	s3 =	rddreg [dreg:$0x2];
	[bflag:$0x3] =	sbarrier.arrive $0xFFFF;
	s2 =	simm.s32 @!p0 $0x1C11  }
0x223: {  	[timem:s3], [sflag:s2] =	dma.local @!p0 [hbm:s0], s1  }
0x224: {  	s0 =	simm.s32 @!p0 $0x11  }
0x225: {  	_ =	swait.ge @!p0 [sflag:s0], s1  }
0x226: {  	s1 =	ssub.s32 @!p0 $0x0, s1;
	[sflag:s0] =	ssyncset.done @!p0 $0x0  }
0x227: {  	[sflag:s0] =	ssyncadd.s32 @!p0 s1  }
0x228: {  	[bflag:$0x3] =	sbarrier.arrive $0xFFFF  }
0x229: {  	_ =	shalt  }

</sc_bundles>
